<compile_context>
chip_gen: v7x
topology: tpu7x:2x2x1
jax: 0.10.2.dev20260603
libtpu: 0.0.44.dev20260713+nightly
codegen_flags: <defaults>
</compile_context>

<pallas_src>
from functools import partial

import numpy as np
import jax
import jax.numpy as jnp
from jax.experimental import pallas as pl
from jax.experimental.pallas import tpu as pltpu
from jax.experimental.pallas import tpu_sc as plsc

_D_MODEL = 1024
_VALUE_RANGE = 4
_NUM_TRIPLES = 969
_TBL_ROWS = 976


def _pos_code_sum(k, d_model):
    positions = np.arange(k, dtype=np.float64)[:, None]
    i = np.arange(0, d_model, 2, dtype=np.float64)
    omega = 1.0 / (10000.0 ** (i / d_model))
    angles = positions * omega[None, :]
    codes = np.zeros((k, d_model), np.float64)
    codes[:, 0::2] = np.sin(angles)
    codes[:, 1::2] = np.cos(angles)
    return codes.sum(axis=0).astype(np.float32)


def _triple_columns(kmax):
    c1s, c2s, c3s = [], [], []
    for c3 in range(kmax + 1):
        for c2 in range(kmax + 1 - c3):
            for c1 in range(kmax + 1 - c3 - c2):
                c1s.append(c1)
                c2s.append(c2)
                c3s.append(c3)
    pad = _TBL_ROWS - len(c1s)
    for _ in range(pad):
        c1s.append(0)
        c2s.append(0)
        c3s.append(0)
    cols = lambda x: np.asarray(x, np.float32)[:, None]
    return cols(c1s), cols(c2s), cols(c3s)


def _stage_a(ch_ref, ve_ref, ps_ref, b_ref, mix_ref, w_ref,
             t1_ref, t2_ref, t3_ref, tbl_ref, idx_ref, *, k):
    d = ve_ref.shape[1]
    a = jnp.concatenate(
        [ve_ref[...], ps_ref[...], jnp.zeros((3, d), jnp.float32)], axis=0)
    raw = jax.lax.dot_general(a, w_ref[...], (((1,), (1,)), ((), ())),
                              preferred_element_type=jnp.float32)
    mix = mix_ref[0]
    base = mix * (raw[4:5] + b_ref[...] + float(k) * raw[0:1])
    deltas = mix * (raw[1:4] - raw[0:1])

    slab = 8
    bb = jnp.broadcast_to(base, (slab, d))
    b1 = jnp.broadcast_to(deltas[0:1], (slab, d))
    b2 = jnp.broadcast_to(deltas[1:2], (slab, d))
    b3 = jnp.broadcast_to(deltas[2:3], (slab, d))
    for i in range(_TBL_ROWS // slab):
        sl = pl.ds(i * slab, slab)
        tbl_ref[sl, :] = (bb + t1_ref[sl, :] * b1 + t2_ref[sl, :] * b2
                          + t3_ref[sl, :] * b3)

    ch = jnp.clip(ch_ref[...], 0, _VALUE_RANGE - 1)
    c1 = jnp.sum((ch == 1).astype(jnp.float32), axis=1, keepdims=True)
    c2 = jnp.sum((ch == 2).astype(jnp.float32), axis=1, keepdims=True)
    c3 = jnp.sum((ch == 3).astype(jnp.float32), axis=1, keepdims=True)
    m = c3
    fm = (153.0 * m - 8.75 * (m * (m - 1.0))
          + ((m - 1.0) * m * (2.0 * m - 1.0)) * (1.0 / 12.0))
    rank = fm + c2 * (17.0 - c3) - 0.5 * (c2 * (c2 - 1.0)) + c1
    seg = jax.lax.broadcasted_iota(jnp.int32, (rank.shape[0], 8), 1)
    idx_ref[...] = jnp.round(rank).astype(jnp.int32) * 8 + seg


def _sc_gather(table128, idx2d, n_idx):
    mesh = plsc.VectorSubcoreMesh(core_axis_name="c", subcore_axis_name="s")
    window = 128

    @partial(pl.kernel,
             out_type=jax.ShapeDtypeStruct((n_idx, 128), jnp.float32),
             mesh=mesh)
    def gather_kernel(tbl_hbm, i_hbm, o_hbm):
        def body(i_vmem, o_vmem):
            pltpu.sync_copy(tbl_hbm.at[i_vmem.at[0]], o_vmem)

        pltpu.emit_pipeline(
            body,
            grid=(n_idx // window,),
            in_specs=[pl.BlockSpec((1, window), lambda i: (0, i))],
            out_specs=[pl.BlockSpec((window, 128), lambda i: (i, 0))],
            core_axis_name=("c", "s"),
            dimension_semantics=(pltpu.PARALLEL,),
        )(i_hbm, o_hbm)

    return gather_kernel(table128, idx2d)


def kernel(channels, value_emb, read_W, read_b, mix):
    B, L, K = channels.shape
    N = B * L
    ch2d = channels.reshape(N, K)
    pos_sum = jnp.asarray(_pos_code_sum(K, _D_MODEL))[None, :]
    b2d = read_b[None, :]
    mix1 = jnp.asarray(mix, jnp.float32).reshape(1)
    t1, t2, t3 = (jnp.asarray(x) for x in _triple_columns(K))

    whole = lambda: (0, 0)
    table, idx = pl.pallas_call(
        partial(_stage_a, k=K),
        in_specs=[pl.BlockSpec((N, K), whole),
                  pl.BlockSpec((_VALUE_RANGE, _D_MODEL), whole),
                  pl.BlockSpec((1, _D_MODEL), whole),
                  pl.BlockSpec((1, _D_MODEL), whole),
                  pl.BlockSpec(memory_space=pltpu.SMEM),
                  pl.BlockSpec((_D_MODEL, _D_MODEL), whole),
                  pl.BlockSpec((_TBL_ROWS, 1), whole),
                  pl.BlockSpec((_TBL_ROWS, 1), whole),
                  pl.BlockSpec((_TBL_ROWS, 1), whole)],
        out_specs=[pl.BlockSpec((_TBL_ROWS, _D_MODEL), whole),
                   pl.BlockSpec((N, 8), whole)],
        out_shape=[jax.ShapeDtypeStruct((_TBL_ROWS, _D_MODEL), jnp.float32),
                   jax.ShapeDtypeStruct((N, 8), jnp.int32)],
    )(ch2d, value_emb, pos_sum, b2d, mix1, read_W, t1, t2, t3)

    segs = _D_MODEL // 128
    out128 = _sc_gather(table.reshape(_TBL_ROWS * segs, 128),
                        idx.reshape(1, N * segs), N * segs)
    return out128.reshape(B, L, _D_MODEL)

# --- scband reference (transcript-rebuilt; emitter-appended) ---
"""Pipeline reference for scband-multi-channel-state-feedback-82832739270885 (READ-ONLY COPY).

The authoritative reference and input builder live on the scoring server;
editing this copy changes nothing except your own understanding.
"""

import jax, jax.numpy as jnp
import numpy as np

D_MODEL = 1024
VALUE_RANGE = 4
B, L, K = 4, 2048, 16


def _channel_pos_codes(K, d_model):
    positions = jnp.arange(K, dtype=jnp.float32)[:, None]
    i = jnp.arange(0, d_model, 2, dtype=jnp.float32)
    omega = 1.0 / (10000.0 ** (i / d_model))
    angles = positions * omega[None, :]
    codes = jnp.zeros((K, d_model), dtype=jnp.float32)
    codes = codes.at[:, 0::2].set(jnp.sin(angles))
    codes = codes.at[:, 1::2].set(jnp.cos(angles))
    return codes


def setup_inputs(seed: int = 0) -> dict:
    key = jax.random.key(seed)
    k1, k2, k3 = jax.random.split(key, 3)
    channels = jax.random.randint(k1, (B, L, K), 0, 4, dtype=jnp.int32)
    value_emb = jax.random.normal(k2, (VALUE_RANGE, D_MODEL), dtype=jnp.float32) * 0.02
    read_W = jax.random.normal(k3, (D_MODEL, D_MODEL), dtype=jnp.float32) * 0.01
    read_b = jnp.zeros((D_MODEL,), dtype=jnp.float32)
    mix = jnp.asarray(0.1, dtype=jnp.float32)
    return {"channels": channels, "value_emb": value_emb, "read_W": read_W, "read_b": read_b, "mix": mix}


def reference(channels, value_emb, read_W, read_b, mix):
    Bc, Lc, Kc = channels.shape
    clamped = jnp.clip(channels, 0, VALUE_RANGE - 1)
    val_emb = jnp.take(value_emb, clamped, axis=0)  # (B, L, K, d_model) gather
    ch_pos = _channel_pos_codes(Kc, D_MODEL)
    combined = val_emb + ch_pos[None, None, :, :]
    feedback = combined.sum(axis=2)  # (B, L, d_model)
    out = mix * (feedback @ read_W.T + read_b)
    return out

if __name__ == "__main__":
    import jax
    _d = setup_inputs()
    print(jax.jit(kernel)(*tuple(_d.values())))

</pallas_src>

<mosaic_0001>
#map = affine_map<(d0, d1) -> (0, 0)>
module attributes {stable_mosaic.version = 14 : i64} {
  func.func @gather_kernel(%arg0: i32, %arg1: i32, %arg2: memref<7808x128xf32, #tpu.memory_space<hbm>>, %arg3: memref<1x65536xi32, #tpu.memory_space<hbm>>, %arg4: memref<65536x128xf32, #tpu.memory_space<hbm>>) attributes {dimension_semantics = [#tpu.dimension_semantics<core_parallel>, #tpu.dimension_semantics<subcore_parallel>], iteration_bounds = array<i64: 2, 16>, scalar_prefetch = 0 : i64, scratch_operands = 0 : i64, tpu.core_type = #tpu.core_type<sc_vector_subcore>, window_params = [{transform_indices = #map}, {transform_indices = #map}, {transform_indices = #map}]} {
    %mul3A = arith.constant 1 : i32
    %mul3A_0 = arith.muli %arg1, %mul3A : i32
    %add3A = arith.constant 0 : i32
    %add3A_1 = arith.addi %add3A, %mul3A_0 : i32
    %mul3A_2 = arith.constant 16 : i32
    %mul3A_3 = arith.muli %arg0, %mul3A_2 : i32
    %add3A_4 = arith.addi %add3A_1, %mul3A_3 : i32
    %mul3A_5 = arith.constant 16 : i32
    %mul3A_6 = arith.muli %add3A_4, %mul3A_5 : i32
    "tpu.region"() ({
      %run_scoped3A = memref.alloca() : memref<2x1x128xi32, #tpu.memory_space<vmem>>
      %run_scoped3A_7 = tpu.sem_alloc : memref<2x!tpu.dma_semaphore, #tpu.memory_space<semaphore_mem>>
      %run_scoped3A_8 = memref.alloca() : memref<2x128x128xf32, #tpu.memory_space<vmem>>
      %run_scoped3A_9 = tpu.sem_alloc : memref<2x!tpu.dma_semaphore, #tpu.memory_space<semaphore_mem>>
      %add3A_10 = arith.constant 0 : i32
      %add3A_11 = arith.addi %add3A_10, %mul3A_6 : i32
      %select_n3A = arith.constant true
      %select_n3A_12 = arith.constant 0 : i32
      %select_n3A_13 = arith.constant -1 : i32
      %select_n3A_14 = arith.select %select_n3A, %select_n3A_13, %select_n3A_12 : i32
      %eq3A = arith.constant -1 : i32
      %eq3A_15 = arith.cmpi eq, %select_n3A_14, %eq3A : i32
      %select_n3A_16 = arith.constant 15 : i32
      %select_n3A_17 = arith.select %eq3A_15, %select_n3A_16, %select_n3A_14 : i32
      %add3A_18 = arith.addi %select_n3A_17, %mul3A_6 : i32
      %select_n3A_19 = arith.constant true
      %select_n3A_20 = arith.constant 0 : i32
      %select_n3A_21 = arith.constant 1 : i32
      %select_n3A_22 = arith.select %select_n3A_19, %select_n3A_21, %select_n3A_20 : i32
      %eq3A_23 = arith.constant 16 : i32
      %eq3A_24 = arith.cmpi eq, %select_n3A_22, %eq3A_23 : i32
      %select_n3A_25 = arith.constant 0 : i32
      %select_n3A_26 = arith.select %eq3A_24, %select_n3A_25, %select_n3A_22 : i32
      %add3A_27 = arith.addi %select_n3A_26, %mul3A_6 : i32
      %add3A_28 = arith.constant 1 : i32
      %add3A_29 = arith.addi %select_n3A_26, %add3A_28 : i32
      %select_n3A_30 = arith.constant true
      %select_n3A_31 = arith.select %select_n3A_30, %add3A_29, %select_n3A_26 : i32
      %eq3A_32 = arith.constant 16 : i32
      %eq3A_33 = arith.cmpi eq, %select_n3A_31, %eq3A_32 : i32
      %select_n3A_34 = arith.constant 0 : i32
      %select_n3A_35 = arith.select %eq3A_33, %select_n3A_34, %select_n3A_31 : i32
      %add3A_36 = arith.addi %select_n3A_35, %mul3A_6 : i32
      "tpu.trace_start"() <{level = 10 : i32, message = "ep_initialize_0"}> : () -> ()
      %rem3A = arith.constant 0 : i32
      %rem3A_37 = arith.constant 2 : i32
      %rem3A_38 = arith.remui %rem3A, %rem3A_37 : i32
      %mul3A_39 = arith.constant 128 : i32
      %mul3A_40 = arith.muli %mul3A_39, %add3A_11 : i32
      %dma_start3A = arith.constant 0 : i32
      %dma_start3A_41 = arith.constant 0 : i32
      %dma_start3A_42 = tpu.memref_slice %run_scoped3A[%rem3A_38, %dma_start3A, %dma_start3A_41] : memref<2x1x128xi32, #tpu.memory_space<vmem>> -> memref<1x1x128xi32, #tpu.memory_space<vmem>>
      %dma_start3A_43 = tpu.memref_squeeze %dma_start3A_42 : memref<1x1x128xi32, #tpu.memory_space<vmem>> -> memref<1x128xi32, #tpu.memory_space<vmem>>
      %dma_start3A_44 = arith.constant 0 : i32
      %dma_start3A_45 = tpu.memref_slice %arg3[%dma_start3A_44, %mul3A_40] : memref<1x65536xi32, #tpu.memory_space<hbm>> -> memref<1x128xi32, #tpu.memory_space<hbm>>
      %dma_start3A_46 = tpu.memref_slice %run_scoped3A_7[%rem3A_38] : memref<2x!tpu.dma_semaphore, #tpu.memory_space<semaphore_mem>> -> memref<1x!tpu.dma_semaphore, #tpu.memory_space<semaphore_mem>>
      %dma_start3A_47 = tpu.memref_squeeze %dma_start3A_46 : memref<1x!tpu.dma_semaphore, #tpu.memory_space<semaphore_mem>> -> memref<!tpu.dma_semaphore, #tpu.memory_space<semaphore_mem>>
      %dma_start3A_48 = arith.constant 0 : i32
      %dma_start3A_49 = arith.constant 0 : i32
      %dma_start3A_50 = tpu.memref_slice %run_scoped3A[%rem3A_38, %dma_start3A_48, %dma_start3A_49] : memref<2x1x128xi32, #tpu.memory_space<vmem>> -> memref<1x1x128xi32, #tpu.memory_space<vmem>>
      %dma_start3A_51 = tpu.memref_squeeze %dma_start3A_50 : memref<1x1x128xi32, #tpu.memory_space<vmem>> -> memref<1x128xi32, #tpu.memory_space<vmem>>
      %dma_start3A_52 = arith.constant 0 : i32
      %dma_start3A_53 = tpu.memref_slice %arg3[%dma_start3A_52, %mul3A_40] : memref<1x65536xi32, #tpu.memory_space<hbm>> -> memref<1x128xi32, #tpu.memory_space<hbm>>
      tpu.enqueue_dma source(%dma_start3A_53 : memref<1x128xi32, #tpu.memory_space<hbm>>) target(%dma_start3A_51 : memref<1x128xi32, #tpu.memory_space<vmem>>) target_semaphore(%dma_start3A_47 : memref<!tpu.dma_semaphore, #tpu.memory_space<semaphore_mem>>)
      %add3A_54 = arith.constant 0 : i32
      %add3A_55 = arith.constant 1 : i32
      %add3A_56 = arith.addi %add3A_54, %add3A_55 : i32
      %select_n3A_57 = arith.constant true
      %select_n3A_58 = arith.constant 0 : i32
      %select_n3A_59 = arith.select %select_n3A_57, %add3A_56, %select_n3A_58 : i32
      "tpu.trace_stop"() : () -> ()
      %scan3A = arith.constant 0 : i32
      %scan3A_60 = arith.constant 0 : i32
      %scan3A_61 = arith.constant 0 : i32
      %scan3A_62 = arith.constant 0 : i32
      %scan3A_63 = arith.constant 0 : i32
      %scan3A_64 = arith.constant 16 : i32
      %scan3A_65 = arith.addi %scan3A_63, %scan3A_64 : i32
      %scan3A_66 = arith.constant 1 : i32
      %scan3A_67:5 = scf.for %scan3A_121 = %scan3A_63 to %scan3A_65 step %scan3A_66 iter_args(%scan3A_122 = %select_n3A_59, %scan3A_123 = %scan3A, %scan3A_124 = %scan3A_60, %scan3A_125 = %scan3A_61, %scan3A_126 = %scan3A_62) -> (i32, i32, i32, i32, i32)  : i32 {
        %eq3A_127 = arith.constant 0 : i32
        %eq3A_128 = arith.cmpi eq, %scan3A_121, %eq3A_127 : i32
        %eq3A_129 = arith.constant 15 : i32
        %eq3A_130 = arith.cmpi eq, %scan3A_121, %eq3A_129 : i32
        %add3A_131 = arith.addi %scan3A_126, %mul3A_6 : i32
        %sub3A_132 = arith.constant 1 : i32
        %sub3A_133 = arith.subi %scan3A_126, %sub3A_132 : i32
        %select_n3A_134 = arith.constant true
        %select_n3A_135 = arith.select %select_n3A_134, %sub3A_133, %scan3A_126 : i32
        %eq3A_136 = arith.constant -1 : i32
        %eq3A_137 = arith.cmpi eq, %select_n3A_135, %eq3A_136 : i32
        %select_n3A_138 = arith.constant 15 : i32
        %select_n3A_139 = arith.select %eq3A_137, %select_n3A_138, %select_n3A_135 : i32
        %add3A_140 = arith.addi %select_n3A_139, %mul3A_6 : i32
        %add3A_141 = arith.constant 1 : i32
        %add3A_142 = arith.addi %scan3A_126, %add3A_141 : i32
        %select_n3A_143 = arith.constant true
        %select_n3A_144 = arith.select %select_n3A_143, %add3A_142, %scan3A_126 : i32
        %eq3A_145 = arith.constant 16 : i32
        %eq3A_146 = arith.cmpi eq, %select_n3A_144, %eq3A_145 : i32
        %select_n3A_147 = arith.constant 0 : i32
        %select_n3A_148 = arith.select %eq3A_146, %select_n3A_147, %select_n3A_144 : i32
        %add3A_149 = arith.addi %select_n3A_148, %mul3A_6 : i32
        %add3A_150 = arith.constant 1 : i32
        %add3A_151 = arith.addi %select_n3A_148, %add3A_150 : i32
        %select_n3A_152 = arith.constant true
        %select_n3A_153 = arith.select %select_n3A_152, %add3A_151, %select_n3A_148 : i32
        %eq3A_154 = arith.constant 16 : i32
        %eq3A_155 = arith.cmpi eq, %select_n3A_153, %eq3A_154 : i32
        %select_n3A_156 = arith.constant 0 : i32
        %select_n3A_157 = arith.select %eq3A_155, %select_n3A_156, %select_n3A_153 : i32
        %add3A_158 = arith.addi %select_n3A_157, %mul3A_6 : i32
        %ne3A = arith.cmpi ne, %add3A_131, %add3A_149 : i32
        %or3A = arith.constant false
        %or3A_159 = arith.ori %or3A, %ne3A : i1
        %ge3A = arith.constant 15 : i32
        %ge3A_160 = arith.cmpi sge, %scan3A_121, %ge3A : i32
        %not3A = arith.constant true
        %not3A_161 = arith.xori %ge3A_160, %not3A : i1
        %and3A = arith.andi %or3A_159, %not3A_161 : i1
        %convert_element_type3A = arith.extui %and3A : i1 to i32
        %cond3A = arith.constant 0 : i32
        %cond3A_162 = arith.cmpi ne, %convert_element_type3A, %cond3A : i32
        scf.if %cond3A_162 {
          "tpu.trace_start"() <{level = 10 : i32, message = "ep_copy_in"}> : () -> ()
          %rem3A_264 = arith.constant 2 : i32
          %rem3A_265 = arith.remui %scan3A_122, %rem3A_264 : i32
          %mul3A_266 = arith.constant 128 : i32
          %mul3A_267 = arith.muli %mul3A_266, %add3A_149 : i32
          %dma_start3A_268 = arith.constant 0 : i32
          %dma_start3A_269 = arith.constant 0 : i32
          %dma_start3A_270 = tpu.memref_slice %run_scoped3A[%rem3A_265, %dma_start3A_268, %dma_start3A_269] : memref<2x1x128xi32, #tpu.memory_space<vmem>> -> memref<1x1x128xi32, #tpu.memory_space<vmem>>
          %dma_start3A_271 = tpu.memref_squeeze %dma_start3A_270 : memref<1x1x128xi32, #tpu.memory_space<vmem>> -> memref<1x128xi32, #tpu.memory_space<vmem>>
          %dma_start3A_272 = arith.constant 0 : i32
          %dma_start3A_273 = tpu.memref_slice %arg3[%dma_start3A_272, %mul3A_267] : memref<1x65536xi32, #tpu.memory_space<hbm>> -> memref<1x128xi32, #tpu.memory_space<hbm>>
          %dma_start3A_274 = tpu.memref_slice %run_scoped3A_7[%rem3A_265] : memref<2x!tpu.dma_semaphore, #tpu.memory_space<semaphore_mem>> -> memref<1x!tpu.dma_semaphore, #tpu.memory_space<semaphore_mem>>
          %dma_start3A_275 = tpu.memref_squeeze %dma_start3A_274 : memref<1x!tpu.dma_semaphore, #tpu.memory_space<semaphore_mem>> -> memref<!tpu.dma_semaphore, #tpu.memory_space<semaphore_mem>>
          %dma_start3A_276 = arith.constant 0 : i32
          %dma_start3A_277 = arith.constant 0 : i32
          %dma_start3A_278 = tpu.memref_slice %run_scoped3A[%rem3A_265, %dma_start3A_276, %dma_start3A_277] : memref<2x1x128xi32, #tpu.memory_space<vmem>> -> memref<1x1x128xi32, #tpu.memory_space<vmem>>
          %dma_start3A_279 = tpu.memref_squeeze %dma_start3A_278 : memref<1x1x128xi32, #tpu.memory_space<vmem>> -> memref<1x128xi32, #tpu.memory_space<vmem>>
          %dma_start3A_280 = arith.constant 0 : i32
          %dma_start3A_281 = tpu.memref_slice %arg3[%dma_start3A_280, %mul3A_267] : memref<1x65536xi32, #tpu.memory_space<hbm>> -> memref<1x128xi32, #tpu.memory_space<hbm>>
          tpu.enqueue_dma source(%dma_start3A_281 : memref<1x128xi32, #tpu.memory_space<hbm>>) target(%dma_start3A_279 : memref<1x128xi32, #tpu.memory_space<vmem>>) target_semaphore(%dma_start3A_275 : memref<!tpu.dma_semaphore, #tpu.memory_space<semaphore_mem>>)
          "tpu.trace_stop"() : () -> ()
        } else {
        }
        %and3A_163 = arith.constant true
        %and3A_164 = arith.andi %and3A, %and3A_163 : i1
        %add3A_165 = arith.constant 1 : i32
        %add3A_166 = arith.addi %scan3A_122, %add3A_165 : i32
        %select_n3A_167 = arith.select %and3A_164, %add3A_166, %scan3A_122 : i32
        %ne3A_168 = arith.cmpi ne, %add3A_131, %add3A_149 : i32
        %or3A_169 = arith.constant false
        %or3A_170 = arith.ori %or3A_169, %ne3A_168 : i1
        %or3A_171 = arith.constant false
        %or3A_172 = arith.ori %or3A_170, %or3A_171 : i1
        %ge3A_173 = arith.constant 15 : i32
        %ge3A_174 = arith.cmpi sge, %scan3A_121, %ge3A_173 : i32
        %not3A_175 = arith.constant true
        %not3A_176 = arith.xori %ge3A_174, %not3A_175 : i1
        %and3A_177 = arith.andi %or3A_172, %not3A_176 : i1
        %ne3A_178 = arith.cmpi ne, %add3A_131, %add3A_140 : i32
        %or3A_179 = arith.constant false
        %or3A_180 = arith.ori %or3A_179, %ne3A_178 : i1
        %or3A_181 = arith.ori %or3A_180, %eq3A_128 : i1
        %convert_element_type3A_182 = arith.extui %or3A_181 : i1 to i32
        %cond3A_183 = arith.constant 0 : i32
        %cond3A_184 = arith.cmpi ne, %convert_element_type3A_182, %cond3A_183 : i32
        scf.if %cond3A_184 {
          "tpu.trace_start"() <{level = 10 : i32, message = "ep_wait_in"}> : () -> ()
          %mul3A_264 = arith.constant 128 : i32
          %mul3A_265 = arith.muli %mul3A_264, %add3A_131 : i32
          %rem3A_266 = arith.constant 2 : i32
          %rem3A_267 = arith.remui %scan3A_123, %rem3A_266 : i32
          %dma_wait3A_268 = arith.constant 0 : i32
          %dma_wait3A_269 = arith.constant 0 : i32
          %dma_wait3A_270 = tpu.memref_slice %run_scoped3A[%rem3A_267, %dma_wait3A_268, %dma_wait3A_269] : memref<2x1x128xi32, #tpu.memory_space<vmem>> -> memref<1x1x128xi32, #tpu.memory_space<vmem>>
          %dma_wait3A_271 = tpu.memref_squeeze %dma_wait3A_270 : memref<1x1x128xi32, #tpu.memory_space<vmem>> -> memref<1x128xi32, #tpu.memory_space<vmem>>
          %dma_wait3A_272 = arith.constant 0 : i32
          %dma_wait3A_273 = tpu.memref_slice %arg3[%dma_wait3A_272, %mul3A_265] : memref<1x65536xi32, #tpu.memory_space<hbm>> -> memref<1x128xi32, #tpu.memory_space<hbm>>
          %dma_wait3A_274 = tpu.memref_slice %run_scoped3A_7[%rem3A_267] : memref<2x!tpu.dma_semaphore, #tpu.memory_space<semaphore_mem>> -> memref<1x!tpu.dma_semaphore, #tpu.memory_space<semaphore_mem>>
          %dma_wait3A_275 = tpu.memref_squeeze %dma_wait3A_274 : memref<1x!tpu.dma_semaphore, #tpu.memory_space<semaphore_mem>> -> memref<!tpu.dma_semaphore, #tpu.memory_space<semaphore_mem>>
          %dma_wait3A_276 = arith.constant 0 : i32
          %dma_wait3A_277 = arith.constant 0 : i32
          %dma_wait3A_278 = tpu.memref_slice %run_scoped3A[%rem3A_267, %dma_wait3A_276, %dma_wait3A_277] : memref<2x1x128xi32, #tpu.memory_space<vmem>> -> memref<1x1x128xi32, #tpu.memory_space<vmem>>
          %dma_wait3A_279 = tpu.memref_squeeze %dma_wait3A_278 : memref<1x1x128xi32, #tpu.memory_space<vmem>> -> memref<1x128xi32, #tpu.memory_space<vmem>>
          %dma_wait3A_280 = arith.constant 0 : i32
          %dma_wait3A_281 = tpu.memref_slice %arg3[%dma_wait3A_280, %mul3A_265] : memref<1x65536xi32, #tpu.memory_space<hbm>> -> memref<1x128xi32, #tpu.memory_space<hbm>>
          tpu.wait_dma2 semaphore(%dma_wait3A_275 : memref<!tpu.dma_semaphore, #tpu.memory_space<semaphore_mem>>) src(%dma_wait3A_281 : memref<1x128xi32, #tpu.memory_space<hbm>>) dst(%dma_wait3A_279 : memref<1x128xi32, #tpu.memory_space<vmem>>)
          "tpu.trace_stop"() : () -> ()
        } else {
        }
        %ne3A_185 = arith.cmpi ne, %add3A_131, %add3A_140 : i32
        %or3A_186 = arith.constant false
        %or3A_187 = arith.ori %or3A_186, %ne3A_185 : i1
        %or3A_188 = arith.constant false
        %or3A_189 = arith.ori %or3A_187, %or3A_188 : i1
        %or3A_190 = arith.ori %or3A_189, %eq3A_128 : i1
        %convert_element_type3A_191 = arith.extui %or3A_190 : i1 to i32
        %cond3A_192 = arith.constant 0 : i32
        %cond3A_193 = arith.cmpi ne, %convert_element_type3A_191, %cond3A_192 : i32
        scf.if %cond3A_193 {
        } else {
        }
        %rem3A_194 = arith.constant 2 : i32
        %rem3A_195 = arith.remui %scan3A_123, %rem3A_194 : i32
        %rem3A_196 = arith.constant 2 : i32
        %rem3A_197 = arith.remui %scan3A_124, %rem3A_196 : i32
        %run_scoped3A_198 = arith.constant 0 : i32
        "tpu.trace_start"() <{level = 10 : i32, message = "ep_run_kernel"}> : () -> ()
        "tpu.region"() ({
          %run_scoped3A_264 = tpu.sem_alloc : memref<!tpu.dma_semaphore, #tpu.memory_space<semaphore_mem>>
          %dma_start3A_265 = arith.constant 0 : i32
          %dma_start3A_266 = arith.constant 0 : i32
          %dma_start3A_267 = tpu.memref_slice %run_scoped3A_8[%rem3A_197, %dma_start3A_265, %dma_start3A_266] : memref<2x128x128xf32, #tpu.memory_space<vmem>> -> memref<1x128x128xf32, #tpu.memory_space<vmem>>
          %dma_start3A_268 = tpu.memref_squeeze %dma_start3A_267 : memref<1x128x128xf32, #tpu.memory_space<vmem>> -> memref<128x128xf32, #tpu.memory_space<vmem>>
          %dma_start3A_269 = arith.constant 0 : i32
          %dma_start3A_270 = arith.constant 0 : i32
          %dma_start3A_271 = tpu.memref_slice %run_scoped3A[%rem3A_195, %dma_start3A_269, %dma_start3A_270] : memref<2x1x128xi32, #tpu.memory_space<vmem>> -> memref<1x1x128xi32, #tpu.memory_space<vmem>>
          %dma_start3A_272 = tpu.memref_squeeze %dma_start3A_271 : memref<1x1x128xi32, #tpu.memory_space<vmem>> -> memref<1x128xi32, #tpu.memory_space<vmem>>
          %dma_start3A_273 = arith.constant 0 : i32
          %dma_start3A_274 = tpu.memref_slice %dma_start3A_272[%run_scoped3A_198, %dma_start3A_273] : memref<1x128xi32, #tpu.memory_space<vmem>> -> memref<1x128xi32, #tpu.memory_space<vmem>>
          %dma_start3A_275 = tpu.memref_squeeze %dma_start3A_274 : memref<1x128xi32, #tpu.memory_space<vmem>> -> memref<128xi32, #tpu.memory_space<vmem>>
          %dma_start3A_276 = arith.constant 0 : i32
          %dma_start3A_277 = arith.constant 0 : i32
          %dma_start3A_278 = tpu.memref_slice %arg2[%dma_start3A_276, %dma_start3A_277] : memref<7808x128xf32, #tpu.memory_space<hbm>> -> memref<7808x128xf32, #tpu.memory_space<hbm>>
          tpu.enqueue_indirect_dma source(%dma_start3A_278 : memref<7808x128xf32, #tpu.memory_space<hbm>>) target(%dma_start3A_268 : memref<128x128xf32, #tpu.memory_space<vmem>>) offsets(%dma_start3A_275 : memref<128xi32, #tpu.memory_space<vmem>>) semaphore(%run_scoped3A_264 : memref<!tpu.dma_semaphore, #tpu.memory_space<semaphore_mem>>)
          %dma_wait3A_279 = arith.constant 0 : i32
          %dma_wait3A_280 = arith.constant 0 : i32
          %dma_wait3A_281 = tpu.memref_slice %run_scoped3A_8[%rem3A_197, %dma_wait3A_279, %dma_wait3A_280] : memref<2x128x128xf32, #tpu.memory_space<vmem>> -> memref<1x128x128xf32, #tpu.memory_space<vmem>>
          %dma_wait3A_282 = tpu.memref_squeeze %dma_wait3A_281 : memref<1x128x128xf32, #tpu.memory_space<vmem>> -> memref<128x128xf32, #tpu.memory_space<vmem>>
          %dma_wait3A_283 = arith.constant 0 : i32
          %dma_wait3A_284 = arith.constant 0 : i32
          %dma_wait3A_285 = tpu.memref_slice %run_scoped3A[%rem3A_195, %dma_wait3A_283, %dma_wait3A_284] : memref<2x1x128xi32, #tpu.memory_space<vmem>> -> memref<1x1x128xi32, #tpu.memory_space<vmem>>
          %dma_wait3A_286 = tpu.memref_squeeze %dma_wait3A_285 : memref<1x1x128xi32, #tpu.memory_space<vmem>> -> memref<1x128xi32, #tpu.memory_space<vmem>>
          %dma_wait3A_287 = arith.constant 0 : i32
          %dma_wait3A_288 = tpu.memref_slice %dma_wait3A_286[%run_scoped3A_198, %dma_wait3A_287] : memref<1x128xi32, #tpu.memory_space<vmem>> -> memref<1x128xi32, #tpu.memory_space<vmem>>
          %dma_wait3A_289 = tpu.memref_squeeze %dma_wait3A_288 : memref<1x128xi32, #tpu.memory_space<vmem>> -> memref<128xi32, #tpu.memory_space<vmem>>
          %dma_wait3A_290 = arith.constant 0 : i32
          %dma_wait3A_291 = arith.constant 0 : i32
          %dma_wait3A_292 = tpu.memref_slice %arg2[%dma_wait3A_290, %dma_wait3A_291] : memref<7808x128xf32, #tpu.memory_space<hbm>> -> memref<7808x128xf32, #tpu.memory_space<hbm>>
          tpu.wait_indirect_dma semaphore(%run_scoped3A_264 : memref<!tpu.dma_semaphore, #tpu.memory_space<semaphore_mem>>) src(%dma_wait3A_292 : memref<7808x128xf32, #tpu.memory_space<hbm>>) dst(%dma_wait3A_282 : memref<128x128xf32, #tpu.memory_space<vmem>>)
          tpu.yield
        }) : () -> ()
        "tpu.trace_stop"() : () -> ()
        %ne3A_199 = arith.cmpi ne, %add3A_131, %add3A_149 : i32
        %or3A_200 = arith.constant false
        %or3A_201 = arith.ori %or3A_200, %ne3A_199 : i1
        %or3A_202 = arith.ori %or3A_201, %eq3A_130 : i1
        %convert_element_type3A_203 = arith.extui %or3A_202 : i1 to i32
        %cond3A_204 = arith.constant 0 : i32
        %cond3A_205 = arith.cmpi ne, %convert_element_type3A_203, %cond3A_204 : i32
        scf.if %cond3A_205 {
        } else {
        }
        %and3A_206 = arith.constant false
        %and3A_207 = arith.andi %or3A_202, %and3A_206 : i1
        %ne3A_208 = arith.cmpi ne, %add3A_131, %add3A_149 : i32
        %or3A_209 = arith.constant false
        %or3A_210 = arith.ori %or3A_209, %ne3A_208 : i1
        %or3A_211 = arith.constant false
        %or3A_212 = arith.ori %or3A_210, %or3A_211 : i1
        %or3A_213 = arith.ori %or3A_212, %eq3A_130 : i1
        %convert_element_type3A_214 = arith.extui %or3A_213 : i1 to i32
        %cond3A_215 = arith.constant 0 : i32
        %cond3A_216 = arith.cmpi ne, %convert_element_type3A_214, %cond3A_215 : i32
        scf.if %cond3A_216 {
          "tpu.trace_start"() <{level = 10 : i32, message = "ep_copy_out"}> : () -> ()
          %rem3A_264 = arith.constant 2 : i32
          %rem3A_265 = arith.remui %scan3A_124, %rem3A_264 : i32
          %mul3A_266 = arith.constant 128 : i32
          %mul3A_267 = arith.muli %mul3A_266, %add3A_131 : i32
          %dma_start3A_268 = arith.constant 0 : i32
          %dma_start3A_269 = arith.constant 0 : i32
          %dma_start3A_270 = tpu.memref_slice %run_scoped3A_8[%rem3A_265, %dma_start3A_268, %dma_start3A_269] : memref<2x128x128xf32, #tpu.memory_space<vmem>> -> memref<1x128x128xf32, #tpu.memory_space<vmem>>
          %dma_start3A_271 = tpu.memref_squeeze %dma_start3A_270 : memref<1x128x128xf32, #tpu.memory_space<vmem>> -> memref<128x128xf32, #tpu.memory_space<vmem>>
          %dma_start3A_272 = arith.constant 0 : i32
          %dma_start3A_273 = tpu.memref_slice %arg4[%mul3A_267, %dma_start3A_272] : memref<65536x128xf32, #tpu.memory_space<hbm>> -> memref<128x128xf32, #tpu.memory_space<hbm>>
          %dma_start3A_274 = tpu.memref_slice %run_scoped3A_9[%rem3A_265] : memref<2x!tpu.dma_semaphore, #tpu.memory_space<semaphore_mem>> -> memref<1x!tpu.dma_semaphore, #tpu.memory_space<semaphore_mem>>
          %dma_start3A_275 = tpu.memref_squeeze %dma_start3A_274 : memref<1x!tpu.dma_semaphore, #tpu.memory_space<semaphore_mem>> -> memref<!tpu.dma_semaphore, #tpu.memory_space<semaphore_mem>>
          %dma_start3A_276 = arith.constant 0 : i32
          %dma_start3A_277 = tpu.memref_slice %arg4[%mul3A_267, %dma_start3A_276] : memref<65536x128xf32, #tpu.memory_space<hbm>> -> memref<128x128xf32, #tpu.memory_space<hbm>>
          %dma_start3A_278 = arith.constant 0 : i32
          %dma_start3A_279 = arith.constant 0 : i32
          %dma_start3A_280 = tpu.memref_slice %run_scoped3A_8[%rem3A_265, %dma_start3A_278, %dma_start3A_279] : memref<2x128x128xf32, #tpu.memory_space<vmem>> -> memref<1x128x128xf32, #tpu.memory_space<vmem>>
          %dma_start3A_281 = tpu.memref_squeeze %dma_start3A_280 : memref<1x128x128xf32, #tpu.memory_space<vmem>> -> memref<128x128xf32, #tpu.memory_space<vmem>>
          tpu.enqueue_dma source(%dma_start3A_281 : memref<128x128xf32, #tpu.memory_space<vmem>>) target(%dma_start3A_277 : memref<128x128xf32, #tpu.memory_space<hbm>>) target_semaphore(%dma_start3A_275 : memref<!tpu.dma_semaphore, #tpu.memory_space<semaphore_mem>>)
          "tpu.trace_stop"() : () -> ()
        } else {
        }
        %and3A_217 = arith.constant true
        %and3A_218 = arith.andi %or3A_213, %and3A_217 : i1
        %add3A_219 = arith.constant 1 : i32
        %add3A_220 = arith.addi %scan3A_124, %add3A_219 : i32
        %select_n3A_221 = arith.select %and3A_218, %add3A_220, %scan3A_124 : i32
        %ne3A_222 = arith.cmpi ne, %add3A_131, %add3A_140 : i32
        %or3A_223 = arith.constant false
        %or3A_224 = arith.ori %or3A_223, %ne3A_222 : i1
        %not3A_225 = arith.constant true
        %not3A_226 = arith.xori %eq3A_128, %not3A_225 : i1
        %and3A_227 = arith.andi %or3A_224, %not3A_226 : i1
        %convert_element_type3A_228 = arith.extui %and3A_227 : i1 to i32
        %cond3A_229 = arith.constant 0 : i32
        %cond3A_230 = arith.cmpi ne, %convert_element_type3A_228, %cond3A_229 : i32
        scf.if %cond3A_230 {
        } else {
        }
        %and3A_231 = arith.constant false
        %and3A_232 = arith.andi %and3A_227, %and3A_231 : i1
        %ne3A_233 = arith.cmpi ne, %add3A_131, %add3A_140 : i32
        %or3A_234 = arith.constant false
        %or3A_235 = arith.ori %or3A_234, %ne3A_233 : i1
        %or3A_236 = arith.constant false
        %or3A_237 = arith.ori %or3A_235, %or3A_236 : i1
        %not3A_238 = arith.constant true
        %not3A_239 = arith.xori %eq3A_128, %not3A_238 : i1
        %and3A_240 = arith.andi %or3A_237, %not3A_239 : i1
        %convert_element_type3A_241 = arith.extui %and3A_240 : i1 to i32
        %cond3A_242 = arith.constant 0 : i32
        %cond3A_243 = arith.cmpi ne, %convert_element_type3A_241, %cond3A_242 : i32
        scf.if %cond3A_243 {
          "tpu.trace_start"() <{level = 10 : i32, message = "ep_wait_out"}> : () -> ()
          %rem3A_264 = arith.constant 2 : i32
          %rem3A_265 = arith.remui %scan3A_125, %rem3A_264 : i32
          %mul3A_266 = arith.constant 128 : i32
          %mul3A_267 = arith.muli %mul3A_266, %add3A_140 : i32
          %dma_wait3A_268 = arith.constant 0 : i32
          %dma_wait3A_269 = arith.constant 0 : i32
          %dma_wait3A_270 = tpu.memref_slice %run_scoped3A_8[%rem3A_265, %dma_wait3A_268, %dma_wait3A_269] : memref<2x128x128xf32, #tpu.memory_space<vmem>> -> memref<1x128x128xf32, #tpu.memory_space<vmem>>
          %dma_wait3A_271 = tpu.memref_squeeze %dma_wait3A_270 : memref<1x128x128xf32, #tpu.memory_space<vmem>> -> memref<128x128xf32, #tpu.memory_space<vmem>>
          %dma_wait3A_272 = arith.constant 0 : i32
          %dma_wait3A_273 = tpu.memref_slice %arg4[%mul3A_267, %dma_wait3A_272] : memref<65536x128xf32, #tpu.memory_space<hbm>> -> memref<128x128xf32, #tpu.memory_space<hbm>>
          %dma_wait3A_274 = tpu.memref_slice %run_scoped3A_9[%rem3A_265] : memref<2x!tpu.dma_semaphore, #tpu.memory_space<semaphore_mem>> -> memref<1x!tpu.dma_semaphore, #tpu.memory_space<semaphore_mem>>
          %dma_wait3A_275 = tpu.memref_squeeze %dma_wait3A_274 : memref<1x!tpu.dma_semaphore, #tpu.memory_space<semaphore_mem>> -> memref<!tpu.dma_semaphore, #tpu.memory_space<semaphore_mem>>
          %dma_wait3A_276 = arith.constant 0 : i32
          %dma_wait3A_277 = tpu.memref_slice %arg4[%mul3A_267, %dma_wait3A_276] : memref<65536x128xf32, #tpu.memory_space<hbm>> -> memref<128x128xf32, #tpu.memory_space<hbm>>
          %dma_wait3A_278 = arith.constant 0 : i32
          %dma_wait3A_279 = arith.constant 0 : i32
          %dma_wait3A_280 = tpu.memref_slice %run_scoped3A_8[%rem3A_265, %dma_wait3A_278, %dma_wait3A_279] : memref<2x128x128xf32, #tpu.memory_space<vmem>> -> memref<1x128x128xf32, #tpu.memory_space<vmem>>
          %dma_wait3A_281 = tpu.memref_squeeze %dma_wait3A_280 : memref<1x128x128xf32, #tpu.memory_space<vmem>> -> memref<128x128xf32, #tpu.memory_space<vmem>>
          tpu.wait_dma2 semaphore(%dma_wait3A_275 : memref<!tpu.dma_semaphore, #tpu.memory_space<semaphore_mem>>) src(%dma_wait3A_281 : memref<128x128xf32, #tpu.memory_space<vmem>>) dst(%dma_wait3A_277 : memref<128x128xf32, #tpu.memory_space<hbm>>)
          "tpu.trace_stop"() : () -> ()
        } else {
        }
        %and3A_244 = arith.constant true
        %and3A_245 = arith.andi %and3A_240, %and3A_244 : i1
        %add3A_246 = arith.constant 1 : i32
        %add3A_247 = arith.addi %scan3A_125, %add3A_246 : i32
        %select_n3A_248 = arith.select %and3A_245, %add3A_247, %scan3A_125 : i32
        %ne3A_249 = arith.cmpi ne, %add3A_131, %add3A_149 : i32
        %or3A_250 = arith.constant false
        %or3A_251 = arith.ori %or3A_250, %ne3A_249 : i1
        %or3A_252 = arith.ori %or3A_251, %eq3A_130 : i1
        %add3A_253 = arith.constant 1 : i32
        %add3A_254 = arith.addi %scan3A_123, %add3A_253 : i32
        %select_n3A_255 = arith.select %or3A_252, %add3A_254, %scan3A_123 : i32
        %add3A_256 = arith.constant 1 : i32
        %add3A_257 = arith.addi %scan3A_126, %add3A_256 : i32
        %select_n3A_258 = arith.constant true
        %select_n3A_259 = arith.select %select_n3A_258, %add3A_257, %scan3A_126 : i32
        %eq3A_260 = arith.constant 16 : i32
        %eq3A_261 = arith.cmpi eq, %select_n3A_259, %eq3A_260 : i32
        %select_n3A_262 = arith.constant 0 : i32
        %select_n3A_263 = arith.select %eq3A_261, %select_n3A_262, %select_n3A_259 : i32
        scf.yield %select_n3A_167, %select_n3A_255, %select_n3A_221, %select_n3A_248, %select_n3A_263 : i32, i32, i32, i32, i32
      }
      %scan3A_68 = arith.constant 16 : i32
      %sub3A = arith.constant 1 : i32
      %sub3A_69 = arith.subi %scan3A_67#4, %sub3A : i32
      %select_n3A_70 = arith.constant true
      %select_n3A_71 = arith.select %select_n3A_70, %sub3A_69, %scan3A_67#4 : i32
      %eq3A_72 = arith.constant -1 : i32
      %eq3A_73 = arith.cmpi eq, %select_n3A_71, %eq3A_72 : i32
      %select_n3A_74 = arith.constant 15 : i32
      %select_n3A_75 = arith.select %eq3A_73, %select_n3A_74, %select_n3A_71 : i32
      %add3A_76 = arith.addi %select_n3A_75, %mul3A_6 : i32
      %sub3A_77 = arith.constant 1 : i32
      %sub3A_78 = arith.subi %select_n3A_75, %sub3A_77 : i32
      %select_n3A_79 = arith.constant true
      %select_n3A_80 = arith.select %select_n3A_79, %sub3A_78, %select_n3A_75 : i32
      %eq3A_81 = arith.constant -1 : i32
      %eq3A_82 = arith.cmpi eq, %select_n3A_80, %eq3A_81 : i32
      %select_n3A_83 = arith.constant 15 : i32
      %select_n3A_84 = arith.select %eq3A_82, %select_n3A_83, %select_n3A_80 : i32
      %add3A_85 = arith.addi %select_n3A_84, %mul3A_6 : i32
      %add3A_86 = arith.constant 1 : i32
      %add3A_87 = arith.addi %select_n3A_75, %add3A_86 : i32
      %select_n3A_88 = arith.constant true
      %select_n3A_89 = arith.select %select_n3A_88, %add3A_87, %select_n3A_75 : i32
      %eq3A_90 = arith.constant 16 : i32
      %eq3A_91 = arith.cmpi eq, %select_n3A_89, %eq3A_90 : i32
      %select_n3A_92 = arith.constant 0 : i32
      %select_n3A_93 = arith.select %eq3A_91, %select_n3A_92, %select_n3A_89 : i32
      %add3A_94 = arith.addi %select_n3A_93, %mul3A_6 : i32
      %add3A_95 = arith.constant 1 : i32
      %add3A_96 = arith.addi %select_n3A_93, %add3A_95 : i32
      %select_n3A_97 = arith.constant true
      %select_n3A_98 = arith.select %select_n3A_97, %add3A_96, %select_n3A_93 : i32
      %eq3A_99 = arith.constant 16 : i32
      %eq3A_100 = arith.cmpi eq, %select_n3A_98, %eq3A_99 : i32
      %select_n3A_101 = arith.constant 0 : i32
      %select_n3A_102 = arith.select %eq3A_100, %select_n3A_101, %select_n3A_98 : i32
      %add3A_103 = arith.addi %select_n3A_102, %mul3A_6 : i32
      "tpu.trace_start"() <{level = 10 : i32, message = "ep_finalize"}> : () -> ()
      %rem3A_104 = arith.constant 2 : i32
      %rem3A_105 = arith.remui %scan3A_67#3, %rem3A_104 : i32
      %mul3A_106 = arith.constant 128 : i32
      %mul3A_107 = arith.muli %mul3A_106, %add3A_76 : i32
      %dma_wait3A = arith.constant 0 : i32
      %dma_wait3A_108 = arith.constant 0 : i32
      %dma_wait3A_109 = tpu.memref_slice %run_scoped3A_8[%rem3A_105, %dma_wait3A, %dma_wait3A_108] : memref<2x128x128xf32, #tpu.memory_space<vmem>> -> memref<1x128x128xf32, #tpu.memory_space<vmem>>
      %dma_wait3A_110 = tpu.memref_squeeze %dma_wait3A_109 : memref<1x128x128xf32, #tpu.memory_space<vmem>> -> memref<128x128xf32, #tpu.memory_space<vmem>>
      %dma_wait3A_111 = arith.constant 0 : i32
      %dma_wait3A_112 = tpu.memref_slice %arg4[%mul3A_107, %dma_wait3A_111] : memref<65536x128xf32, #tpu.memory_space<hbm>> -> memref<128x128xf32, #tpu.memory_space<hbm>>
      %dma_wait3A_113 = tpu.memref_slice %run_scoped3A_9[%rem3A_105] : memref<2x!tpu.dma_semaphore, #tpu.memory_space<semaphore_mem>> -> memref<1x!tpu.dma_semaphore, #tpu.memory_space<semaphore_mem>>
      %dma_wait3A_114 = tpu.memref_squeeze %dma_wait3A_113 : memref<1x!tpu.dma_semaphore, #tpu.memory_space<semaphore_mem>> -> memref<!tpu.dma_semaphore, #tpu.memory_space<semaphore_mem>>
      %dma_wait3A_115 = arith.constant 0 : i32
      %dma_wait3A_116 = tpu.memref_slice %arg4[%mul3A_107, %dma_wait3A_115] : memref<65536x128xf32, #tpu.memory_space<hbm>> -> memref<128x128xf32, #tpu.memory_space<hbm>>
      %dma_wait3A_117 = arith.constant 0 : i32
      %dma_wait3A_118 = arith.constant 0 : i32
      %dma_wait3A_119 = tpu.memref_slice %run_scoped3A_8[%rem3A_105, %dma_wait3A_117, %dma_wait3A_118] : memref<2x128x128xf32, #tpu.memory_space<vmem>> -> memref<1x128x128xf32, #tpu.memory_space<vmem>>
      %dma_wait3A_120 = tpu.memref_squeeze %dma_wait3A_119 : memref<1x128x128xf32, #tpu.memory_space<vmem>> -> memref<128x128xf32, #tpu.memory_space<vmem>>
      tpu.wait_dma2 semaphore(%dma_wait3A_114 : memref<!tpu.dma_semaphore, #tpu.memory_space<semaphore_mem>>) src(%dma_wait3A_120 : memref<128x128xf32, #tpu.memory_space<vmem>>) dst(%dma_wait3A_116 : memref<128x128xf32, #tpu.memory_space<hbm>>)
      "tpu.trace_stop"() : () -> ()
      tpu.yield
    }) : () -> ()
    return
  }
}

module attributes {stable_mosaic.version = 14 : i64} {
  func.func @_stage_a(%arg0: memref<8192x16xi32, #tpu.memory_space<vmem>>, %arg1: memref<4x1024xf32, #tpu.memory_space<vmem>>, %arg2: memref<1x1024xf32, #tpu.memory_space<vmem>>, %arg3: memref<1x1024xf32, #tpu.memory_space<vmem>>, %arg4: memref<1xf32, #tpu.memory_space<smem>>, %arg5: memref<1024x1024xf32, #tpu.memory_space<vmem>>, %arg6: memref<976x1xf32, #tpu.memory_space<vmem>>, %arg7: memref<976x1xf32, #tpu.memory_space<vmem>>, %arg8: memref<976x1xf32, #tpu.memory_space<vmem>>, %arg9: memref<976x1024xf32, #tpu.memory_space<vmem>>, %arg10: memref<8192x8xi32, #tpu.memory_space<vmem>>) attributes {dimension_semantics = [], scalar_prefetch = 0 : i64, scratch_operands = 0 : i64, tpu.core_type = #tpu.core_type<tc>} {
    %get3A = arith.constant 0 : index
    %get3A_0 = arith.constant 0 : index
    %get3A_1 = vector.load %arg1[%get3A, %get3A_0] : memref<4x1024xf32, #tpu.memory_space<vmem>>, vector<4x1024xf32>
    %get3A_2 = arith.constant 0 : index
    %get3A_3 = arith.constant 0 : index
    %get3A_4 = vector.load %arg2[%get3A_2, %get3A_3] : memref<1x1024xf32, #tpu.memory_space<vmem>>, vector<1x1024xf32>
    %broadcast_in_dim3A = arith.constant 0.000000e+00 : f32
    %broadcast_in_dim3A_5 = vector.broadcast %broadcast_in_dim3A : f32 to vector<3x1024xf32>
    %concatenate3A = tpu.concatenate %get3A_1, %get3A_4, %broadcast_in_dim3A_5 in 0 : vector<4x1024xf32>, vector<1x1024xf32>, vector<3x1024xf32> -> vector<8x1024xf32>
    %get3A_6 = arith.constant 0 : index
    %get3A_7 = arith.constant 0 : index
    %get3A_8 = vector.load %arg5[%get3A_6, %get3A_7] : memref<1024x1024xf32, #tpu.memory_space<vmem>>, vector<1024x1024xf32>
    %dot_general3A = arith.constant dense<0.000000e+00> : vector<8x1024xf32>
    %dot_general3A_9 = tpu.matmul %concatenate3A, %get3A_8, %dot_general3A {dimension_numbers = #tpu.dot_dimension_numbers<[1], [1], [0], [0], [0, 0, 1, 0], [], []>, transpose_lhs_hint = false} : vector<8x1024xf32>, vector<1024x1024xf32>, vector<8x1024xf32> -> vector<8x1024xf32>
    %get3A_10 = arith.constant 0 : index
    %get3A_11 = memref.load %arg4[%get3A_10] : memref<1xf32, #tpu.memory_space<smem>>
    %slice3A = vector.extract_strided_slice %dot_general3A_9 {offsets = [4, 0], sizes = [1, 1024], strides = [1, 1]} : vector<8x1024xf32> to vector<1x1024xf32>
    %get3A_12 = arith.constant 0 : index
    %get3A_13 = arith.constant 0 : index
    %get3A_14 = vector.load %arg3[%get3A_12, %get3A_13] : memref<1x1024xf32, #tpu.memory_space<vmem>>, vector<1x1024xf32>
    %add3A = arith.addf %slice3A, %get3A_14 : vector<1x1024xf32>
    %slice3A_15 = vector.extract_strided_slice %dot_general3A_9 {offsets = [0, 0], sizes = [1, 1024], strides = [1, 1]} : vector<8x1024xf32> to vector<1x1024xf32>
    %mul3A = arith.constant 1.600000e+01 : f32
    %mul3A_16 = vector.broadcast %mul3A : f32 to vector<1x1024xf32>
    %mul3A_17 = arith.mulf %mul3A_16, %slice3A_15 : vector<1x1024xf32>
    %add3A_18 = arith.addf %add3A, %mul3A_17 : vector<1x1024xf32>
    %mul3A_19 = vector.broadcast %get3A_11 : f32 to vector<1x1024xf32>
    %mul3A_20 = arith.mulf %mul3A_19, %add3A_18 : vector<1x1024xf32>
    %slice3A_21 = vector.extract_strided_slice %dot_general3A_9 {offsets = [1, 0], sizes = [3, 1024], strides = [1, 1]} : vector<8x1024xf32> to vector<3x1024xf32>
    %slice3A_22 = vector.extract_strided_slice %dot_general3A_9 {offsets = [0, 0], sizes = [1, 1024], strides = [1, 1]} : vector<8x1024xf32> to vector<1x1024xf32>
    %sub3A = vector.broadcast %slice3A_22 : vector<1x1024xf32> to vector<3x1024xf32>
    %sub3A_23 = arith.subf %slice3A_21, %sub3A : vector<3x1024xf32>
    %mul3A_24 = vector.broadcast %get3A_11 : f32 to vector<3x1024xf32>
    %mul3A_25 = arith.mulf %mul3A_24, %sub3A_23 : vector<3x1024xf32>
    %broadcast_in_dim3A_26 = vector.shape_cast %mul3A_20 : vector<1x1024xf32> to vector<1x1024xf32>
    %broadcast_in_dim3A_27 = vector.broadcast %broadcast_in_dim3A_26 : vector<1x1024xf32> to vector<8x1024xf32>
    %slice3A_28 = vector.extract_strided_slice %mul3A_25 {offsets = [0, 0], sizes = [1, 1024], strides = [1, 1]} : vector<3x1024xf32> to vector<1x1024xf32>
    %broadcast_in_dim3A_29 = vector.shape_cast %slice3A_28 : vector<1x1024xf32> to vector<1x1024xf32>
    %broadcast_in_dim3A_30 = vector.broadcast %broadcast_in_dim3A_29 : vector<1x1024xf32> to vector<8x1024xf32>
    %slice3A_31 = vector.extract_strided_slice %mul3A_25 {offsets = [1, 0], sizes = [1, 1024], strides = [1, 1]} : vector<3x1024xf32> to vector<1x1024xf32>
    %broadcast_in_dim3A_32 = vector.shape_cast %slice3A_31 : vector<1x1024xf32> to vector<1x1024xf32>
    %broadcast_in_dim3A_33 = vector.broadcast %broadcast_in_dim3A_32 : vector<1x1024xf32> to vector<8x1024xf32>
    %slice3A_34 = vector.extract_strided_slice %mul3A_25 {offsets = [2, 0], sizes = [1, 1024], strides = [1, 1]} : vector<3x1024xf32> to vector<1x1024xf32>
    %broadcast_in_dim3A_35 = vector.shape_cast %slice3A_34 : vector<1x1024xf32> to vector<1x1024xf32>
    %broadcast_in_dim3A_36 = vector.broadcast %broadcast_in_dim3A_35 : vector<1x1024xf32> to vector<8x1024xf32>
    %get3A_37 = arith.constant 0 : index
    %get3A_38 = arith.constant 0 : index
    %get3A_39 = vector.load %arg6[%get3A_37, %get3A_38] : memref<976x1xf32, #tpu.memory_space<vmem>>, vector<8x1xf32>
    %mul3A_40 = vector.broadcast %get3A_39 : vector<8x1xf32> to vector<8x1024xf32>
    %mul3A_41 = arith.mulf %mul3A_40, %broadcast_in_dim3A_30 : vector<8x1024xf32>
    %add3A_42 = arith.addf %broadcast_in_dim3A_27, %mul3A_41 : vector<8x1024xf32>
    %get3A_43 = arith.constant 0 : index
    %get3A_44 = arith.constant 0 : index
    %get3A_45 = vector.load %arg7[%get3A_43, %get3A_44] : memref<976x1xf32, #tpu.memory_space<vmem>>, vector<8x1xf32>
    %mul3A_46 = vector.broadcast %get3A_45 : vector<8x1xf32> to vector<8x1024xf32>
    %mul3A_47 = arith.mulf %mul3A_46, %broadcast_in_dim3A_33 : vector<8x1024xf32>
    %add3A_48 = arith.addf %add3A_42, %mul3A_47 : vector<8x1024xf32>
    %get3A_49 = arith.constant 0 : index
    %get3A_50 = arith.constant 0 : index
    %get3A_51 = vector.load %arg8[%get3A_49, %get3A_50] : memref<976x1xf32, #tpu.memory_space<vmem>>, vector<8x1xf32>
    %mul3A_52 = vector.broadcast %get3A_51 : vector<8x1xf32> to vector<8x1024xf32>
    %mul3A_53 = arith.mulf %mul3A_52, %broadcast_in_dim3A_36 : vector<8x1024xf32>
    %add3A_54 = arith.addf %add3A_48, %mul3A_53 : vector<8x1024xf32>
    %swap3A = arith.constant 0 : index
    %swap3A_55 = arith.constant 0 : index
    %swap3A_56 = vector.load %arg9[%swap3A, %swap3A_55] : memref<976x1024xf32, #tpu.memory_space<vmem>>, vector<8x1024xf32>
    tpu.vector_store %arg9[%swap3A, %swap3A_55], %add3A_54 {strides = array<i32>} : memref<976x1024xf32, #tpu.memory_space<vmem>>, vector<8x1024xf32>,
    %get3A_57 = arith.constant 8 : index
    %get3A_58 = arith.constant 0 : index
    %get3A_59 = vector.load %arg6[%get3A_57, %get3A_58] : memref<976x1xf32, #tpu.memory_space<vmem>>, vector<8x1xf32>
    %mul3A_60 = vector.broadcast %get3A_59 : vector<8x1xf32> to vector<8x1024xf32>
    %mul3A_61 = arith.mulf %mul3A_60, %broadcast_in_dim3A_30 : vector<8x1024xf32>
    %add3A_62 = arith.addf %broadcast_in_dim3A_27, %mul3A_61 : vector<8x1024xf32>
    %get3A_63 = arith.constant 8 : index
    %get3A_64 = arith.constant 0 : index
    %get3A_65 = vector.load %arg7[%get3A_63, %get3A_64] : memref<976x1xf32, #tpu.memory_space<vmem>>, vector<8x1xf32>
    %mul3A_66 = vector.broadcast %get3A_65 : vector<8x1xf32> to vector<8x1024xf32>
    %mul3A_67 = arith.mulf %mul3A_66, %broadcast_in_dim3A_33 : vector<8x1024xf32>
    %add3A_68 = arith.addf %add3A_62, %mul3A_67 : vector<8x1024xf32>
    %get3A_69 = arith.constant 8 : index
    %get3A_70 = arith.constant 0 : index
    %get3A_71 = vector.load %arg8[%get3A_69, %get3A_70] : memref<976x1xf32, #tpu.memory_space<vmem>>, vector<8x1xf32>
    %mul3A_72 = vector.broadcast %get3A_71 : vector<8x1xf32> to vector<8x1024xf32>
    %mul3A_73 = arith.mulf %mul3A_72, %broadcast_in_dim3A_36 : vector<8x1024xf32>
    %add3A_74 = arith.addf %add3A_68, %mul3A_73 : vector<8x1024xf32>
    %swap3A_75 = arith.constant 8 : index
    %swap3A_76 = arith.constant 0 : index
    %swap3A_77 = vector.load %arg9[%swap3A_75, %swap3A_76] : memref<976x1024xf32, #tpu.memory_space<vmem>>, vector<8x1024xf32>
    tpu.vector_store %arg9[%swap3A_75, %swap3A_76], %add3A_74 {strides = array<i32>} : memref<976x1024xf32, #tpu.memory_space<vmem>>, vector<8x1024xf32>,
    %get3A_78 = arith.constant 16 : index
    %get3A_79 = arith.constant 0 : index
    %get3A_80 = vector.load %arg6[%get3A_78, %get3A_79] : memref<976x1xf32, #tpu.memory_space<vmem>>, vector<8x1xf32>
    %mul3A_81 = vector.broadcast %get3A_80 : vector<8x1xf32> to vector<8x1024xf32>
    %mul3A_82 = arith.mulf %mul3A_81, %broadcast_in_dim3A_30 : vector<8x1024xf32>
    %add3A_83 = arith.addf %broadcast_in_dim3A_27, %mul3A_82 : vector<8x1024xf32>
    %get3A_84 = arith.constant 16 : index
    %get3A_85 = arith.constant 0 : index
    %get3A_86 = vector.load %arg7[%get3A_84, %get3A_85] : memref<976x1xf32, #tpu.memory_space<vmem>>, vector<8x1xf32>
    %mul3A_87 = vector.broadcast %get3A_86 : vector<8x1xf32> to vector<8x1024xf32>
    %mul3A_88 = arith.mulf %mul3A_87, %broadcast_in_dim3A_33 : vector<8x1024xf32>
    %add3A_89 = arith.addf %add3A_83, %mul3A_88 : vector<8x1024xf32>
    %get3A_90 = arith.constant 16 : index
    %get3A_91 = arith.constant 0 : index
    %get3A_92 = vector.load %arg8[%get3A_90, %get3A_91] : memref<976x1xf32, #tpu.memory_space<vmem>>, vector<8x1xf32>
    %mul3A_93 = vector.broadcast %get3A_92 : vector<8x1xf32> to vector<8x1024xf32>
    %mul3A_94 = arith.mulf %mul3A_93, %broadcast_in_dim3A_36 : vector<8x1024xf32>
    %add3A_95 = arith.addf %add3A_89, %mul3A_94 : vector<8x1024xf32>
    %swap3A_96 = arith.constant 16 : index
    %swap3A_97 = arith.constant 0 : index
    %swap3A_98 = vector.load %arg9[%swap3A_96, %swap3A_97] : memref<976x1024xf32, #tpu.memory_space<vmem>>, vector<8x1024xf32>
    tpu.vector_store %arg9[%swap3A_96, %swap3A_97], %add3A_95 {strides = array<i32>} : memref<976x1024xf32, #tpu.memory_space<vmem>>, vector<8x1024xf32>,
    %get3A_99 = arith.constant 24 : index
    %get3A_100 = arith.constant 0 : index
    %get3A_101 = vector.load %arg6[%get3A_99, %get3A_100] : memref<976x1xf32, #tpu.memory_space<vmem>>, vector<8x1xf32>
    %mul3A_102 = vector.broadcast %get3A_101 : vector<8x1xf32> to vector<8x1024xf32>
    %mul3A_103 = arith.mulf %mul3A_102, %broadcast_in_dim3A_30 : vector<8x1024xf32>
    %add3A_104 = arith.addf %broadcast_in_dim3A_27, %mul3A_103 : vector<8x1024xf32>
    %get3A_105 = arith.constant 24 : index
    %get3A_106 = arith.constant 0 : index
    %get3A_107 = vector.load %arg7[%get3A_105, %get3A_106] : memref<976x1xf32, #tpu.memory_space<vmem>>, vector<8x1xf32>
    %mul3A_108 = vector.broadcast %get3A_107 : vector<8x1xf32> to vector<8x1024xf32>
    %mul3A_109 = arith.mulf %mul3A_108, %broadcast_in_dim3A_33 : vector<8x1024xf32>
    %add3A_110 = arith.addf %add3A_104, %mul3A_109 : vector<8x1024xf32>
    %get3A_111 = arith.constant 24 : index
    %get3A_112 = arith.constant 0 : index
    %get3A_113 = vector.load %arg8[%get3A_111, %get3A_112] : memref<976x1xf32, #tpu.memory_space<vmem>>, vector<8x1xf32>
    %mul3A_114 = vector.broadcast %get3A_113 : vector<8x1xf32> to vector<8x1024xf32>
    %mul3A_115 = arith.mulf %mul3A_114, %broadcast_in_dim3A_36 : vector<8x1024xf32>
    %add3A_116 = arith.addf %add3A_110, %mul3A_115 : vector<8x1024xf32>
    %swap3A_117 = arith.constant 24 : index
    %swap3A_118 = arith.constant 0 : index
    %swap3A_119 = vector.load %arg9[%swap3A_117, %swap3A_118] : memref<976x1024xf32, #tpu.memory_space<vmem>>, vector<8x1024xf32>
    tpu.vector_store %arg9[%swap3A_117, %swap3A_118], %add3A_116 {strides = array<i32>} : memref<976x1024xf32, #tpu.memory_space<vmem>>, vector<8x1024xf32>,
    %get3A_120 = arith.constant 32 : index
    %get3A_121 = arith.constant 0 : index
    %get3A_122 = vector.load %arg6[%get3A_120, %get3A_121] : memref<976x1xf32, #tpu.memory_space<vmem>>, vector<8x1xf32>
    %mul3A_123 = vector.broadcast %get3A_122 : vector<8x1xf32> to vector<8x1024xf32>
    %mul3A_124 = arith.mulf %mul3A_123, %broadcast_in_dim3A_30 : vector<8x1024xf32>
    %add3A_125 = arith.addf %broadcast_in_dim3A_27, %mul3A_124 : vector<8x1024xf32>
    %get3A_126 = arith.constant 32 : index
    %get3A_127 = arith.constant 0 : index
    %get3A_128 = vector.load %arg7[%get3A_126, %get3A_127] : memref<976x1xf32, #tpu.memory_space<vmem>>, vector<8x1xf32>
    %mul3A_129 = vector.broadcast %get3A_128 : vector<8x1xf32> to vector<8x1024xf32>
    %mul3A_130 = arith.mulf %mul3A_129, %broadcast_in_dim3A_33 : vector<8x1024xf32>
    %add3A_131 = arith.addf %add3A_125, %mul3A_130 : vector<8x1024xf32>
    %get3A_132 = arith.constant 32 : index
    %get3A_133 = arith.constant 0 : index
    %get3A_134 = vector.load %arg8[%get3A_132, %get3A_133] : memref<976x1xf32, #tpu.memory_space<vmem>>, vector<8x1xf32>
    %mul3A_135 = vector.broadcast %get3A_134 : vector<8x1xf32> to vector<8x1024xf32>
    %mul3A_136 = arith.mulf %mul3A_135, %broadcast_in_dim3A_36 : vector<8x1024xf32>
    %add3A_137 = arith.addf %add3A_131, %mul3A_136 : vector<8x1024xf32>
    %swap3A_138 = arith.constant 32 : index
    %swap3A_139 = arith.constant 0 : index
    %swap3A_140 = vector.load %arg9[%swap3A_138, %swap3A_139] : memref<976x1024xf32, #tpu.memory_space<vmem>>, vector<8x1024xf32>
    tpu.vector_store %arg9[%swap3A_138, %swap3A_139], %add3A_137 {strides = array<i32>} : memref<976x1024xf32, #tpu.memory_space<vmem>>, vector<8x1024xf32>,
    %get3A_141 = arith.constant 40 : index
    %get3A_142 = arith.constant 0 : index
    %get3A_143 = vector.load %arg6[%get3A_141, %get3A_142] : memref<976x1xf32, #tpu.memory_space<vmem>>, vector<8x1xf32>
    %mul3A_144 = vector.broadcast %get3A_143 : vector<8x1xf32> to vector<8x1024xf32>
    %mul3A_145 = arith.mulf %mul3A_144, %broadcast_in_dim3A_30 : vector<8x1024xf32>
    %add3A_146 = arith.addf %broadcast_in_dim3A_27, %mul3A_145 : vector<8x1024xf32>
    %get3A_147 = arith.constant 40 : index
    %get3A_148 = arith.constant 0 : index
    %get3A_149 = vector.load %arg7[%get3A_147, %get3A_148] : memref<976x1xf32, #tpu.memory_space<vmem>>, vector<8x1xf32>
    %mul3A_150 = vector.broadcast %get3A_149 : vector<8x1xf32> to vector<8x1024xf32>
    %mul3A_151 = arith.mulf %mul3A_150, %broadcast_in_dim3A_33 : vector<8x1024xf32>
    %add3A_152 = arith.addf %add3A_146, %mul3A_151 : vector<8x1024xf32>
    %get3A_153 = arith.constant 40 : index
    %get3A_154 = arith.constant 0 : index
    %get3A_155 = vector.load %arg8[%get3A_153, %get3A_154] : memref<976x1xf32, #tpu.memory_space<vmem>>, vector<8x1xf32>
    %mul3A_156 = vector.broadcast %get3A_155 : vector<8x1xf32> to vector<8x1024xf32>
    %mul3A_157 = arith.mulf %mul3A_156, %broadcast_in_dim3A_36 : vector<8x1024xf32>
    %add3A_158 = arith.addf %add3A_152, %mul3A_157 : vector<8x1024xf32>
    %swap3A_159 = arith.constant 40 : index
    %swap3A_160 = arith.constant 0 : index
    %swap3A_161 = vector.load %arg9[%swap3A_159, %swap3A_160] : memref<976x1024xf32, #tpu.memory_space<vmem>>, vector<8x1024xf32>
    tpu.vector_store %arg9[%swap3A_159, %swap3A_160], %add3A_158 {strides = array<i32>} : memref<976x1024xf32, #tpu.memory_space<vmem>>, vector<8x1024xf32>,
    %get3A_162 = arith.constant 48 : index
    %get3A_163 = arith.constant 0 : index
    %get3A_164 = vector.load %arg6[%get3A_162, %get3A_163] : memref<976x1xf32, #tpu.memory_space<vmem>>, vector<8x1xf32>
    %mul3A_165 = vector.broadcast %get3A_164 : vector<8x1xf32> to vector<8x1024xf32>
    %mul3A_166 = arith.mulf %mul3A_165, %broadcast_in_dim3A_30 : vector<8x1024xf32>
    %add3A_167 = arith.addf %broadcast_in_dim3A_27, %mul3A_166 : vector<8x1024xf32>
    %get3A_168 = arith.constant 48 : index
    %get3A_169 = arith.constant 0 : index
    %get3A_170 = vector.load %arg7[%get3A_168, %get3A_169] : memref<976x1xf32, #tpu.memory_space<vmem>>, vector<8x1xf32>
    %mul3A_171 = vector.broadcast %get3A_170 : vector<8x1xf32> to vector<8x1024xf32>
    %mul3A_172 = arith.mulf %mul3A_171, %broadcast_in_dim3A_33 : vector<8x1024xf32>
    %add3A_173 = arith.addf %add3A_167, %mul3A_172 : vector<8x1024xf32>
    %get3A_174 = arith.constant 48 : index
    %get3A_175 = arith.constant 0 : index
    %get3A_176 = vector.load %arg8[%get3A_174, %get3A_175] : memref<976x1xf32, #tpu.memory_space<vmem>>, vector<8x1xf32>
    %mul3A_177 = vector.broadcast %get3A_176 : vector<8x1xf32> to vector<8x1024xf32>
    %mul3A_178 = arith.mulf %mul3A_177, %broadcast_in_dim3A_36 : vector<8x1024xf32>
    %add3A_179 = arith.addf %add3A_173, %mul3A_178 : vector<8x1024xf32>
    %swap3A_180 = arith.constant 48 : index
    %swap3A_181 = arith.constant 0 : index
    %swap3A_182 = vector.load %arg9[%swap3A_180, %swap3A_181] : memref<976x1024xf32, #tpu.memory_space<vmem>>, vector<8x1024xf32>
    tpu.vector_store %arg9[%swap3A_180, %swap3A_181], %add3A_179 {strides = array<i32>} : memref<976x1024xf32, #tpu.memory_space<vmem>>, vector<8x1024xf32>,
    %get3A_183 = arith.constant 56 : index
    %get3A_184 = arith.constant 0 : index
    %get3A_185 = vector.load %arg6[%get3A_183, %get3A_184] : memref<976x1xf32, #tpu.memory_space<vmem>>, vector<8x1xf32>
    %mul3A_186 = vector.broadcast %get3A_185 : vector<8x1xf32> to vector<8x1024xf32>
    %mul3A_187 = arith.mulf %mul3A_186, %broadcast_in_dim3A_30 : vector<8x1024xf32>
    %add3A_188 = arith.addf %broadcast_in_dim3A_27, %mul3A_187 : vector<8x1024xf32>
    %get3A_189 = arith.constant 56 : index
    %get3A_190 = arith.constant 0 : index
    %get3A_191 = vector.load %arg7[%get3A_189, %get3A_190] : memref<976x1xf32, #tpu.memory_space<vmem>>, vector<8x1xf32>
    %mul3A_192 = vector.broadcast %get3A_191 : vector<8x1xf32> to vector<8x1024xf32>
    %mul3A_193 = arith.mulf %mul3A_192, %broadcast_in_dim3A_33 : vector<8x1024xf32>
    %add3A_194 = arith.addf %add3A_188, %mul3A_193 : vector<8x1024xf32>
    %get3A_195 = arith.constant 56 : index
    %get3A_196 = arith.constant 0 : index
    %get3A_197 = vector.load %arg8[%get3A_195, %get3A_196] : memref<976x1xf32, #tpu.memory_space<vmem>>, vector<8x1xf32>
    %mul3A_198 = vector.broadcast %get3A_197 : vector<8x1xf32> to vector<8x1024xf32>
    %mul3A_199 = arith.mulf %mul3A_198, %broadcast_in_dim3A_36 : vector<8x1024xf32>
    %add3A_200 = arith.addf %add3A_194, %mul3A_199 : vector<8x1024xf32>
    %swap3A_201 = arith.constant 56 : index
    %swap3A_202 = arith.constant 0 : index
    %swap3A_203 = vector.load %arg9[%swap3A_201, %swap3A_202] : memref<976x1024xf32, #tpu.memory_space<vmem>>, vector<8x1024xf32>
    tpu.vector_store %arg9[%swap3A_201, %swap3A_202], %add3A_200 {strides = array<i32>} : memref<976x1024xf32, #tpu.memory_space<vmem>>, vector<8x1024xf32>,
    %get3A_204 = arith.constant 64 : index
    %get3A_205 = arith.constant 0 : index
    %get3A_206 = vector.load %arg6[%get3A_204, %get3A_205] : memref<976x1xf32, #tpu.memory_space<vmem>>, vector<8x1xf32>
    %mul3A_207 = vector.broadcast %get3A_206 : vector<8x1xf32> to vector<8x1024xf32>
    %mul3A_208 = arith.mulf %mul3A_207, %broadcast_in_dim3A_30 : vector<8x1024xf32>
    %add3A_209 = arith.addf %broadcast_in_dim3A_27, %mul3A_208 : vector<8x1024xf32>
    %get3A_210 = arith.constant 64 : index
    %get3A_211 = arith.constant 0 : index
    %get3A_212 = vector.load %arg7[%get3A_210, %get3A_211] : memref<976x1xf32, #tpu.memory_space<vmem>>, vector<8x1xf32>
    %mul3A_213 = vector.broadcast %get3A_212 : vector<8x1xf32> to vector<8x1024xf32>
    %mul3A_214 = arith.mulf %mul3A_213, %broadcast_in_dim3A_33 : vector<8x1024xf32>
    %add3A_215 = arith.addf %add3A_209, %mul3A_214 : vector<8x1024xf32>
    %get3A_216 = arith.constant 64 : index
    %get3A_217 = arith.constant 0 : index
    %get3A_218 = vector.load %arg8[%get3A_216, %get3A_217] : memref<976x1xf32, #tpu.memory_space<vmem>>, vector<8x1xf32>
    %mul3A_219 = vector.broadcast %get3A_218 : vector<8x1xf32> to vector<8x1024xf32>
    %mul3A_220 = arith.mulf %mul3A_219, %broadcast_in_dim3A_36 : vector<8x1024xf32>
    %add3A_221 = arith.addf %add3A_215, %mul3A_220 : vector<8x1024xf32>
    %swap3A_222 = arith.constant 64 : index
    %swap3A_223 = arith.constant 0 : index
    %swap3A_224 = vector.load %arg9[%swap3A_222, %swap3A_223] : memref<976x1024xf32, #tpu.memory_space<vmem>>, vector<8x1024xf32>
    tpu.vector_store %arg9[%swap3A_222, %swap3A_223], %add3A_221 {strides = array<i32>} : memref<976x1024xf32, #tpu.memory_space<vmem>>, vector<8x1024xf32>,
    %get3A_225 = arith.constant 72 : index
    %get3A_226 = arith.constant 0 : index
    %get3A_227 = vector.load %arg6[%get3A_225, %get3A_226] : memref<976x1xf32, #tpu.memory_space<vmem>>, vector<8x1xf32>
    %mul3A_228 = vector.broadcast %get3A_227 : vector<8x1xf32> to vector<8x1024xf32>
    %mul3A_229 = arith.mulf %mul3A_228, %broadcast_in_dim3A_30 : vector<8x1024xf32>
    %add3A_230 = arith.addf %broadcast_in_dim3A_27, %mul3A_229 : vector<8x1024xf32>
    %get3A_231 = arith.constant 72 : index
    %get3A_232 = arith.constant 0 : index
    %get3A_233 = vector.load %arg7[%get3A_231, %get3A_232] : memref<976x1xf32, #tpu.memory_space<vmem>>, vector<8x1xf32>
    %mul3A_234 = vector.broadcast %get3A_233 : vector<8x1xf32> to vector<8x1024xf32>
    %mul3A_235 = arith.mulf %mul3A_234, %broadcast_in_dim3A_33 : vector<8x1024xf32>
    %add3A_236 = arith.addf %add3A_230, %mul3A_235 : vector<8x1024xf32>
    %get3A_237 = arith.constant 72 : index
    %get3A_238 = arith.constant 0 : index
    %get3A_239 = vector.load %arg8[%get3A_237, %get3A_238] : memref<976x1xf32, #tpu.memory_space<vmem>>, vector<8x1xf32>
    %mul3A_240 = vector.broadcast %get3A_239 : vector<8x1xf32> to vector<8x1024xf32>
    %mul3A_241 = arith.mulf %mul3A_240, %broadcast_in_dim3A_36 : vector<8x1024xf32>
    %add3A_242 = arith.addf %add3A_236, %mul3A_241 : vector<8x1024xf32>
    %swap3A_243 = arith.constant 72 : index
    %swap3A_244 = arith.constant 0 : index
    %swap3A_245 = vector.load %arg9[%swap3A_243, %swap3A_244] : memref<976x1024xf32, #tpu.memory_space<vmem>>, vector<8x1024xf32>
    tpu.vector_store %arg9[%swap3A_243, %swap3A_244], %add3A_242 {strides = array<i32>} : memref<976x1024xf32, #tpu.memory_space<vmem>>, vector<8x1024xf32>,
    %get3A_246 = arith.constant 80 : index
    %get3A_247 = arith.constant 0 : index
    %get3A_248 = vector.load %arg6[%get3A_246, %get3A_247] : memref<976x1xf32, #tpu.memory_space<vmem>>, vector<8x1xf32>
    %mul3A_249 = vector.broadcast %get3A_248 : vector<8x1xf32> to vector<8x1024xf32>
    %mul3A_250 = arith.mulf %mul3A_249, %broadcast_in_dim3A_30 : vector<8x1024xf32>
    %add3A_251 = arith.addf %broadcast_in_dim3A_27, %mul3A_250 : vector<8x1024xf32>
    %get3A_252 = arith.constant 80 : index
    %get3A_253 = arith.constant 0 : index
    %get3A_254 = vector.load %arg7[%get3A_252, %get3A_253] : memref<976x1xf32, #tpu.memory_space<vmem>>, vector<8x1xf32>
    %mul3A_255 = vector.broadcast %get3A_254 : vector<8x1xf32> to vector<8x1024xf32>
    %mul3A_256 = arith.mulf %mul3A_255, %broadcast_in_dim3A_33 : vector<8x1024xf32>
    %add3A_257 = arith.addf %add3A_251, %mul3A_256 : vector<8x1024xf32>
    %get3A_258 = arith.constant 80 : index
    %get3A_259 = arith.constant 0 : index
    %get3A_260 = vector.load %arg8[%get3A_258, %get3A_259] : memref<976x1xf32, #tpu.memory_space<vmem>>, vector<8x1xf32>
    %mul3A_261 = vector.broadcast %get3A_260 : vector<8x1xf32> to vector<8x1024xf32>
    %mul3A_262 = arith.mulf %mul3A_261, %broadcast_in_dim3A_36 : vector<8x1024xf32>
    %add3A_263 = arith.addf %add3A_257, %mul3A_262 : vector<8x1024xf32>
    %swap3A_264 = arith.constant 80 : index
    %swap3A_265 = arith.constant 0 : index
    %swap3A_266 = vector.load %arg9[%swap3A_264, %swap3A_265] : memref<976x1024xf32, #tpu.memory_space<vmem>>, vector<8x1024xf32>
    tpu.vector_store %arg9[%swap3A_264, %swap3A_265], %add3A_263 {strides = array<i32>} : memref<976x1024xf32, #tpu.memory_space<vmem>>, vector<8x1024xf32>,
    %get3A_267 = arith.constant 88 : index
    %get3A_268 = arith.constant 0 : index
    %get3A_269 = vector.load %arg6[%get3A_267, %get3A_268] : memref<976x1xf32, #tpu.memory_space<vmem>>, vector<8x1xf32>
    %mul3A_270 = vector.broadcast %get3A_269 : vector<8x1xf32> to vector<8x1024xf32>
    %mul3A_271 = arith.mulf %mul3A_270, %broadcast_in_dim3A_30 : vector<8x1024xf32>
    %add3A_272 = arith.addf %broadcast_in_dim3A_27, %mul3A_271 : vector<8x1024xf32>
    %get3A_273 = arith.constant 88 : index
    %get3A_274 = arith.constant 0 : index
    %get3A_275 = vector.load %arg7[%get3A_273, %get3A_274] : memref<976x1xf32, #tpu.memory_space<vmem>>, vector<8x1xf32>
    %mul3A_276 = vector.broadcast %get3A_275 : vector<8x1xf32> to vector<8x1024xf32>
    %mul3A_277 = arith.mulf %mul3A_276, %broadcast_in_dim3A_33 : vector<8x1024xf32>
    %add3A_278 = arith.addf %add3A_272, %mul3A_277 : vector<8x1024xf32>
    %get3A_279 = arith.constant 88 : index
    %get3A_280 = arith.constant 0 : index
    %get3A_281 = vector.load %arg8[%get3A_279, %get3A_280] : memref<976x1xf32, #tpu.memory_space<vmem>>, vector<8x1xf32>
    %mul3A_282 = vector.broadcast %get3A_281 : vector<8x1xf32> to vector<8x1024xf32>
    %mul3A_283 = arith.mulf %mul3A_282, %broadcast_in_dim3A_36 : vector<8x1024xf32>
    %add3A_284 = arith.addf %add3A_278, %mul3A_283 : vector<8x1024xf32>
    %swap3A_285 = arith.constant 88 : index
    %swap3A_286 = arith.constant 0 : index
    %swap3A_287 = vector.load %arg9[%swap3A_285, %swap3A_286] : memref<976x1024xf32, #tpu.memory_space<vmem>>, vector<8x1024xf32>
    tpu.vector_store %arg9[%swap3A_285, %swap3A_286], %add3A_284 {strides = array<i32>} : memref<976x1024xf32, #tpu.memory_space<vmem>>, vector<8x1024xf32>,
    %get3A_288 = arith.constant 96 : index
    %get3A_289 = arith.constant 0 : index
    %get3A_290 = vector.load %arg6[%get3A_288, %get3A_289] : memref<976x1xf32, #tpu.memory_space<vmem>>, vector<8x1xf32>
    %mul3A_291 = vector.broadcast %get3A_290 : vector<8x1xf32> to vector<8x1024xf32>
    %mul3A_292 = arith.mulf %mul3A_291, %broadcast_in_dim3A_30 : vector<8x1024xf32>
    %add3A_293 = arith.addf %broadcast_in_dim3A_27, %mul3A_292 : vector<8x1024xf32>
    %get3A_294 = arith.constant 96 : index
    %get3A_295 = arith.constant 0 : index
    %get3A_296 = vector.load %arg7[%get3A_294, %get3A_295] : memref<976x1xf32, #tpu.memory_space<vmem>>, vector<8x1xf32>
    %mul3A_297 = vector.broadcast %get3A_296 : vector<8x1xf32> to vector<8x1024xf32>
    %mul3A_298 = arith.mulf %mul3A_297, %broadcast_in_dim3A_33 : vector<8x1024xf32>
    %add3A_299 = arith.addf %add3A_293, %mul3A_298 : vector<8x1024xf32>
    %get3A_300 = arith.constant 96 : index
    %get3A_301 = arith.constant 0 : index
    %get3A_302 = vector.load %arg8[%get3A_300, %get3A_301] : memref<976x1xf32, #tpu.memory_space<vmem>>, vector<8x1xf32>
    %mul3A_303 = vector.broadcast %get3A_302 : vector<8x1xf32> to vector<8x1024xf32>
    %mul3A_304 = arith.mulf %mul3A_303, %broadcast_in_dim3A_36 : vector<8x1024xf32>
    %add3A_305 = arith.addf %add3A_299, %mul3A_304 : vector<8x1024xf32>
    %swap3A_306 = arith.constant 96 : index
    %swap3A_307 = arith.constant 0 : index
    %swap3A_308 = vector.load %arg9[%swap3A_306, %swap3A_307] : memref<976x1024xf32, #tpu.memory_space<vmem>>, vector<8x1024xf32>
    tpu.vector_store %arg9[%swap3A_306, %swap3A_307], %add3A_305 {strides = array<i32>} : memref<976x1024xf32, #tpu.memory_space<vmem>>, vector<8x1024xf32>,
    %get3A_309 = arith.constant 104 : index
    %get3A_310 = arith.constant 0 : index
    %get3A_311 = vector.load %arg6[%get3A_309, %get3A_310] : memref<976x1xf32, #tpu.memory_space<vmem>>, vector<8x1xf32>
    %mul3A_312 = vector.broadcast %get3A_311 : vector<8x1xf32> to vector<8x1024xf32>
    %mul3A_313 = arith.mulf %mul3A_312, %broadcast_in_dim3A_30 : vector<8x1024xf32>
    %add3A_314 = arith.addf %broadcast_in_dim3A_27, %mul3A_313 : vector<8x1024xf32>
    %get3A_315 = arith.constant 104 : index
    %get3A_316 = arith.constant 0 : index
    %get3A_317 = vector.load %arg7[%get3A_315, %get3A_316] : memref<976x1xf32, #tpu.memory_space<vmem>>, vector<8x1xf32>
    %mul3A_318 = vector.broadcast %get3A_317 : vector<8x1xf32> to vector<8x1024xf32>
    %mul3A_319 = arith.mulf %mul3A_318, %broadcast_in_dim3A_33 : vector<8x1024xf32>
    %add3A_320 = arith.addf %add3A_314, %mul3A_319 : vector<8x1024xf32>
    %get3A_321 = arith.constant 104 : index
    %get3A_322 = arith.constant 0 : index
    %get3A_323 = vector.load %arg8[%get3A_321, %get3A_322] : memref<976x1xf32, #tpu.memory_space<vmem>>, vector<8x1xf32>
    %mul3A_324 = vector.broadcast %get3A_323 : vector<8x1xf32> to vector<8x1024xf32>
    %mul3A_325 = arith.mulf %mul3A_324, %broadcast_in_dim3A_36 : vector<8x1024xf32>
    %add3A_326 = arith.addf %add3A_320, %mul3A_325 : vector<8x1024xf32>
    %swap3A_327 = arith.constant 104 : index
    %swap3A_328 = arith.constant 0 : index
    %swap3A_329 = vector.load %arg9[%swap3A_327, %swap3A_328] : memref<976x1024xf32, #tpu.memory_space<vmem>>, vector<8x1024xf32>
    tpu.vector_store %arg9[%swap3A_327, %swap3A_328], %add3A_326 {strides = array<i32>} : memref<976x1024xf32, #tpu.memory_space<vmem>>, vector<8x1024xf32>,
    %get3A_330 = arith.constant 112 : index
    %get3A_331 = arith.constant 0 : index
    %get3A_332 = vector.load %arg6[%get3A_330, %get3A_331] : memref<976x1xf32, #tpu.memory_space<vmem>>, vector<8x1xf32>
    %mul3A_333 = vector.broadcast %get3A_332 : vector<8x1xf32> to vector<8x1024xf32>
    %mul3A_334 = arith.mulf %mul3A_333, %broadcast_in_dim3A_30 : vector<8x1024xf32>
    %add3A_335 = arith.addf %broadcast_in_dim3A_27, %mul3A_334 : vector<8x1024xf32>
    %get3A_336 = arith.constant 112 : index
    %get3A_337 = arith.constant 0 : index
    %get3A_338 = vector.load %arg7[%get3A_336, %get3A_337] : memref<976x1xf32, #tpu.memory_space<vmem>>, vector<8x1xf32>
    %mul3A_339 = vector.broadcast %get3A_338 : vector<8x1xf32> to vector<8x1024xf32>
    %mul3A_340 = arith.mulf %mul3A_339, %broadcast_in_dim3A_33 : vector<8x1024xf32>
    %add3A_341 = arith.addf %add3A_335, %mul3A_340 : vector<8x1024xf32>
    %get3A_342 = arith.constant 112 : index
    %get3A_343 = arith.constant 0 : index
    %get3A_344 = vector.load %arg8[%get3A_342, %get3A_343] : memref<976x1xf32, #tpu.memory_space<vmem>>, vector<8x1xf32>
    %mul3A_345 = vector.broadcast %get3A_344 : vector<8x1xf32> to vector<8x1024xf32>
    %mul3A_346 = arith.mulf %mul3A_345, %broadcast_in_dim3A_36 : vector<8x1024xf32>
    %add3A_347 = arith.addf %add3A_341, %mul3A_346 : vector<8x1024xf32>
    %swap3A_348 = arith.constant 112 : index
    %swap3A_349 = arith.constant 0 : index
    %swap3A_350 = vector.load %arg9[%swap3A_348, %swap3A_349] : memref<976x1024xf32, #tpu.memory_space<vmem>>, vector<8x1024xf32>
    tpu.vector_store %arg9[%swap3A_348, %swap3A_349], %add3A_347 {strides = array<i32>} : memref<976x1024xf32, #tpu.memory_space<vmem>>, vector<8x1024xf32>,
    %get3A_351 = arith.constant 120 : index
    %get3A_352 = arith.constant 0 : index
    %get3A_353 = vector.load %arg6[%get3A_351, %get3A_352] : memref<976x1xf32, #tpu.memory_space<vmem>>, vector<8x1xf32>
    %mul3A_354 = vector.broadcast %get3A_353 : vector<8x1xf32> to vector<8x1024xf32>
    %mul3A_355 = arith.mulf %mul3A_354, %broadcast_in_dim3A_30 : vector<8x1024xf32>
    %add3A_356 = arith.addf %broadcast_in_dim3A_27, %mul3A_355 : vector<8x1024xf32>
    %get3A_357 = arith.constant 120 : index
    %get3A_358 = arith.constant 0 : index
    %get3A_359 = vector.load %arg7[%get3A_357, %get3A_358] : memref<976x1xf32, #tpu.memory_space<vmem>>, vector<8x1xf32>
    %mul3A_360 = vector.broadcast %get3A_359 : vector<8x1xf32> to vector<8x1024xf32>
    %mul3A_361 = arith.mulf %mul3A_360, %broadcast_in_dim3A_33 : vector<8x1024xf32>
    %add3A_362 = arith.addf %add3A_356, %mul3A_361 : vector<8x1024xf32>
    %get3A_363 = arith.constant 120 : index
    %get3A_364 = arith.constant 0 : index
    %get3A_365 = vector.load %arg8[%get3A_363, %get3A_364] : memref<976x1xf32, #tpu.memory_space<vmem>>, vector<8x1xf32>
    %mul3A_366 = vector.broadcast %get3A_365 : vector<8x1xf32> to vector<8x1024xf32>
    %mul3A_367 = arith.mulf %mul3A_366, %broadcast_in_dim3A_36 : vector<8x1024xf32>
    %add3A_368 = arith.addf %add3A_362, %mul3A_367 : vector<8x1024xf32>
    %swap3A_369 = arith.constant 120 : index
    %swap3A_370 = arith.constant 0 : index
    %swap3A_371 = vector.load %arg9[%swap3A_369, %swap3A_370] : memref<976x1024xf32, #tpu.memory_space<vmem>>, vector<8x1024xf32>
    tpu.vector_store %arg9[%swap3A_369, %swap3A_370], %add3A_368 {strides = array<i32>} : memref<976x1024xf32, #tpu.memory_space<vmem>>, vector<8x1024xf32>,
    %get3A_372 = arith.constant 128 : index
    %get3A_373 = arith.constant 0 : index
    %get3A_374 = vector.load %arg6[%get3A_372, %get3A_373] : memref<976x1xf32, #tpu.memory_space<vmem>>, vector<8x1xf32>
    %mul3A_375 = vector.broadcast %get3A_374 : vector<8x1xf32> to vector<8x1024xf32>
    %mul3A_376 = arith.mulf %mul3A_375, %broadcast_in_dim3A_30 : vector<8x1024xf32>
    %add3A_377 = arith.addf %broadcast_in_dim3A_27, %mul3A_376 : vector<8x1024xf32>
    %get3A_378 = arith.constant 128 : index
    %get3A_379 = arith.constant 0 : index
    %get3A_380 = vector.load %arg7[%get3A_378, %get3A_379] : memref<976x1xf32, #tpu.memory_space<vmem>>, vector<8x1xf32>
    %mul3A_381 = vector.broadcast %get3A_380 : vector<8x1xf32> to vector<8x1024xf32>
    %mul3A_382 = arith.mulf %mul3A_381, %broadcast_in_dim3A_33 : vector<8x1024xf32>
    %add3A_383 = arith.addf %add3A_377, %mul3A_382 : vector<8x1024xf32>
    %get3A_384 = arith.constant 128 : index
    %get3A_385 = arith.constant 0 : index
    %get3A_386 = vector.load %arg8[%get3A_384, %get3A_385] : memref<976x1xf32, #tpu.memory_space<vmem>>, vector<8x1xf32>
    %mul3A_387 = vector.broadcast %get3A_386 : vector<8x1xf32> to vector<8x1024xf32>
    %mul3A_388 = arith.mulf %mul3A_387, %broadcast_in_dim3A_36 : vector<8x1024xf32>
    %add3A_389 = arith.addf %add3A_383, %mul3A_388 : vector<8x1024xf32>
    %swap3A_390 = arith.constant 128 : index
    %swap3A_391 = arith.constant 0 : index
    %swap3A_392 = vector.load %arg9[%swap3A_390, %swap3A_391] : memref<976x1024xf32, #tpu.memory_space<vmem>>, vector<8x1024xf32>
    tpu.vector_store %arg9[%swap3A_390, %swap3A_391], %add3A_389 {strides = array<i32>} : memref<976x1024xf32, #tpu.memory_space<vmem>>, vector<8x1024xf32>,
    %get3A_393 = arith.constant 136 : index
    %get3A_394 = arith.constant 0 : index
    %get3A_395 = vector.load %arg6[%get3A_393, %get3A_394] : memref<976x1xf32, #tpu.memory_space<vmem>>, vector<8x1xf32>
    %mul3A_396 = vector.broadcast %get3A_395 : vector<8x1xf32> to vector<8x1024xf32>
    %mul3A_397 = arith.mulf %mul3A_396, %broadcast_in_dim3A_30 : vector<8x1024xf32>
    %add3A_398 = arith.addf %broadcast_in_dim3A_27, %mul3A_397 : vector<8x1024xf32>
    %get3A_399 = arith.constant 136 : index
    %get3A_400 = arith.constant 0 : index
    %get3A_401 = vector.load %arg7[%get3A_399, %get3A_400] : memref<976x1xf32, #tpu.memory_space<vmem>>, vector<8x1xf32>
    %mul3A_402 = vector.broadcast %get3A_401 : vector<8x1xf32> to vector<8x1024xf32>
    %mul3A_403 = arith.mulf %mul3A_402, %broadcast_in_dim3A_33 : vector<8x1024xf32>
    %add3A_404 = arith.addf %add3A_398, %mul3A_403 : vector<8x1024xf32>
    %get3A_405 = arith.constant 136 : index
    %get3A_406 = arith.constant 0 : index
    %get3A_407 = vector.load %arg8[%get3A_405, %get3A_406] : memref<976x1xf32, #tpu.memory_space<vmem>>, vector<8x1xf32>
    %mul3A_408 = vector.broadcast %get3A_407 : vector<8x1xf32> to vector<8x1024xf32>
    %mul3A_409 = arith.mulf %mul3A_408, %broadcast_in_dim3A_36 : vector<8x1024xf32>
    %add3A_410 = arith.addf %add3A_404, %mul3A_409 : vector<8x1024xf32>
    %swap3A_411 = arith.constant 136 : index
    %swap3A_412 = arith.constant 0 : index
    %swap3A_413 = vector.load %arg9[%swap3A_411, %swap3A_412] : memref<976x1024xf32, #tpu.memory_space<vmem>>, vector<8x1024xf32>
    tpu.vector_store %arg9[%swap3A_411, %swap3A_412], %add3A_410 {strides = array<i32>} : memref<976x1024xf32, #tpu.memory_space<vmem>>, vector<8x1024xf32>,
    %get3A_414 = arith.constant 144 : index
    %get3A_415 = arith.constant 0 : index
    %get3A_416 = vector.load %arg6[%get3A_414, %get3A_415] : memref<976x1xf32, #tpu.memory_space<vmem>>, vector<8x1xf32>
    %mul3A_417 = vector.broadcast %get3A_416 : vector<8x1xf32> to vector<8x1024xf32>
    %mul3A_418 = arith.mulf %mul3A_417, %broadcast_in_dim3A_30 : vector<8x1024xf32>
    %add3A_419 = arith.addf %broadcast_in_dim3A_27, %mul3A_418 : vector<8x1024xf32>
    %get3A_420 = arith.constant 144 : index
    %get3A_421 = arith.constant 0 : index
    %get3A_422 = vector.load %arg7[%get3A_420, %get3A_421] : memref<976x1xf32, #tpu.memory_space<vmem>>, vector<8x1xf32>
    %mul3A_423 = vector.broadcast %get3A_422 : vector<8x1xf32> to vector<8x1024xf32>
    %mul3A_424 = arith.mulf %mul3A_423, %broadcast_in_dim3A_33 : vector<8x1024xf32>
    %add3A_425 = arith.addf %add3A_419, %mul3A_424 : vector<8x1024xf32>
    %get3A_426 = arith.constant 144 : index
    %get3A_427 = arith.constant 0 : index
    %get3A_428 = vector.load %arg8[%get3A_426, %get3A_427] : memref<976x1xf32, #tpu.memory_space<vmem>>, vector<8x1xf32>
    %mul3A_429 = vector.broadcast %get3A_428 : vector<8x1xf32> to vector<8x1024xf32>
    %mul3A_430 = arith.mulf %mul3A_429, %broadcast_in_dim3A_36 : vector<8x1024xf32>
    %add3A_431 = arith.addf %add3A_425, %mul3A_430 : vector<8x1024xf32>
    %swap3A_432 = arith.constant 144 : index
    %swap3A_433 = arith.constant 0 : index
    %swap3A_434 = vector.load %arg9[%swap3A_432, %swap3A_433] : memref<976x1024xf32, #tpu.memory_space<vmem>>, vector<8x1024xf32>
    tpu.vector_store %arg9[%swap3A_432, %swap3A_433], %add3A_431 {strides = array<i32>} : memref<976x1024xf32, #tpu.memory_space<vmem>>, vector<8x1024xf32>,
    %get3A_435 = arith.constant 152 : index
    %get3A_436 = arith.constant 0 : index
    %get3A_437 = vector.load %arg6[%get3A_435, %get3A_436] : memref<976x1xf32, #tpu.memory_space<vmem>>, vector<8x1xf32>
    %mul3A_438 = vector.broadcast %get3A_437 : vector<8x1xf32> to vector<8x1024xf32>
    %mul3A_439 = arith.mulf %mul3A_438, %broadcast_in_dim3A_30 : vector<8x1024xf32>
    %add3A_440 = arith.addf %broadcast_in_dim3A_27, %mul3A_439 : vector<8x1024xf32>
    %get3A_441 = arith.constant 152 : index
    %get3A_442 = arith.constant 0 : index
    %get3A_443 = vector.load %arg7[%get3A_441, %get3A_442] : memref<976x1xf32, #tpu.memory_space<vmem>>, vector<8x1xf32>
    %mul3A_444 = vector.broadcast %get3A_443 : vector<8x1xf32> to vector<8x1024xf32>
    %mul3A_445 = arith.mulf %mul3A_444, %broadcast_in_dim3A_33 : vector<8x1024xf32>
    %add3A_446 = arith.addf %add3A_440, %mul3A_445 : vector<8x1024xf32>
    %get3A_447 = arith.constant 152 : index
    %get3A_448 = arith.constant 0 : index
    %get3A_449 = vector.load %arg8[%get3A_447, %get3A_448] : memref<976x1xf32, #tpu.memory_space<vmem>>, vector<8x1xf32>
    %mul3A_450 = vector.broadcast %get3A_449 : vector<8x1xf32> to vector<8x1024xf32>
    %mul3A_451 = arith.mulf %mul3A_450, %broadcast_in_dim3A_36 : vector<8x1024xf32>
    %add3A_452 = arith.addf %add3A_446, %mul3A_451 : vector<8x1024xf32>
    %swap3A_453 = arith.constant 152 : index
    %swap3A_454 = arith.constant 0 : index
    %swap3A_455 = vector.load %arg9[%swap3A_453, %swap3A_454] : memref<976x1024xf32, #tpu.memory_space<vmem>>, vector<8x1024xf32>
    tpu.vector_store %arg9[%swap3A_453, %swap3A_454], %add3A_452 {strides = array<i32>} : memref<976x1024xf32, #tpu.memory_space<vmem>>, vector<8x1024xf32>,
    %get3A_456 = arith.constant 160 : index
    %get3A_457 = arith.constant 0 : index
    %get3A_458 = vector.load %arg6[%get3A_456, %get3A_457] : memref<976x1xf32, #tpu.memory_space<vmem>>, vector<8x1xf32>
    %mul3A_459 = vector.broadcast %get3A_458 : vector<8x1xf32> to vector<8x1024xf32>
    %mul3A_460 = arith.mulf %mul3A_459, %broadcast_in_dim3A_30 : vector<8x1024xf32>
    %add3A_461 = arith.addf %broadcast_in_dim3A_27, %mul3A_460 : vector<8x1024xf32>
    %get3A_462 = arith.constant 160 : index
    %get3A_463 = arith.constant 0 : index
    %get3A_464 = vector.load %arg7[%get3A_462, %get3A_463] : memref<976x1xf32, #tpu.memory_space<vmem>>, vector<8x1xf32>
    %mul3A_465 = vector.broadcast %get3A_464 : vector<8x1xf32> to vector<8x1024xf32>
    %mul3A_466 = arith.mulf %mul3A_465, %broadcast_in_dim3A_33 : vector<8x1024xf32>
    %add3A_467 = arith.addf %add3A_461, %mul3A_466 : vector<8x1024xf32>
    %get3A_468 = arith.constant 160 : index
    %get3A_469 = arith.constant 0 : index
    %get3A_470 = vector.load %arg8[%get3A_468, %get3A_469] : memref<976x1xf32, #tpu.memory_space<vmem>>, vector<8x1xf32>
    %mul3A_471 = vector.broadcast %get3A_470 : vector<8x1xf32> to vector<8x1024xf32>
    %mul3A_472 = arith.mulf %mul3A_471, %broadcast_in_dim3A_36 : vector<8x1024xf32>
    %add3A_473 = arith.addf %add3A_467, %mul3A_472 : vector<8x1024xf32>
    %swap3A_474 = arith.constant 160 : index
    %swap3A_475 = arith.constant 0 : index
    %swap3A_476 = vector.load %arg9[%swap3A_474, %swap3A_475] : memref<976x1024xf32, #tpu.memory_space<vmem>>, vector<8x1024xf32>
    tpu.vector_store %arg9[%swap3A_474, %swap3A_475], %add3A_473 {strides = array<i32>} : memref<976x1024xf32, #tpu.memory_space<vmem>>, vector<8x1024xf32>,
    %get3A_477 = arith.constant 168 : index
    %get3A_478 = arith.constant 0 : index
    %get3A_479 = vector.load %arg6[%get3A_477, %get3A_478] : memref<976x1xf32, #tpu.memory_space<vmem>>, vector<8x1xf32>
    %mul3A_480 = vector.broadcast %get3A_479 : vector<8x1xf32> to vector<8x1024xf32>
    %mul3A_481 = arith.mulf %mul3A_480, %broadcast_in_dim3A_30 : vector<8x1024xf32>
    %add3A_482 = arith.addf %broadcast_in_dim3A_27, %mul3A_481 : vector<8x1024xf32>
    %get3A_483 = arith.constant 168 : index
    %get3A_484 = arith.constant 0 : index
    %get3A_485 = vector.load %arg7[%get3A_483, %get3A_484] : memref<976x1xf32, #tpu.memory_space<vmem>>, vector<8x1xf32>
    %mul3A_486 = vector.broadcast %get3A_485 : vector<8x1xf32> to vector<8x1024xf32>
    %mul3A_487 = arith.mulf %mul3A_486, %broadcast_in_dim3A_33 : vector<8x1024xf32>
    %add3A_488 = arith.addf %add3A_482, %mul3A_487 : vector<8x1024xf32>
    %get3A_489 = arith.constant 168 : index
    %get3A_490 = arith.constant 0 : index
    %get3A_491 = vector.load %arg8[%get3A_489, %get3A_490] : memref<976x1xf32, #tpu.memory_space<vmem>>, vector<8x1xf32>
    %mul3A_492 = vector.broadcast %get3A_491 : vector<8x1xf32> to vector<8x1024xf32>
    %mul3A_493 = arith.mulf %mul3A_492, %broadcast_in_dim3A_36 : vector<8x1024xf32>
    %add3A_494 = arith.addf %add3A_488, %mul3A_493 : vector<8x1024xf32>
    %swap3A_495 = arith.constant 168 : index
    %swap3A_496 = arith.constant 0 : index
    %swap3A_497 = vector.load %arg9[%swap3A_495, %swap3A_496] : memref<976x1024xf32, #tpu.memory_space<vmem>>, vector<8x1024xf32>
    tpu.vector_store %arg9[%swap3A_495, %swap3A_496], %add3A_494 {strides = array<i32>} : memref<976x1024xf32, #tpu.memory_space<vmem>>, vector<8x1024xf32>,
    %get3A_498 = arith.constant 176 : index
    %get3A_499 = arith.constant 0 : index
    %get3A_500 = vector.load %arg6[%get3A_498, %get3A_499] : memref<976x1xf32, #tpu.memory_space<vmem>>, vector<8x1xf32>
    %mul3A_501 = vector.broadcast %get3A_500 : vector<8x1xf32> to vector<8x1024xf32>
    %mul3A_502 = arith.mulf %mul3A_501, %broadcast_in_dim3A_30 : vector<8x1024xf32>
    %add3A_503 = arith.addf %broadcast_in_dim3A_27, %mul3A_502 : vector<8x1024xf32>
    %get3A_504 = arith.constant 176 : index
    %get3A_505 = arith.constant 0 : index
    %get3A_506 = vector.load %arg7[%get3A_504, %get3A_505] : memref<976x1xf32, #tpu.memory_space<vmem>>, vector<8x1xf32>
    %mul3A_507 = vector.broadcast %get3A_506 : vector<8x1xf32> to vector<8x1024xf32>
    %mul3A_508 = arith.mulf %mul3A_507, %broadcast_in_dim3A_33 : vector<8x1024xf32>
    %add3A_509 = arith.addf %add3A_503, %mul3A_508 : vector<8x1024xf32>
    %get3A_510 = arith.constant 176 : index
    %get3A_511 = arith.constant 0 : index
    %get3A_512 = vector.load %arg8[%get3A_510, %get3A_511] : memref<976x1xf32, #tpu.memory_space<vmem>>, vector<8x1xf32>
    %mul3A_513 = vector.broadcast %get3A_512 : vector<8x1xf32> to vector<8x1024xf32>
    %mul3A_514 = arith.mulf %mul3A_513, %broadcast_in_dim3A_36 : vector<8x1024xf32>
    %add3A_515 = arith.addf %add3A_509, %mul3A_514 : vector<8x1024xf32>
    %swap3A_516 = arith.constant 176 : index
    %swap3A_517 = arith.constant 0 : index
    %swap3A_518 = vector.load %arg9[%swap3A_516, %swap3A_517] : memref<976x1024xf32, #tpu.memory_space<vmem>>, vector<8x1024xf32>
    tpu.vector_store %arg9[%swap3A_516, %swap3A_517], %add3A_515 {strides = array<i32>} : memref<976x1024xf32, #tpu.memory_space<vmem>>, vector<8x1024xf32>,
    %get3A_519 = arith.constant 184 : index
    %get3A_520 = arith.constant 0 : index
    %get3A_521 = vector.load %arg6[%get3A_519, %get3A_520] : memref<976x1xf32, #tpu.memory_space<vmem>>, vector<8x1xf32>
    %mul3A_522 = vector.broadcast %get3A_521 : vector<8x1xf32> to vector<8x1024xf32>
    %mul3A_523 = arith.mulf %mul3A_522, %broadcast_in_dim3A_30 : vector<8x1024xf32>
    %add3A_524 = arith.addf %broadcast_in_dim3A_27, %mul3A_523 : vector<8x1024xf32>
    %get3A_525 = arith.constant 184 : index
    %get3A_526 = arith.constant 0 : index
    %get3A_527 = vector.load %arg7[%get3A_525, %get3A_526] : memref<976x1xf32, #tpu.memory_space<vmem>>, vector<8x1xf32>
    %mul3A_528 = vector.broadcast %get3A_527 : vector<8x1xf32> to vector<8x1024xf32>
    %mul3A_529 = arith.mulf %mul3A_528, %broadcast_in_dim3A_33 : vector<8x1024xf32>
    %add3A_530 = arith.addf %add3A_524, %mul3A_529 : vector<8x1024xf32>
    %get3A_531 = arith.constant 184 : index
    %get3A_532 = arith.constant 0 : index
    %get3A_533 = vector.load %arg8[%get3A_531, %get3A_532] : memref<976x1xf32, #tpu.memory_space<vmem>>, vector<8x1xf32>
    %mul3A_534 = vector.broadcast %get3A_533 : vector<8x1xf32> to vector<8x1024xf32>
    %mul3A_535 = arith.mulf %mul3A_534, %broadcast_in_dim3A_36 : vector<8x1024xf32>
    %add3A_536 = arith.addf %add3A_530, %mul3A_535 : vector<8x1024xf32>
    %swap3A_537 = arith.constant 184 : index
    %swap3A_538 = arith.constant 0 : index
    %swap3A_539 = vector.load %arg9[%swap3A_537, %swap3A_538] : memref<976x1024xf32, #tpu.memory_space<vmem>>, vector<8x1024xf32>
    tpu.vector_store %arg9[%swap3A_537, %swap3A_538], %add3A_536 {strides = array<i32>} : memref<976x1024xf32, #tpu.memory_space<vmem>>, vector<8x1024xf32>,
    %get3A_540 = arith.constant 192 : index
    %get3A_541 = arith.constant 0 : index
    %get3A_542 = vector.load %arg6[%get3A_540, %get3A_541] : memref<976x1xf32, #tpu.memory_space<vmem>>, vector<8x1xf32>
    %mul3A_543 = vector.broadcast %get3A_542 : vector<8x1xf32> to vector<8x1024xf32>
    %mul3A_544 = arith.mulf %mul3A_543, %broadcast_in_dim3A_30 : vector<8x1024xf32>
    %add3A_545 = arith.addf %broadcast_in_dim3A_27, %mul3A_544 : vector<8x1024xf32>
    %get3A_546 = arith.constant 192 : index
    %get3A_547 = arith.constant 0 : index
    %get3A_548 = vector.load %arg7[%get3A_546, %get3A_547] : memref<976x1xf32, #tpu.memory_space<vmem>>, vector<8x1xf32>
    %mul3A_549 = vector.broadcast %get3A_548 : vector<8x1xf32> to vector<8x1024xf32>
    %mul3A_550 = arith.mulf %mul3A_549, %broadcast_in_dim3A_33 : vector<8x1024xf32>
    %add3A_551 = arith.addf %add3A_545, %mul3A_550 : vector<8x1024xf32>
    %get3A_552 = arith.constant 192 : index
    %get3A_553 = arith.constant 0 : index
    %get3A_554 = vector.load %arg8[%get3A_552, %get3A_553] : memref<976x1xf32, #tpu.memory_space<vmem>>, vector<8x1xf32>
    %mul3A_555 = vector.broadcast %get3A_554 : vector<8x1xf32> to vector<8x1024xf32>
    %mul3A_556 = arith.mulf %mul3A_555, %broadcast_in_dim3A_36 : vector<8x1024xf32>
    %add3A_557 = arith.addf %add3A_551, %mul3A_556 : vector<8x1024xf32>
    %swap3A_558 = arith.constant 192 : index
    %swap3A_559 = arith.constant 0 : index
    %swap3A_560 = vector.load %arg9[%swap3A_558, %swap3A_559] : memref<976x1024xf32, #tpu.memory_space<vmem>>, vector<8x1024xf32>
    tpu.vector_store %arg9[%swap3A_558, %swap3A_559], %add3A_557 {strides = array<i32>} : memref<976x1024xf32, #tpu.memory_space<vmem>>, vector<8x1024xf32>,
    %get3A_561 = arith.constant 200 : index
    %get3A_562 = arith.constant 0 : index
    %get3A_563 = vector.load %arg6[%get3A_561, %get3A_562] : memref<976x1xf32, #tpu.memory_space<vmem>>, vector<8x1xf32>
    %mul3A_564 = vector.broadcast %get3A_563 : vector<8x1xf32> to vector<8x1024xf32>
    %mul3A_565 = arith.mulf %mul3A_564, %broadcast_in_dim3A_30 : vector<8x1024xf32>
    %add3A_566 = arith.addf %broadcast_in_dim3A_27, %mul3A_565 : vector<8x1024xf32>
    %get3A_567 = arith.constant 200 : index
    %get3A_568 = arith.constant 0 : index
    %get3A_569 = vector.load %arg7[%get3A_567, %get3A_568] : memref<976x1xf32, #tpu.memory_space<vmem>>, vector<8x1xf32>
    %mul3A_570 = vector.broadcast %get3A_569 : vector<8x1xf32> to vector<8x1024xf32>
    %mul3A_571 = arith.mulf %mul3A_570, %broadcast_in_dim3A_33 : vector<8x1024xf32>
    %add3A_572 = arith.addf %add3A_566, %mul3A_571 : vector<8x1024xf32>
    %get3A_573 = arith.constant 200 : index
    %get3A_574 = arith.constant 0 : index
    %get3A_575 = vector.load %arg8[%get3A_573, %get3A_574] : memref<976x1xf32, #tpu.memory_space<vmem>>, vector<8x1xf32>
    %mul3A_576 = vector.broadcast %get3A_575 : vector<8x1xf32> to vector<8x1024xf32>
    %mul3A_577 = arith.mulf %mul3A_576, %broadcast_in_dim3A_36 : vector<8x1024xf32>
    %add3A_578 = arith.addf %add3A_572, %mul3A_577 : vector<8x1024xf32>
    %swap3A_579 = arith.constant 200 : index
    %swap3A_580 = arith.constant 0 : index
    %swap3A_581 = vector.load %arg9[%swap3A_579, %swap3A_580] : memref<976x1024xf32, #tpu.memory_space<vmem>>, vector<8x1024xf32>
    tpu.vector_store %arg9[%swap3A_579, %swap3A_580], %add3A_578 {strides = array<i32>} : memref<976x1024xf32, #tpu.memory_space<vmem>>, vector<8x1024xf32>,
    %get3A_582 = arith.constant 208 : index
    %get3A_583 = arith.constant 0 : index
    %get3A_584 = vector.load %arg6[%get3A_582, %get3A_583] : memref<976x1xf32, #tpu.memory_space<vmem>>, vector<8x1xf32>
    %mul3A_585 = vector.broadcast %get3A_584 : vector<8x1xf32> to vector<8x1024xf32>
    %mul3A_586 = arith.mulf %mul3A_585, %broadcast_in_dim3A_30 : vector<8x1024xf32>
    %add3A_587 = arith.addf %broadcast_in_dim3A_27, %mul3A_586 : vector<8x1024xf32>
    %get3A_588 = arith.constant 208 : index
    %get3A_589 = arith.constant 0 : index
    %get3A_590 = vector.load %arg7[%get3A_588, %get3A_589] : memref<976x1xf32, #tpu.memory_space<vmem>>, vector<8x1xf32>
    %mul3A_591 = vector.broadcast %get3A_590 : vector<8x1xf32> to vector<8x1024xf32>
    %mul3A_592 = arith.mulf %mul3A_591, %broadcast_in_dim3A_33 : vector<8x1024xf32>
    %add3A_593 = arith.addf %add3A_587, %mul3A_592 : vector<8x1024xf32>
    %get3A_594 = arith.constant 208 : index
    %get3A_595 = arith.constant 0 : index
    %get3A_596 = vector.load %arg8[%get3A_594, %get3A_595] : memref<976x1xf32, #tpu.memory_space<vmem>>, vector<8x1xf32>
    %mul3A_597 = vector.broadcast %get3A_596 : vector<8x1xf32> to vector<8x1024xf32>
    %mul3A_598 = arith.mulf %mul3A_597, %broadcast_in_dim3A_36 : vector<8x1024xf32>
    %add3A_599 = arith.addf %add3A_593, %mul3A_598 : vector<8x1024xf32>
    %swap3A_600 = arith.constant 208 : index
    %swap3A_601 = arith.constant 0 : index
    %swap3A_602 = vector.load %arg9[%swap3A_600, %swap3A_601] : memref<976x1024xf32, #tpu.memory_space<vmem>>, vector<8x1024xf32>
    tpu.vector_store %arg9[%swap3A_600, %swap3A_601], %add3A_599 {strides = array<i32>} : memref<976x1024xf32, #tpu.memory_space<vmem>>, vector<8x1024xf32>,
    %get3A_603 = arith.constant 216 : index
    %get3A_604 = arith.constant 0 : index
    %get3A_605 = vector.load %arg6[%get3A_603, %get3A_604] : memref<976x1xf32, #tpu.memory_space<vmem>>, vector<8x1xf32>
    %mul3A_606 = vector.broadcast %get3A_605 : vector<8x1xf32> to vector<8x1024xf32>
    %mul3A_607 = arith.mulf %mul3A_606, %broadcast_in_dim3A_30 : vector<8x1024xf32>
    %add3A_608 = arith.addf %broadcast_in_dim3A_27, %mul3A_607 : vector<8x1024xf32>
    %get3A_609 = arith.constant 216 : index
    %get3A_610 = arith.constant 0 : index
    %get3A_611 = vector.load %arg7[%get3A_609, %get3A_610] : memref<976x1xf32, #tpu.memory_space<vmem>>, vector<8x1xf32>
    %mul3A_612 = vector.broadcast %get3A_611 : vector<8x1xf32> to vector<8x1024xf32>
    %mul3A_613 = arith.mulf %mul3A_612, %broadcast_in_dim3A_33 : vector<8x1024xf32>
    %add3A_614 = arith.addf %add3A_608, %mul3A_613 : vector<8x1024xf32>
    %get3A_615 = arith.constant 216 : index
    %get3A_616 = arith.constant 0 : index
    %get3A_617 = vector.load %arg8[%get3A_615, %get3A_616] : memref<976x1xf32, #tpu.memory_space<vmem>>, vector<8x1xf32>
    %mul3A_618 = vector.broadcast %get3A_617 : vector<8x1xf32> to vector<8x1024xf32>
    %mul3A_619 = arith.mulf %mul3A_618, %broadcast_in_dim3A_36 : vector<8x1024xf32>
    %add3A_620 = arith.addf %add3A_614, %mul3A_619 : vector<8x1024xf32>
    %swap3A_621 = arith.constant 216 : index
    %swap3A_622 = arith.constant 0 : index
    %swap3A_623 = vector.load %arg9[%swap3A_621, %swap3A_622] : memref<976x1024xf32, #tpu.memory_space<vmem>>, vector<8x1024xf32>
    tpu.vector_store %arg9[%swap3A_621, %swap3A_622], %add3A_620 {strides = array<i32>} : memref<976x1024xf32, #tpu.memory_space<vmem>>, vector<8x1024xf32>,
    %get3A_624 = arith.constant 224 : index
    %get3A_625 = arith.constant 0 : index
    %get3A_626 = vector.load %arg6[%get3A_624, %get3A_625] : memref<976x1xf32, #tpu.memory_space<vmem>>, vector<8x1xf32>
    %mul3A_627 = vector.broadcast %get3A_626 : vector<8x1xf32> to vector<8x1024xf32>
    %mul3A_628 = arith.mulf %mul3A_627, %broadcast_in_dim3A_30 : vector<8x1024xf32>
    %add3A_629 = arith.addf %broadcast_in_dim3A_27, %mul3A_628 : vector<8x1024xf32>
    %get3A_630 = arith.constant 224 : index
    %get3A_631 = arith.constant 0 : index
    %get3A_632 = vector.load %arg7[%get3A_630, %get3A_631] : memref<976x1xf32, #tpu.memory_space<vmem>>, vector<8x1xf32>
    %mul3A_633 = vector.broadcast %get3A_632 : vector<8x1xf32> to vector<8x1024xf32>
    %mul3A_634 = arith.mulf %mul3A_633, %broadcast_in_dim3A_33 : vector<8x1024xf32>
    %add3A_635 = arith.addf %add3A_629, %mul3A_634 : vector<8x1024xf32>
    %get3A_636 = arith.constant 224 : index
    %get3A_637 = arith.constant 0 : index
    %get3A_638 = vector.load %arg8[%get3A_636, %get3A_637] : memref<976x1xf32, #tpu.memory_space<vmem>>, vector<8x1xf32>
    %mul3A_639 = vector.broadcast %get3A_638 : vector<8x1xf32> to vector<8x1024xf32>
    %mul3A_640 = arith.mulf %mul3A_639, %broadcast_in_dim3A_36 : vector<8x1024xf32>
    %add3A_641 = arith.addf %add3A_635, %mul3A_640 : vector<8x1024xf32>
    %swap3A_642 = arith.constant 224 : index
    %swap3A_643 = arith.constant 0 : index
    %swap3A_644 = vector.load %arg9[%swap3A_642, %swap3A_643] : memref<976x1024xf32, #tpu.memory_space<vmem>>, vector<8x1024xf32>
    tpu.vector_store %arg9[%swap3A_642, %swap3A_643], %add3A_641 {strides = array<i32>} : memref<976x1024xf32, #tpu.memory_space<vmem>>, vector<8x1024xf32>,
    %get3A_645 = arith.constant 232 : index
    %get3A_646 = arith.constant 0 : index
    %get3A_647 = vector.load %arg6[%get3A_645, %get3A_646] : memref<976x1xf32, #tpu.memory_space<vmem>>, vector<8x1xf32>
    %mul3A_648 = vector.broadcast %get3A_647 : vector<8x1xf32> to vector<8x1024xf32>
    %mul3A_649 = arith.mulf %mul3A_648, %broadcast_in_dim3A_30 : vector<8x1024xf32>
    %add3A_650 = arith.addf %broadcast_in_dim3A_27, %mul3A_649 : vector<8x1024xf32>
    %get3A_651 = arith.constant 232 : index
    %get3A_652 = arith.constant 0 : index
    %get3A_653 = vector.load %arg7[%get3A_651, %get3A_652] : memref<976x1xf32, #tpu.memory_space<vmem>>, vector<8x1xf32>
    %mul3A_654 = vector.broadcast %get3A_653 : vector<8x1xf32> to vector<8x1024xf32>
    %mul3A_655 = arith.mulf %mul3A_654, %broadcast_in_dim3A_33 : vector<8x1024xf32>
    %add3A_656 = arith.addf %add3A_650, %mul3A_655 : vector<8x1024xf32>
    %get3A_657 = arith.constant 232 : index
    %get3A_658 = arith.constant 0 : index
    %get3A_659 = vector.load %arg8[%get3A_657, %get3A_658] : memref<976x1xf32, #tpu.memory_space<vmem>>, vector<8x1xf32>
    %mul3A_660 = vector.broadcast %get3A_659 : vector<8x1xf32> to vector<8x1024xf32>
    %mul3A_661 = arith.mulf %mul3A_660, %broadcast_in_dim3A_36 : vector<8x1024xf32>
    %add3A_662 = arith.addf %add3A_656, %mul3A_661 : vector<8x1024xf32>
    %swap3A_663 = arith.constant 232 : index
    %swap3A_664 = arith.constant 0 : index
    %swap3A_665 = vector.load %arg9[%swap3A_663, %swap3A_664] : memref<976x1024xf32, #tpu.memory_space<vmem>>, vector<8x1024xf32>
    tpu.vector_store %arg9[%swap3A_663, %swap3A_664], %add3A_662 {strides = array<i32>} : memref<976x1024xf32, #tpu.memory_space<vmem>>, vector<8x1024xf32>,
    %get3A_666 = arith.constant 240 : index
    %get3A_667 = arith.constant 0 : index
    %get3A_668 = vector.load %arg6[%get3A_666, %get3A_667] : memref<976x1xf32, #tpu.memory_space<vmem>>, vector<8x1xf32>
    %mul3A_669 = vector.broadcast %get3A_668 : vector<8x1xf32> to vector<8x1024xf32>
    %mul3A_670 = arith.mulf %mul3A_669, %broadcast_in_dim3A_30 : vector<8x1024xf32>
    %add3A_671 = arith.addf %broadcast_in_dim3A_27, %mul3A_670 : vector<8x1024xf32>
    %get3A_672 = arith.constant 240 : index
    %get3A_673 = arith.constant 0 : index
    %get3A_674 = vector.load %arg7[%get3A_672, %get3A_673] : memref<976x1xf32, #tpu.memory_space<vmem>>, vector<8x1xf32>
    %mul3A_675 = vector.broadcast %get3A_674 : vector<8x1xf32> to vector<8x1024xf32>
    %mul3A_676 = arith.mulf %mul3A_675, %broadcast_in_dim3A_33 : vector<8x1024xf32>
    %add3A_677 = arith.addf %add3A_671, %mul3A_676 : vector<8x1024xf32>
    %get3A_678 = arith.constant 240 : index
    %get3A_679 = arith.constant 0 : index
    %get3A_680 = vector.load %arg8[%get3A_678, %get3A_679] : memref<976x1xf32, #tpu.memory_space<vmem>>, vector<8x1xf32>
    %mul3A_681 = vector.broadcast %get3A_680 : vector<8x1xf32> to vector<8x1024xf32>
    %mul3A_682 = arith.mulf %mul3A_681, %broadcast_in_dim3A_36 : vector<8x1024xf32>
    %add3A_683 = arith.addf %add3A_677, %mul3A_682 : vector<8x1024xf32>
    %swap3A_684 = arith.constant 240 : index
    %swap3A_685 = arith.constant 0 : index
    %swap3A_686 = vector.load %arg9[%swap3A_684, %swap3A_685] : memref<976x1024xf32, #tpu.memory_space<vmem>>, vector<8x1024xf32>
    tpu.vector_store %arg9[%swap3A_684, %swap3A_685], %add3A_683 {strides = array<i32>} : memref<976x1024xf32, #tpu.memory_space<vmem>>, vector<8x1024xf32>,
    %get3A_687 = arith.constant 248 : index
    %get3A_688 = arith.constant 0 : index
    %get3A_689 = vector.load %arg6[%get3A_687, %get3A_688] : memref<976x1xf32, #tpu.memory_space<vmem>>, vector<8x1xf32>
    %mul3A_690 = vector.broadcast %get3A_689 : vector<8x1xf32> to vector<8x1024xf32>
    %mul3A_691 = arith.mulf %mul3A_690, %broadcast_in_dim3A_30 : vector<8x1024xf32>
    %add3A_692 = arith.addf %broadcast_in_dim3A_27, %mul3A_691 : vector<8x1024xf32>
    %get3A_693 = arith.constant 248 : index
    %get3A_694 = arith.constant 0 : index
    %get3A_695 = vector.load %arg7[%get3A_693, %get3A_694] : memref<976x1xf32, #tpu.memory_space<vmem>>, vector<8x1xf32>
    %mul3A_696 = vector.broadcast %get3A_695 : vector<8x1xf32> to vector<8x1024xf32>
    %mul3A_697 = arith.mulf %mul3A_696, %broadcast_in_dim3A_33 : vector<8x1024xf32>
    %add3A_698 = arith.addf %add3A_692, %mul3A_697 : vector<8x1024xf32>
    %get3A_699 = arith.constant 248 : index
    %get3A_700 = arith.constant 0 : index
    %get3A_701 = vector.load %arg8[%get3A_699, %get3A_700] : memref<976x1xf32, #tpu.memory_space<vmem>>, vector<8x1xf32>
    %mul3A_702 = vector.broadcast %get3A_701 : vector<8x1xf32> to vector<8x1024xf32>
    %mul3A_703 = arith.mulf %mul3A_702, %broadcast_in_dim3A_36 : vector<8x1024xf32>
    %add3A_704 = arith.addf %add3A_698, %mul3A_703 : vector<8x1024xf32>
    %swap3A_705 = arith.constant 248 : index
    %swap3A_706 = arith.constant 0 : index
    %swap3A_707 = vector.load %arg9[%swap3A_705, %swap3A_706] : memref<976x1024xf32, #tpu.memory_space<vmem>>, vector<8x1024xf32>
    tpu.vector_store %arg9[%swap3A_705, %swap3A_706], %add3A_704 {strides = array<i32>} : memref<976x1024xf32, #tpu.memory_space<vmem>>, vector<8x1024xf32>,
    %get3A_708 = arith.constant 256 : index
    %get3A_709 = arith.constant 0 : index
    %get3A_710 = vector.load %arg6[%get3A_708, %get3A_709] : memref<976x1xf32, #tpu.memory_space<vmem>>, vector<8x1xf32>
    %mul3A_711 = vector.broadcast %get3A_710 : vector<8x1xf32> to vector<8x1024xf32>
    %mul3A_712 = arith.mulf %mul3A_711, %broadcast_in_dim3A_30 : vector<8x1024xf32>
    %add3A_713 = arith.addf %broadcast_in_dim3A_27, %mul3A_712 : vector<8x1024xf32>
    %get3A_714 = arith.constant 256 : index
    %get3A_715 = arith.constant 0 : index
    %get3A_716 = vector.load %arg7[%get3A_714, %get3A_715] : memref<976x1xf32, #tpu.memory_space<vmem>>, vector<8x1xf32>
    %mul3A_717 = vector.broadcast %get3A_716 : vector<8x1xf32> to vector<8x1024xf32>
    %mul3A_718 = arith.mulf %mul3A_717, %broadcast_in_dim3A_33 : vector<8x1024xf32>
    %add3A_719 = arith.addf %add3A_713, %mul3A_718 : vector<8x1024xf32>
    %get3A_720 = arith.constant 256 : index
    %get3A_721 = arith.constant 0 : index
    %get3A_722 = vector.load %arg8[%get3A_720, %get3A_721] : memref<976x1xf32, #tpu.memory_space<vmem>>, vector<8x1xf32>
    %mul3A_723 = vector.broadcast %get3A_722 : vector<8x1xf32> to vector<8x1024xf32>
    %mul3A_724 = arith.mulf %mul3A_723, %broadcast_in_dim3A_36 : vector<8x1024xf32>
    %add3A_725 = arith.addf %add3A_719, %mul3A_724 : vector<8x1024xf32>
    %swap3A_726 = arith.constant 256 : index
    %swap3A_727 = arith.constant 0 : index
    %swap3A_728 = vector.load %arg9[%swap3A_726, %swap3A_727] : memref<976x1024xf32, #tpu.memory_space<vmem>>, vector<8x1024xf32>
    tpu.vector_store %arg9[%swap3A_726, %swap3A_727], %add3A_725 {strides = array<i32>} : memref<976x1024xf32, #tpu.memory_space<vmem>>, vector<8x1024xf32>,
    %get3A_729 = arith.constant 264 : index
    %get3A_730 = arith.constant 0 : index
    %get3A_731 = vector.load %arg6[%get3A_729, %get3A_730] : memref<976x1xf32, #tpu.memory_space<vmem>>, vector<8x1xf32>
    %mul3A_732 = vector.broadcast %get3A_731 : vector<8x1xf32> to vector<8x1024xf32>
    %mul3A_733 = arith.mulf %mul3A_732, %broadcast_in_dim3A_30 : vector<8x1024xf32>
    %add3A_734 = arith.addf %broadcast_in_dim3A_27, %mul3A_733 : vector<8x1024xf32>
    %get3A_735 = arith.constant 264 : index
    %get3A_736 = arith.constant 0 : index
    %get3A_737 = vector.load %arg7[%get3A_735, %get3A_736] : memref<976x1xf32, #tpu.memory_space<vmem>>, vector<8x1xf32>
    %mul3A_738 = vector.broadcast %get3A_737 : vector<8x1xf32> to vector<8x1024xf32>
    %mul3A_739 = arith.mulf %mul3A_738, %broadcast_in_dim3A_33 : vector<8x1024xf32>
    %add3A_740 = arith.addf %add3A_734, %mul3A_739 : vector<8x1024xf32>
    %get3A_741 = arith.constant 264 : index
    %get3A_742 = arith.constant 0 : index
    %get3A_743 = vector.load %arg8[%get3A_741, %get3A_742] : memref<976x1xf32, #tpu.memory_space<vmem>>, vector<8x1xf32>
    %mul3A_744 = vector.broadcast %get3A_743 : vector<8x1xf32> to vector<8x1024xf32>
    %mul3A_745 = arith.mulf %mul3A_744, %broadcast_in_dim3A_36 : vector<8x1024xf32>
    %add3A_746 = arith.addf %add3A_740, %mul3A_745 : vector<8x1024xf32>
    %swap3A_747 = arith.constant 264 : index
    %swap3A_748 = arith.constant 0 : index
    %swap3A_749 = vector.load %arg9[%swap3A_747, %swap3A_748] : memref<976x1024xf32, #tpu.memory_space<vmem>>, vector<8x1024xf32>
    tpu.vector_store %arg9[%swap3A_747, %swap3A_748], %add3A_746 {strides = array<i32>} : memref<976x1024xf32, #tpu.memory_space<vmem>>, vector<8x1024xf32>,
    %get3A_750 = arith.constant 272 : index
    %get3A_751 = arith.constant 0 : index
    %get3A_752 = vector.load %arg6[%get3A_750, %get3A_751] : memref<976x1xf32, #tpu.memory_space<vmem>>, vector<8x1xf32>
    %mul3A_753 = vector.broadcast %get3A_752 : vector<8x1xf32> to vector<8x1024xf32>
    %mul3A_754 = arith.mulf %mul3A_753, %broadcast_in_dim3A_30 : vector<8x1024xf32>
    %add3A_755 = arith.addf %broadcast_in_dim3A_27, %mul3A_754 : vector<8x1024xf32>
    %get3A_756 = arith.constant 272 : index
    %get3A_757 = arith.constant 0 : index
    %get3A_758 = vector.load %arg7[%get3A_756, %get3A_757] : memref<976x1xf32, #tpu.memory_space<vmem>>, vector<8x1xf32>
    %mul3A_759 = vector.broadcast %get3A_758 : vector<8x1xf32> to vector<8x1024xf32>
    %mul3A_760 = arith.mulf %mul3A_759, %broadcast_in_dim3A_33 : vector<8x1024xf32>
    %add3A_761 = arith.addf %add3A_755, %mul3A_760 : vector<8x1024xf32>
    %get3A_762 = arith.constant 272 : index
    %get3A_763 = arith.constant 0 : index
    %get3A_764 = vector.load %arg8[%get3A_762, %get3A_763] : memref<976x1xf32, #tpu.memory_space<vmem>>, vector<8x1xf32>
    %mul3A_765 = vector.broadcast %get3A_764 : vector<8x1xf32> to vector<8x1024xf32>
    %mul3A_766 = arith.mulf %mul3A_765, %broadcast_in_dim3A_36 : vector<8x1024xf32>
    %add3A_767 = arith.addf %add3A_761, %mul3A_766 : vector<8x1024xf32>
    %swap3A_768 = arith.constant 272 : index
    %swap3A_769 = arith.constant 0 : index
    %swap3A_770 = vector.load %arg9[%swap3A_768, %swap3A_769] : memref<976x1024xf32, #tpu.memory_space<vmem>>, vector<8x1024xf32>
    tpu.vector_store %arg9[%swap3A_768, %swap3A_769], %add3A_767 {strides = array<i32>} : memref<976x1024xf32, #tpu.memory_space<vmem>>, vector<8x1024xf32>,
    %get3A_771 = arith.constant 280 : index
    %get3A_772 = arith.constant 0 : index
    %get3A_773 = vector.load %arg6[%get3A_771, %get3A_772] : memref<976x1xf32, #tpu.memory_space<vmem>>, vector<8x1xf32>
    %mul3A_774 = vector.broadcast %get3A_773 : vector<8x1xf32> to vector<8x1024xf32>
    %mul3A_775 = arith.mulf %mul3A_774, %broadcast_in_dim3A_30 : vector<8x1024xf32>
    %add3A_776 = arith.addf %broadcast_in_dim3A_27, %mul3A_775 : vector<8x1024xf32>
    %get3A_777 = arith.constant 280 : index
    %get3A_778 = arith.constant 0 : index
    %get3A_779 = vector.load %arg7[%get3A_777, %get3A_778] : memref<976x1xf32, #tpu.memory_space<vmem>>, vector<8x1xf32>
    %mul3A_780 = vector.broadcast %get3A_779 : vector<8x1xf32> to vector<8x1024xf32>
    %mul3A_781 = arith.mulf %mul3A_780, %broadcast_in_dim3A_33 : vector<8x1024xf32>
    %add3A_782 = arith.addf %add3A_776, %mul3A_781 : vector<8x1024xf32>
    %get3A_783 = arith.constant 280 : index
    %get3A_784 = arith.constant 0 : index
    %get3A_785 = vector.load %arg8[%get3A_783, %get3A_784] : memref<976x1xf32, #tpu.memory_space<vmem>>, vector<8x1xf32>
    %mul3A_786 = vector.broadcast %get3A_785 : vector<8x1xf32> to vector<8x1024xf32>
    %mul3A_787 = arith.mulf %mul3A_786, %broadcast_in_dim3A_36 : vector<8x1024xf32>
    %add3A_788 = arith.addf %add3A_782, %mul3A_787 : vector<8x1024xf32>
    %swap3A_789 = arith.constant 280 : index
    %swap3A_790 = arith.constant 0 : index
    %swap3A_791 = vector.load %arg9[%swap3A_789, %swap3A_790] : memref<976x1024xf32, #tpu.memory_space<vmem>>, vector<8x1024xf32>
    tpu.vector_store %arg9[%swap3A_789, %swap3A_790], %add3A_788 {strides = array<i32>} : memref<976x1024xf32, #tpu.memory_space<vmem>>, vector<8x1024xf32>,
    %get3A_792 = arith.constant 288 : index
    %get3A_793 = arith.constant 0 : index
    %get3A_794 = vector.load %arg6[%get3A_792, %get3A_793] : memref<976x1xf32, #tpu.memory_space<vmem>>, vector<8x1xf32>
    %mul3A_795 = vector.broadcast %get3A_794 : vector<8x1xf32> to vector<8x1024xf32>
    %mul3A_796 = arith.mulf %mul3A_795, %broadcast_in_dim3A_30 : vector<8x1024xf32>
    %add3A_797 = arith.addf %broadcast_in_dim3A_27, %mul3A_796 : vector<8x1024xf32>
    %get3A_798 = arith.constant 288 : index
    %get3A_799 = arith.constant 0 : index
    %get3A_800 = vector.load %arg7[%get3A_798, %get3A_799] : memref<976x1xf32, #tpu.memory_space<vmem>>, vector<8x1xf32>
    %mul3A_801 = vector.broadcast %get3A_800 : vector<8x1xf32> to vector<8x1024xf32>
    %mul3A_802 = arith.mulf %mul3A_801, %broadcast_in_dim3A_33 : vector<8x1024xf32>
    %add3A_803 = arith.addf %add3A_797, %mul3A_802 : vector<8x1024xf32>
    %get3A_804 = arith.constant 288 : index
    %get3A_805 = arith.constant 0 : index
    %get3A_806 = vector.load %arg8[%get3A_804, %get3A_805] : memref<976x1xf32, #tpu.memory_space<vmem>>, vector<8x1xf32>
    %mul3A_807 = vector.broadcast %get3A_806 : vector<8x1xf32> to vector<8x1024xf32>
    %mul3A_808 = arith.mulf %mul3A_807, %broadcast_in_dim3A_36 : vector<8x1024xf32>
    %add3A_809 = arith.addf %add3A_803, %mul3A_808 : vector<8x1024xf32>
    %swap3A_810 = arith.constant 288 : index
    %swap3A_811 = arith.constant 0 : index
    %swap3A_812 = vector.load %arg9[%swap3A_810, %swap3A_811] : memref<976x1024xf32, #tpu.memory_space<vmem>>, vector<8x1024xf32>
    tpu.vector_store %arg9[%swap3A_810, %swap3A_811], %add3A_809 {strides = array<i32>} : memref<976x1024xf32, #tpu.memory_space<vmem>>, vector<8x1024xf32>,
    %get3A_813 = arith.constant 296 : index
    %get3A_814 = arith.constant 0 : index
    %get3A_815 = vector.load %arg6[%get3A_813, %get3A_814] : memref<976x1xf32, #tpu.memory_space<vmem>>, vector<8x1xf32>
    %mul3A_816 = vector.broadcast %get3A_815 : vector<8x1xf32> to vector<8x1024xf32>
    %mul3A_817 = arith.mulf %mul3A_816, %broadcast_in_dim3A_30 : vector<8x1024xf32>
    %add3A_818 = arith.addf %broadcast_in_dim3A_27, %mul3A_817 : vector<8x1024xf32>
    %get3A_819 = arith.constant 296 : index
    %get3A_820 = arith.constant 0 : index
    %get3A_821 = vector.load %arg7[%get3A_819, %get3A_820] : memref<976x1xf32, #tpu.memory_space<vmem>>, vector<8x1xf32>
    %mul3A_822 = vector.broadcast %get3A_821 : vector<8x1xf32> to vector<8x1024xf32>
    %mul3A_823 = arith.mulf %mul3A_822, %broadcast_in_dim3A_33 : vector<8x1024xf32>
    %add3A_824 = arith.addf %add3A_818, %mul3A_823 : vector<8x1024xf32>
    %get3A_825 = arith.constant 296 : index
    %get3A_826 = arith.constant 0 : index
    %get3A_827 = vector.load %arg8[%get3A_825, %get3A_826] : memref<976x1xf32, #tpu.memory_space<vmem>>, vector<8x1xf32>
    %mul3A_828 = vector.broadcast %get3A_827 : vector<8x1xf32> to vector<8x1024xf32>
    %mul3A_829 = arith.mulf %mul3A_828, %broadcast_in_dim3A_36 : vector<8x1024xf32>
    %add3A_830 = arith.addf %add3A_824, %mul3A_829 : vector<8x1024xf32>
    %swap3A_831 = arith.constant 296 : index
    %swap3A_832 = arith.constant 0 : index
    %swap3A_833 = vector.load %arg9[%swap3A_831, %swap3A_832] : memref<976x1024xf32, #tpu.memory_space<vmem>>, vector<8x1024xf32>
    tpu.vector_store %arg9[%swap3A_831, %swap3A_832], %add3A_830 {strides = array<i32>} : memref<976x1024xf32, #tpu.memory_space<vmem>>, vector<8x1024xf32>,
    %get3A_834 = arith.constant 304 : index
    %get3A_835 = arith.constant 0 : index
    %get3A_836 = vector.load %arg6[%get3A_834, %get3A_835] : memref<976x1xf32, #tpu.memory_space<vmem>>, vector<8x1xf32>
    %mul3A_837 = vector.broadcast %get3A_836 : vector<8x1xf32> to vector<8x1024xf32>
    %mul3A_838 = arith.mulf %mul3A_837, %broadcast_in_dim3A_30 : vector<8x1024xf32>
    %add3A_839 = arith.addf %broadcast_in_dim3A_27, %mul3A_838 : vector<8x1024xf32>
    %get3A_840 = arith.constant 304 : index
    %get3A_841 = arith.constant 0 : index
    %get3A_842 = vector.load %arg7[%get3A_840, %get3A_841] : memref<976x1xf32, #tpu.memory_space<vmem>>, vector<8x1xf32>
    %mul3A_843 = vector.broadcast %get3A_842 : vector<8x1xf32> to vector<8x1024xf32>
    %mul3A_844 = arith.mulf %mul3A_843, %broadcast_in_dim3A_33 : vector<8x1024xf32>
    %add3A_845 = arith.addf %add3A_839, %mul3A_844 : vector<8x1024xf32>
    %get3A_846 = arith.constant 304 : index
    %get3A_847 = arith.constant 0 : index
    %get3A_848 = vector.load %arg8[%get3A_846, %get3A_847] : memref<976x1xf32, #tpu.memory_space<vmem>>, vector<8x1xf32>
    %mul3A_849 = vector.broadcast %get3A_848 : vector<8x1xf32> to vector<8x1024xf32>
    %mul3A_850 = arith.mulf %mul3A_849, %broadcast_in_dim3A_36 : vector<8x1024xf32>
    %add3A_851 = arith.addf %add3A_845, %mul3A_850 : vector<8x1024xf32>
    %swap3A_852 = arith.constant 304 : index
    %swap3A_853 = arith.constant 0 : index
    %swap3A_854 = vector.load %arg9[%swap3A_852, %swap3A_853] : memref<976x1024xf32, #tpu.memory_space<vmem>>, vector<8x1024xf32>
    tpu.vector_store %arg9[%swap3A_852, %swap3A_853], %add3A_851 {strides = array<i32>} : memref<976x1024xf32, #tpu.memory_space<vmem>>, vector<8x1024xf32>,
    %get3A_855 = arith.constant 312 : index
    %get3A_856 = arith.constant 0 : index
    %get3A_857 = vector.load %arg6[%get3A_855, %get3A_856] : memref<976x1xf32, #tpu.memory_space<vmem>>, vector<8x1xf32>
    %mul3A_858 = vector.broadcast %get3A_857 : vector<8x1xf32> to vector<8x1024xf32>
    %mul3A_859 = arith.mulf %mul3A_858, %broadcast_in_dim3A_30 : vector<8x1024xf32>
    %add3A_860 = arith.addf %broadcast_in_dim3A_27, %mul3A_859 : vector<8x1024xf32>
    %get3A_861 = arith.constant 312 : index
    %get3A_862 = arith.constant 0 : index
    %get3A_863 = vector.load %arg7[%get3A_861, %get3A_862] : memref<976x1xf32, #tpu.memory_space<vmem>>, vector<8x1xf32>
    %mul3A_864 = vector.broadcast %get3A_863 : vector<8x1xf32> to vector<8x1024xf32>
    %mul3A_865 = arith.mulf %mul3A_864, %broadcast_in_dim3A_33 : vector<8x1024xf32>
    %add3A_866 = arith.addf %add3A_860, %mul3A_865 : vector<8x1024xf32>
    %get3A_867 = arith.constant 312 : index
    %get3A_868 = arith.constant 0 : index
    %get3A_869 = vector.load %arg8[%get3A_867, %get3A_868] : memref<976x1xf32, #tpu.memory_space<vmem>>, vector<8x1xf32>
    %mul3A_870 = vector.broadcast %get3A_869 : vector<8x1xf32> to vector<8x1024xf32>
    %mul3A_871 = arith.mulf %mul3A_870, %broadcast_in_dim3A_36 : vector<8x1024xf32>
    %add3A_872 = arith.addf %add3A_866, %mul3A_871 : vector<8x1024xf32>
    %swap3A_873 = arith.constant 312 : index
    %swap3A_874 = arith.constant 0 : index
    %swap3A_875 = vector.load %arg9[%swap3A_873, %swap3A_874] : memref<976x1024xf32, #tpu.memory_space<vmem>>, vector<8x1024xf32>
    tpu.vector_store %arg9[%swap3A_873, %swap3A_874], %add3A_872 {strides = array<i32>} : memref<976x1024xf32, #tpu.memory_space<vmem>>, vector<8x1024xf32>,
    %get3A_876 = arith.constant 320 : index
    %get3A_877 = arith.constant 0 : index
    %get3A_878 = vector.load %arg6[%get3A_876, %get3A_877] : memref<976x1xf32, #tpu.memory_space<vmem>>, vector<8x1xf32>
    %mul3A_879 = vector.broadcast %get3A_878 : vector<8x1xf32> to vector<8x1024xf32>
    %mul3A_880 = arith.mulf %mul3A_879, %broadcast_in_dim3A_30 : vector<8x1024xf32>
    %add3A_881 = arith.addf %broadcast_in_dim3A_27, %mul3A_880 : vector<8x1024xf32>
    %get3A_882 = arith.constant 320 : index
    %get3A_883 = arith.constant 0 : index
    %get3A_884 = vector.load %arg7[%get3A_882, %get3A_883] : memref<976x1xf32, #tpu.memory_space<vmem>>, vector<8x1xf32>
    %mul3A_885 = vector.broadcast %get3A_884 : vector<8x1xf32> to vector<8x1024xf32>
    %mul3A_886 = arith.mulf %mul3A_885, %broadcast_in_dim3A_33 : vector<8x1024xf32>
    %add3A_887 = arith.addf %add3A_881, %mul3A_886 : vector<8x1024xf32>
    %get3A_888 = arith.constant 320 : index
    %get3A_889 = arith.constant 0 : index
    %get3A_890 = vector.load %arg8[%get3A_888, %get3A_889] : memref<976x1xf32, #tpu.memory_space<vmem>>, vector<8x1xf32>
    %mul3A_891 = vector.broadcast %get3A_890 : vector<8x1xf32> to vector<8x1024xf32>
    %mul3A_892 = arith.mulf %mul3A_891, %broadcast_in_dim3A_36 : vector<8x1024xf32>
    %add3A_893 = arith.addf %add3A_887, %mul3A_892 : vector<8x1024xf32>
    %swap3A_894 = arith.constant 320 : index
    %swap3A_895 = arith.constant 0 : index
    %swap3A_896 = vector.load %arg9[%swap3A_894, %swap3A_895] : memref<976x1024xf32, #tpu.memory_space<vmem>>, vector<8x1024xf32>
    tpu.vector_store %arg9[%swap3A_894, %swap3A_895], %add3A_893 {strides = array<i32>} : memref<976x1024xf32, #tpu.memory_space<vmem>>, vector<8x1024xf32>,
    %get3A_897 = arith.constant 328 : index
    %get3A_898 = arith.constant 0 : index
    %get3A_899 = vector.load %arg6[%get3A_897, %get3A_898] : memref<976x1xf32, #tpu.memory_space<vmem>>, vector<8x1xf32>
    %mul3A_900 = vector.broadcast %get3A_899 : vector<8x1xf32> to vector<8x1024xf32>
    %mul3A_901 = arith.mulf %mul3A_900, %broadcast_in_dim3A_30 : vector<8x1024xf32>
    %add3A_902 = arith.addf %broadcast_in_dim3A_27, %mul3A_901 : vector<8x1024xf32>
    %get3A_903 = arith.constant 328 : index
    %get3A_904 = arith.constant 0 : index
    %get3A_905 = vector.load %arg7[%get3A_903, %get3A_904] : memref<976x1xf32, #tpu.memory_space<vmem>>, vector<8x1xf32>
    %mul3A_906 = vector.broadcast %get3A_905 : vector<8x1xf32> to vector<8x1024xf32>
    %mul3A_907 = arith.mulf %mul3A_906, %broadcast_in_dim3A_33 : vector<8x1024xf32>
    %add3A_908 = arith.addf %add3A_902, %mul3A_907 : vector<8x1024xf32>
    %get3A_909 = arith.constant 328 : index
    %get3A_910 = arith.constant 0 : index
    %get3A_911 = vector.load %arg8[%get3A_909, %get3A_910] : memref<976x1xf32, #tpu.memory_space<vmem>>, vector<8x1xf32>
    %mul3A_912 = vector.broadcast %get3A_911 : vector<8x1xf32> to vector<8x1024xf32>
    %mul3A_913 = arith.mulf %mul3A_912, %broadcast_in_dim3A_36 : vector<8x1024xf32>
    %add3A_914 = arith.addf %add3A_908, %mul3A_913 : vector<8x1024xf32>
    %swap3A_915 = arith.constant 328 : index
    %swap3A_916 = arith.constant 0 : index
    %swap3A_917 = vector.load %arg9[%swap3A_915, %swap3A_916] : memref<976x1024xf32, #tpu.memory_space<vmem>>, vector<8x1024xf32>
    tpu.vector_store %arg9[%swap3A_915, %swap3A_916], %add3A_914 {strides = array<i32>} : memref<976x1024xf32, #tpu.memory_space<vmem>>, vector<8x1024xf32>,
    %get3A_918 = arith.constant 336 : index
    %get3A_919 = arith.constant 0 : index
    %get3A_920 = vector.load %arg6[%get3A_918, %get3A_919] : memref<976x1xf32, #tpu.memory_space<vmem>>, vector<8x1xf32>
    %mul3A_921 = vector.broadcast %get3A_920 : vector<8x1xf32> to vector<8x1024xf32>
    %mul3A_922 = arith.mulf %mul3A_921, %broadcast_in_dim3A_30 : vector<8x1024xf32>
    %add3A_923 = arith.addf %broadcast_in_dim3A_27, %mul3A_922 : vector<8x1024xf32>
    %get3A_924 = arith.constant 336 : index
    %get3A_925 = arith.constant 0 : index
    %get3A_926 = vector.load %arg7[%get3A_924, %get3A_925] : memref<976x1xf32, #tpu.memory_space<vmem>>, vector<8x1xf32>
    %mul3A_927 = vector.broadcast %get3A_926 : vector<8x1xf32> to vector<8x1024xf32>
    %mul3A_928 = arith.mulf %mul3A_927, %broadcast_in_dim3A_33 : vector<8x1024xf32>
    %add3A_929 = arith.addf %add3A_923, %mul3A_928 : vector<8x1024xf32>
    %get3A_930 = arith.constant 336 : index
    %get3A_931 = arith.constant 0 : index
    %get3A_932 = vector.load %arg8[%get3A_930, %get3A_931] : memref<976x1xf32, #tpu.memory_space<vmem>>, vector<8x1xf32>
    %mul3A_933 = vector.broadcast %get3A_932 : vector<8x1xf32> to vector<8x1024xf32>
    %mul3A_934 = arith.mulf %mul3A_933, %broadcast_in_dim3A_36 : vector<8x1024xf32>
    %add3A_935 = arith.addf %add3A_929, %mul3A_934 : vector<8x1024xf32>
    %swap3A_936 = arith.constant 336 : index
    %swap3A_937 = arith.constant 0 : index
    %swap3A_938 = vector.load %arg9[%swap3A_936, %swap3A_937] : memref<976x1024xf32, #tpu.memory_space<vmem>>, vector<8x1024xf32>
    tpu.vector_store %arg9[%swap3A_936, %swap3A_937], %add3A_935 {strides = array<i32>} : memref<976x1024xf32, #tpu.memory_space<vmem>>, vector<8x1024xf32>,
    %get3A_939 = arith.constant 344 : index
    %get3A_940 = arith.constant 0 : index
    %get3A_941 = vector.load %arg6[%get3A_939, %get3A_940] : memref<976x1xf32, #tpu.memory_space<vmem>>, vector<8x1xf32>
    %mul3A_942 = vector.broadcast %get3A_941 : vector<8x1xf32> to vector<8x1024xf32>
    %mul3A_943 = arith.mulf %mul3A_942, %broadcast_in_dim3A_30 : vector<8x1024xf32>
    %add3A_944 = arith.addf %broadcast_in_dim3A_27, %mul3A_943 : vector<8x1024xf32>
    %get3A_945 = arith.constant 344 : index
    %get3A_946 = arith.constant 0 : index
    %get3A_947 = vector.load %arg7[%get3A_945, %get3A_946] : memref<976x1xf32, #tpu.memory_space<vmem>>, vector<8x1xf32>
    %mul3A_948 = vector.broadcast %get3A_947 : vector<8x1xf32> to vector<8x1024xf32>
    %mul3A_949 = arith.mulf %mul3A_948, %broadcast_in_dim3A_33 : vector<8x1024xf32>
    %add3A_950 = arith.addf %add3A_944, %mul3A_949 : vector<8x1024xf32>
    %get3A_951 = arith.constant 344 : index
    %get3A_952 = arith.constant 0 : index
    %get3A_953 = vector.load %arg8[%get3A_951, %get3A_952] : memref<976x1xf32, #tpu.memory_space<vmem>>, vector<8x1xf32>
    %mul3A_954 = vector.broadcast %get3A_953 : vector<8x1xf32> to vector<8x1024xf32>
    %mul3A_955 = arith.mulf %mul3A_954, %broadcast_in_dim3A_36 : vector<8x1024xf32>
    %add3A_956 = arith.addf %add3A_950, %mul3A_955 : vector<8x1024xf32>
    %swap3A_957 = arith.constant 344 : index
    %swap3A_958 = arith.constant 0 : index
    %swap3A_959 = vector.load %arg9[%swap3A_957, %swap3A_958] : memref<976x1024xf32, #tpu.memory_space<vmem>>, vector<8x1024xf32>
    tpu.vector_store %arg9[%swap3A_957, %swap3A_958], %add3A_956 {strides = array<i32>} : memref<976x1024xf32, #tpu.memory_space<vmem>>, vector<8x1024xf32>,
    %get3A_960 = arith.constant 352 : index
    %get3A_961 = arith.constant 0 : index
    %get3A_962 = vector.load %arg6[%get3A_960, %get3A_961] : memref<976x1xf32, #tpu.memory_space<vmem>>, vector<8x1xf32>
    %mul3A_963 = vector.broadcast %get3A_962 : vector<8x1xf32> to vector<8x1024xf32>
    %mul3A_964 = arith.mulf %mul3A_963, %broadcast_in_dim3A_30 : vector<8x1024xf32>
    %add3A_965 = arith.addf %broadcast_in_dim3A_27, %mul3A_964 : vector<8x1024xf32>
    %get3A_966 = arith.constant 352 : index
    %get3A_967 = arith.constant 0 : index
    %get3A_968 = vector.load %arg7[%get3A_966, %get3A_967] : memref<976x1xf32, #tpu.memory_space<vmem>>, vector<8x1xf32>
    %mul3A_969 = vector.broadcast %get3A_968 : vector<8x1xf32> to vector<8x1024xf32>
    %mul3A_970 = arith.mulf %mul3A_969, %broadcast_in_dim3A_33 : vector<8x1024xf32>
    %add3A_971 = arith.addf %add3A_965, %mul3A_970 : vector<8x1024xf32>
    %get3A_972 = arith.constant 352 : index
    %get3A_973 = arith.constant 0 : index
    %get3A_974 = vector.load %arg8[%get3A_972, %get3A_973] : memref<976x1xf32, #tpu.memory_space<vmem>>, vector<8x1xf32>
    %mul3A_975 = vector.broadcast %get3A_974 : vector<8x1xf32> to vector<8x1024xf32>
    %mul3A_976 = arith.mulf %mul3A_975, %broadcast_in_dim3A_36 : vector<8x1024xf32>
    %add3A_977 = arith.addf %add3A_971, %mul3A_976 : vector<8x1024xf32>
    %swap3A_978 = arith.constant 352 : index
    %swap3A_979 = arith.constant 0 : index
    %swap3A_980 = vector.load %arg9[%swap3A_978, %swap3A_979] : memref<976x1024xf32, #tpu.memory_space<vmem>>, vector<8x1024xf32>
    tpu.vector_store %arg9[%swap3A_978, %swap3A_979], %add3A_977 {strides = array<i32>} : memref<976x1024xf32, #tpu.memory_space<vmem>>, vector<8x1024xf32>,
    %get3A_981 = arith.constant 360 : index
    %get3A_982 = arith.constant 0 : index
    %get3A_983 = vector.load %arg6[%get3A_981, %get3A_982] : memref<976x1xf32, #tpu.memory_space<vmem>>, vector<8x1xf32>
    %mul3A_984 = vector.broadcast %get3A_983 : vector<8x1xf32> to vector<8x1024xf32>
    %mul3A_985 = arith.mulf %mul3A_984, %broadcast_in_dim3A_30 : vector<8x1024xf32>
    %add3A_986 = arith.addf %broadcast_in_dim3A_27, %mul3A_985 : vector<8x1024xf32>
    %get3A_987 = arith.constant 360 : index
    %get3A_988 = arith.constant 0 : index
    %get3A_989 = vector.load %arg7[%get3A_987, %get3A_988] : memref<976x1xf32, #tpu.memory_space<vmem>>, vector<8x1xf32>
    %mul3A_990 = vector.broadcast %get3A_989 : vector<8x1xf32> to vector<8x1024xf32>
    %mul3A_991 = arith.mulf %mul3A_990, %broadcast_in_dim3A_33 : vector<8x1024xf32>
    %add3A_992 = arith.addf %add3A_986, %mul3A_991 : vector<8x1024xf32>
    %get3A_993 = arith.constant 360 : index
    %get3A_994 = arith.constant 0 : index
    %get3A_995 = vector.load %arg8[%get3A_993, %get3A_994] : memref<976x1xf32, #tpu.memory_space<vmem>>, vector<8x1xf32>
    %mul3A_996 = vector.broadcast %get3A_995 : vector<8x1xf32> to vector<8x1024xf32>
    %mul3A_997 = arith.mulf %mul3A_996, %broadcast_in_dim3A_36 : vector<8x1024xf32>
    %add3A_998 = arith.addf %add3A_992, %mul3A_997 : vector<8x1024xf32>
    %swap3A_999 = arith.constant 360 : index
    %swap3A_1000 = arith.constant 0 : index
    %swap3A_1001 = vector.load %arg9[%swap3A_999, %swap3A_1000] : memref<976x1024xf32, #tpu.memory_space<vmem>>, vector<8x1024xf32>
    tpu.vector_store %arg9[%swap3A_999, %swap3A_1000], %add3A_998 {strides = array<i32>} : memref<976x1024xf32, #tpu.memory_space<vmem>>, vector<8x1024xf32>,
    %get3A_1002 = arith.constant 368 : index
    %get3A_1003 = arith.constant 0 : index
    %get3A_1004 = vector.load %arg6[%get3A_1002, %get3A_1003] : memref<976x1xf32, #tpu.memory_space<vmem>>, vector<8x1xf32>
    %mul3A_1005 = vector.broadcast %get3A_1004 : vector<8x1xf32> to vector<8x1024xf32>
    %mul3A_1006 = arith.mulf %mul3A_1005, %broadcast_in_dim3A_30 : vector<8x1024xf32>
    %add3A_1007 = arith.addf %broadcast_in_dim3A_27, %mul3A_1006 : vector<8x1024xf32>
    %get3A_1008 = arith.constant 368 : index
    %get3A_1009 = arith.constant 0 : index
    %get3A_1010 = vector.load %arg7[%get3A_1008, %get3A_1009] : memref<976x1xf32, #tpu.memory_space<vmem>>, vector<8x1xf32>
    %mul3A_1011 = vector.broadcast %get3A_1010 : vector<8x1xf32> to vector<8x1024xf32>
    %mul3A_1012 = arith.mulf %mul3A_1011, %broadcast_in_dim3A_33 : vector<8x1024xf32>
    %add3A_1013 = arith.addf %add3A_1007, %mul3A_1012 : vector<8x1024xf32>
    %get3A_1014 = arith.constant 368 : index
    %get3A_1015 = arith.constant 0 : index
    %get3A_1016 = vector.load %arg8[%get3A_1014, %get3A_1015] : memref<976x1xf32, #tpu.memory_space<vmem>>, vector<8x1xf32>
    %mul3A_1017 = vector.broadcast %get3A_1016 : vector<8x1xf32> to vector<8x1024xf32>
    %mul3A_1018 = arith.mulf %mul3A_1017, %broadcast_in_dim3A_36 : vector<8x1024xf32>
    %add3A_1019 = arith.addf %add3A_1013, %mul3A_1018 : vector<8x1024xf32>
    %swap3A_1020 = arith.constant 368 : index
    %swap3A_1021 = arith.constant 0 : index
    %swap3A_1022 = vector.load %arg9[%swap3A_1020, %swap3A_1021] : memref<976x1024xf32, #tpu.memory_space<vmem>>, vector<8x1024xf32>
    tpu.vector_store %arg9[%swap3A_1020, %swap3A_1021], %add3A_1019 {strides = array<i32>} : memref<976x1024xf32, #tpu.memory_space<vmem>>, vector<8x1024xf32>,
    %get3A_1023 = arith.constant 376 : index
    %get3A_1024 = arith.constant 0 : index
    %get3A_1025 = vector.load %arg6[%get3A_1023, %get3A_1024] : memref<976x1xf32, #tpu.memory_space<vmem>>, vector<8x1xf32>
    %mul3A_1026 = vector.broadcast %get3A_1025 : vector<8x1xf32> to vector<8x1024xf32>
    %mul3A_1027 = arith.mulf %mul3A_1026, %broadcast_in_dim3A_30 : vector<8x1024xf32>
    %add3A_1028 = arith.addf %broadcast_in_dim3A_27, %mul3A_1027 : vector<8x1024xf32>
    %get3A_1029 = arith.constant 376 : index
    %get3A_1030 = arith.constant 0 : index
    %get3A_1031 = vector.load %arg7[%get3A_1029, %get3A_1030] : memref<976x1xf32, #tpu.memory_space<vmem>>, vector<8x1xf32>
    %mul3A_1032 = vector.broadcast %get3A_1031 : vector<8x1xf32> to vector<8x1024xf32>
    %mul3A_1033 = arith.mulf %mul3A_1032, %broadcast_in_dim3A_33 : vector<8x1024xf32>
    %add3A_1034 = arith.addf %add3A_1028, %mul3A_1033 : vector<8x1024xf32>
    %get3A_1035 = arith.constant 376 : index
    %get3A_1036 = arith.constant 0 : index
    %get3A_1037 = vector.load %arg8[%get3A_1035, %get3A_1036] : memref<976x1xf32, #tpu.memory_space<vmem>>, vector<8x1xf32>
    %mul3A_1038 = vector.broadcast %get3A_1037 : vector<8x1xf32> to vector<8x1024xf32>
    %mul3A_1039 = arith.mulf %mul3A_1038, %broadcast_in_dim3A_36 : vector<8x1024xf32>
    %add3A_1040 = arith.addf %add3A_1034, %mul3A_1039 : vector<8x1024xf32>
    %swap3A_1041 = arith.constant 376 : index
    %swap3A_1042 = arith.constant 0 : index
    %swap3A_1043 = vector.load %arg9[%swap3A_1041, %swap3A_1042] : memref<976x1024xf32, #tpu.memory_space<vmem>>, vector<8x1024xf32>
    tpu.vector_store %arg9[%swap3A_1041, %swap3A_1042], %add3A_1040 {strides = array<i32>} : memref<976x1024xf32, #tpu.memory_space<vmem>>, vector<8x1024xf32>,
    %get3A_1044 = arith.constant 384 : index
    %get3A_1045 = arith.constant 0 : index
    %get3A_1046 = vector.load %arg6[%get3A_1044, %get3A_1045] : memref<976x1xf32, #tpu.memory_space<vmem>>, vector<8x1xf32>
    %mul3A_1047 = vector.broadcast %get3A_1046 : vector<8x1xf32> to vector<8x1024xf32>
    %mul3A_1048 = arith.mulf %mul3A_1047, %broadcast_in_dim3A_30 : vector<8x1024xf32>
    %add3A_1049 = arith.addf %broadcast_in_dim3A_27, %mul3A_1048 : vector<8x1024xf32>
    %get3A_1050 = arith.constant 384 : index
    %get3A_1051 = arith.constant 0 : index
    %get3A_1052 = vector.load %arg7[%get3A_1050, %get3A_1051] : memref<976x1xf32, #tpu.memory_space<vmem>>, vector<8x1xf32>
    %mul3A_1053 = vector.broadcast %get3A_1052 : vector<8x1xf32> to vector<8x1024xf32>
    %mul3A_1054 = arith.mulf %mul3A_1053, %broadcast_in_dim3A_33 : vector<8x1024xf32>
    %add3A_1055 = arith.addf %add3A_1049, %mul3A_1054 : vector<8x1024xf32>
    %get3A_1056 = arith.constant 384 : index
    %get3A_1057 = arith.constant 0 : index
    %get3A_1058 = vector.load %arg8[%get3A_1056, %get3A_1057] : memref<976x1xf32, #tpu.memory_space<vmem>>, vector<8x1xf32>
    %mul3A_1059 = vector.broadcast %get3A_1058 : vector<8x1xf32> to vector<8x1024xf32>
    %mul3A_1060 = arith.mulf %mul3A_1059, %broadcast_in_dim3A_36 : vector<8x1024xf32>
    %add3A_1061 = arith.addf %add3A_1055, %mul3A_1060 : vector<8x1024xf32>
    %swap3A_1062 = arith.constant 384 : index
    %swap3A_1063 = arith.constant 0 : index
    %swap3A_1064 = vector.load %arg9[%swap3A_1062, %swap3A_1063] : memref<976x1024xf32, #tpu.memory_space<vmem>>, vector<8x1024xf32>
    tpu.vector_store %arg9[%swap3A_1062, %swap3A_1063], %add3A_1061 {strides = array<i32>} : memref<976x1024xf32, #tpu.memory_space<vmem>>, vector<8x1024xf32>,
    %get3A_1065 = arith.constant 392 : index
    %get3A_1066 = arith.constant 0 : index
    %get3A_1067 = vector.load %arg6[%get3A_1065, %get3A_1066] : memref<976x1xf32, #tpu.memory_space<vmem>>, vector<8x1xf32>
    %mul3A_1068 = vector.broadcast %get3A_1067 : vector<8x1xf32> to vector<8x1024xf32>
    %mul3A_1069 = arith.mulf %mul3A_1068, %broadcast_in_dim3A_30 : vector<8x1024xf32>
    %add3A_1070 = arith.addf %broadcast_in_dim3A_27, %mul3A_1069 : vector<8x1024xf32>
    %get3A_1071 = arith.constant 392 : index
    %get3A_1072 = arith.constant 0 : index
    %get3A_1073 = vector.load %arg7[%get3A_1071, %get3A_1072] : memref<976x1xf32, #tpu.memory_space<vmem>>, vector<8x1xf32>
    %mul3A_1074 = vector.broadcast %get3A_1073 : vector<8x1xf32> to vector<8x1024xf32>
    %mul3A_1075 = arith.mulf %mul3A_1074, %broadcast_in_dim3A_33 : vector<8x1024xf32>
    %add3A_1076 = arith.addf %add3A_1070, %mul3A_1075 : vector<8x1024xf32>
    %get3A_1077 = arith.constant 392 : index
    %get3A_1078 = arith.constant 0 : index
    %get3A_1079 = vector.load %arg8[%get3A_1077, %get3A_1078] : memref<976x1xf32, #tpu.memory_space<vmem>>, vector<8x1xf32>
    %mul3A_1080 = vector.broadcast %get3A_1079 : vector<8x1xf32> to vector<8x1024xf32>
    %mul3A_1081 = arith.mulf %mul3A_1080, %broadcast_in_dim3A_36 : vector<8x1024xf32>
    %add3A_1082 = arith.addf %add3A_1076, %mul3A_1081 : vector<8x1024xf32>
    %swap3A_1083 = arith.constant 392 : index
    %swap3A_1084 = arith.constant 0 : index
    %swap3A_1085 = vector.load %arg9[%swap3A_1083, %swap3A_1084] : memref<976x1024xf32, #tpu.memory_space<vmem>>, vector<8x1024xf32>
    tpu.vector_store %arg9[%swap3A_1083, %swap3A_1084], %add3A_1082 {strides = array<i32>} : memref<976x1024xf32, #tpu.memory_space<vmem>>, vector<8x1024xf32>,
    %get3A_1086 = arith.constant 400 : index
    %get3A_1087 = arith.constant 0 : index
    %get3A_1088 = vector.load %arg6[%get3A_1086, %get3A_1087] : memref<976x1xf32, #tpu.memory_space<vmem>>, vector<8x1xf32>
    %mul3A_1089 = vector.broadcast %get3A_1088 : vector<8x1xf32> to vector<8x1024xf32>
    %mul3A_1090 = arith.mulf %mul3A_1089, %broadcast_in_dim3A_30 : vector<8x1024xf32>
    %add3A_1091 = arith.addf %broadcast_in_dim3A_27, %mul3A_1090 : vector<8x1024xf32>
    %get3A_1092 = arith.constant 400 : index
    %get3A_1093 = arith.constant 0 : index
    %get3A_1094 = vector.load %arg7[%get3A_1092, %get3A_1093] : memref<976x1xf32, #tpu.memory_space<vmem>>, vector<8x1xf32>
    %mul3A_1095 = vector.broadcast %get3A_1094 : vector<8x1xf32> to vector<8x1024xf32>
    %mul3A_1096 = arith.mulf %mul3A_1095, %broadcast_in_dim3A_33 : vector<8x1024xf32>
    %add3A_1097 = arith.addf %add3A_1091, %mul3A_1096 : vector<8x1024xf32>
    %get3A_1098 = arith.constant 400 : index
    %get3A_1099 = arith.constant 0 : index
    %get3A_1100 = vector.load %arg8[%get3A_1098, %get3A_1099] : memref<976x1xf32, #tpu.memory_space<vmem>>, vector<8x1xf32>
    %mul3A_1101 = vector.broadcast %get3A_1100 : vector<8x1xf32> to vector<8x1024xf32>
    %mul3A_1102 = arith.mulf %mul3A_1101, %broadcast_in_dim3A_36 : vector<8x1024xf32>
    %add3A_1103 = arith.addf %add3A_1097, %mul3A_1102 : vector<8x1024xf32>
    %swap3A_1104 = arith.constant 400 : index
    %swap3A_1105 = arith.constant 0 : index
    %swap3A_1106 = vector.load %arg9[%swap3A_1104, %swap3A_1105] : memref<976x1024xf32, #tpu.memory_space<vmem>>, vector<8x1024xf32>
    tpu.vector_store %arg9[%swap3A_1104, %swap3A_1105], %add3A_1103 {strides = array<i32>} : memref<976x1024xf32, #tpu.memory_space<vmem>>, vector<8x1024xf32>,
    %get3A_1107 = arith.constant 408 : index
    %get3A_1108 = arith.constant 0 : index
    %get3A_1109 = vector.load %arg6[%get3A_1107, %get3A_1108] : memref<976x1xf32, #tpu.memory_space<vmem>>, vector<8x1xf32>
    %mul3A_1110 = vector.broadcast %get3A_1109 : vector<8x1xf32> to vector<8x1024xf32>
    %mul3A_1111 = arith.mulf %mul3A_1110, %broadcast_in_dim3A_30 : vector<8x1024xf32>
    %add3A_1112 = arith.addf %broadcast_in_dim3A_27, %mul3A_1111 : vector<8x1024xf32>
    %get3A_1113 = arith.constant 408 : index
    %get3A_1114 = arith.constant 0 : index
    %get3A_1115 = vector.load %arg7[%get3A_1113, %get3A_1114] : memref<976x1xf32, #tpu.memory_space<vmem>>, vector<8x1xf32>
    %mul3A_1116 = vector.broadcast %get3A_1115 : vector<8x1xf32> to vector<8x1024xf32>
    %mul3A_1117 = arith.mulf %mul3A_1116, %broadcast_in_dim3A_33 : vector<8x1024xf32>
    %add3A_1118 = arith.addf %add3A_1112, %mul3A_1117 : vector<8x1024xf32>
    %get3A_1119 = arith.constant 408 : index
    %get3A_1120 = arith.constant 0 : index
    %get3A_1121 = vector.load %arg8[%get3A_1119, %get3A_1120] : memref<976x1xf32, #tpu.memory_space<vmem>>, vector<8x1xf32>
    %mul3A_1122 = vector.broadcast %get3A_1121 : vector<8x1xf32> to vector<8x1024xf32>
    %mul3A_1123 = arith.mulf %mul3A_1122, %broadcast_in_dim3A_36 : vector<8x1024xf32>
    %add3A_1124 = arith.addf %add3A_1118, %mul3A_1123 : vector<8x1024xf32>
    %swap3A_1125 = arith.constant 408 : index
    %swap3A_1126 = arith.constant 0 : index
    %swap3A_1127 = vector.load %arg9[%swap3A_1125, %swap3A_1126] : memref<976x1024xf32, #tpu.memory_space<vmem>>, vector<8x1024xf32>
    tpu.vector_store %arg9[%swap3A_1125, %swap3A_1126], %add3A_1124 {strides = array<i32>} : memref<976x1024xf32, #tpu.memory_space<vmem>>, vector<8x1024xf32>,
    %get3A_1128 = arith.constant 416 : index
    %get3A_1129 = arith.constant 0 : index
    %get3A_1130 = vector.load %arg6[%get3A_1128, %get3A_1129] : memref<976x1xf32, #tpu.memory_space<vmem>>, vector<8x1xf32>
    %mul3A_1131 = vector.broadcast %get3A_1130 : vector<8x1xf32> to vector<8x1024xf32>
    %mul3A_1132 = arith.mulf %mul3A_1131, %broadcast_in_dim3A_30 : vector<8x1024xf32>
    %add3A_1133 = arith.addf %broadcast_in_dim3A_27, %mul3A_1132 : vector<8x1024xf32>
    %get3A_1134 = arith.constant 416 : index
    %get3A_1135 = arith.constant 0 : index
    %get3A_1136 = vector.load %arg7[%get3A_1134, %get3A_1135] : memref<976x1xf32, #tpu.memory_space<vmem>>, vector<8x1xf32>
    %mul3A_1137 = vector.broadcast %get3A_1136 : vector<8x1xf32> to vector<8x1024xf32>
    %mul3A_1138 = arith.mulf %mul3A_1137, %broadcast_in_dim3A_33 : vector<8x1024xf32>
    %add3A_1139 = arith.addf %add3A_1133, %mul3A_1138 : vector<8x1024xf32>
    %get3A_1140 = arith.constant 416 : index
    %get3A_1141 = arith.constant 0 : index
    %get3A_1142 = vector.load %arg8[%get3A_1140, %get3A_1141] : memref<976x1xf32, #tpu.memory_space<vmem>>, vector<8x1xf32>
    %mul3A_1143 = vector.broadcast %get3A_1142 : vector<8x1xf32> to vector<8x1024xf32>
    %mul3A_1144 = arith.mulf %mul3A_1143, %broadcast_in_dim3A_36 : vector<8x1024xf32>
    %add3A_1145 = arith.addf %add3A_1139, %mul3A_1144 : vector<8x1024xf32>
    %swap3A_1146 = arith.constant 416 : index
    %swap3A_1147 = arith.constant 0 : index
    %swap3A_1148 = vector.load %arg9[%swap3A_1146, %swap3A_1147] : memref<976x1024xf32, #tpu.memory_space<vmem>>, vector<8x1024xf32>
    tpu.vector_store %arg9[%swap3A_1146, %swap3A_1147], %add3A_1145 {strides = array<i32>} : memref<976x1024xf32, #tpu.memory_space<vmem>>, vector<8x1024xf32>,
    %get3A_1149 = arith.constant 424 : index
    %get3A_1150 = arith.constant 0 : index
    %get3A_1151 = vector.load %arg6[%get3A_1149, %get3A_1150] : memref<976x1xf32, #tpu.memory_space<vmem>>, vector<8x1xf32>
    %mul3A_1152 = vector.broadcast %get3A_1151 : vector<8x1xf32> to vector<8x1024xf32>
    %mul3A_1153 = arith.mulf %mul3A_1152, %broadcast_in_dim3A_30 : vector<8x1024xf32>
    %add3A_1154 = arith.addf %broadcast_in_dim3A_27, %mul3A_1153 : vector<8x1024xf32>
    %get3A_1155 = arith.constant 424 : index
    %get3A_1156 = arith.constant 0 : index
    %get3A_1157 = vector.load %arg7[%get3A_1155, %get3A_1156] : memref<976x1xf32, #tpu.memory_space<vmem>>, vector<8x1xf32>
    %mul3A_1158 = vector.broadcast %get3A_1157 : vector<8x1xf32> to vector<8x1024xf32>
    %mul3A_1159 = arith.mulf %mul3A_1158, %broadcast_in_dim3A_33 : vector<8x1024xf32>
    %add3A_1160 = arith.addf %add3A_1154, %mul3A_1159 : vector<8x1024xf32>
    %get3A_1161 = arith.constant 424 : index
    %get3A_1162 = arith.constant 0 : index
    %get3A_1163 = vector.load %arg8[%get3A_1161, %get3A_1162] : memref<976x1xf32, #tpu.memory_space<vmem>>, vector<8x1xf32>
    %mul3A_1164 = vector.broadcast %get3A_1163 : vector<8x1xf32> to vector<8x1024xf32>
    %mul3A_1165 = arith.mulf %mul3A_1164, %broadcast_in_dim3A_36 : vector<8x1024xf32>
    %add3A_1166 = arith.addf %add3A_1160, %mul3A_1165 : vector<8x1024xf32>
    %swap3A_1167 = arith.constant 424 : index
    %swap3A_1168 = arith.constant 0 : index
    %swap3A_1169 = vector.load %arg9[%swap3A_1167, %swap3A_1168] : memref<976x1024xf32, #tpu.memory_space<vmem>>, vector<8x1024xf32>
    tpu.vector_store %arg9[%swap3A_1167, %swap3A_1168], %add3A_1166 {strides = array<i32>} : memref<976x1024xf32, #tpu.memory_space<vmem>>, vector<8x1024xf32>,
    %get3A_1170 = arith.constant 432 : index
    %get3A_1171 = arith.constant 0 : index
    %get3A_1172 = vector.load %arg6[%get3A_1170, %get3A_1171] : memref<976x1xf32, #tpu.memory_space<vmem>>, vector<8x1xf32>
    %mul3A_1173 = vector.broadcast %get3A_1172 : vector<8x1xf32> to vector<8x1024xf32>
    %mul3A_1174 = arith.mulf %mul3A_1173, %broadcast_in_dim3A_30 : vector<8x1024xf32>
    %add3A_1175 = arith.addf %broadcast_in_dim3A_27, %mul3A_1174 : vector<8x1024xf32>
    %get3A_1176 = arith.constant 432 : index
    %get3A_1177 = arith.constant 0 : index
    %get3A_1178 = vector.load %arg7[%get3A_1176, %get3A_1177] : memref<976x1xf32, #tpu.memory_space<vmem>>, vector<8x1xf32>
    %mul3A_1179 = vector.broadcast %get3A_1178 : vector<8x1xf32> to vector<8x1024xf32>
    %mul3A_1180 = arith.mulf %mul3A_1179, %broadcast_in_dim3A_33 : vector<8x1024xf32>
    %add3A_1181 = arith.addf %add3A_1175, %mul3A_1180 : vector<8x1024xf32>
    %get3A_1182 = arith.constant 432 : index
    %get3A_1183 = arith.constant 0 : index
    %get3A_1184 = vector.load %arg8[%get3A_1182, %get3A_1183] : memref<976x1xf32, #tpu.memory_space<vmem>>, vector<8x1xf32>
    %mul3A_1185 = vector.broadcast %get3A_1184 : vector<8x1xf32> to vector<8x1024xf32>
    %mul3A_1186 = arith.mulf %mul3A_1185, %broadcast_in_dim3A_36 : vector<8x1024xf32>
    %add3A_1187 = arith.addf %add3A_1181, %mul3A_1186 : vector<8x1024xf32>
    %swap3A_1188 = arith.constant 432 : index
    %swap3A_1189 = arith.constant 0 : index
    %swap3A_1190 = vector.load %arg9[%swap3A_1188, %swap3A_1189] : memref<976x1024xf32, #tpu.memory_space<vmem>>, vector<8x1024xf32>
    tpu.vector_store %arg9[%swap3A_1188, %swap3A_1189], %add3A_1187 {strides = array<i32>} : memref<976x1024xf32, #tpu.memory_space<vmem>>, vector<8x1024xf32>,
    %get3A_1191 = arith.constant 440 : index
    %get3A_1192 = arith.constant 0 : index
    %get3A_1193 = vector.load %arg6[%get3A_1191, %get3A_1192] : memref<976x1xf32, #tpu.memory_space<vmem>>, vector<8x1xf32>
    %mul3A_1194 = vector.broadcast %get3A_1193 : vector<8x1xf32> to vector<8x1024xf32>
    %mul3A_1195 = arith.mulf %mul3A_1194, %broadcast_in_dim3A_30 : vector<8x1024xf32>
    %add3A_1196 = arith.addf %broadcast_in_dim3A_27, %mul3A_1195 : vector<8x1024xf32>
    %get3A_1197 = arith.constant 440 : index
    %get3A_1198 = arith.constant 0 : index
    %get3A_1199 = vector.load %arg7[%get3A_1197, %get3A_1198] : memref<976x1xf32, #tpu.memory_space<vmem>>, vector<8x1xf32>
    %mul3A_1200 = vector.broadcast %get3A_1199 : vector<8x1xf32> to vector<8x1024xf32>
    %mul3A_1201 = arith.mulf %mul3A_1200, %broadcast_in_dim3A_33 : vector<8x1024xf32>
    %add3A_1202 = arith.addf %add3A_1196, %mul3A_1201 : vector<8x1024xf32>
    %get3A_1203 = arith.constant 440 : index
    %get3A_1204 = arith.constant 0 : index
    %get3A_1205 = vector.load %arg8[%get3A_1203, %get3A_1204] : memref<976x1xf32, #tpu.memory_space<vmem>>, vector<8x1xf32>
    %mul3A_1206 = vector.broadcast %get3A_1205 : vector<8x1xf32> to vector<8x1024xf32>
    %mul3A_1207 = arith.mulf %mul3A_1206, %broadcast_in_dim3A_36 : vector<8x1024xf32>
    %add3A_1208 = arith.addf %add3A_1202, %mul3A_1207 : vector<8x1024xf32>
    %swap3A_1209 = arith.constant 440 : index
    %swap3A_1210 = arith.constant 0 : index
    %swap3A_1211 = vector.load %arg9[%swap3A_1209, %swap3A_1210] : memref<976x1024xf32, #tpu.memory_space<vmem>>, vector<8x1024xf32>
    tpu.vector_store %arg9[%swap3A_1209, %swap3A_1210], %add3A_1208 {strides = array<i32>} : memref<976x1024xf32, #tpu.memory_space<vmem>>, vector<8x1024xf32>,
    %get3A_1212 = arith.constant 448 : index
    %get3A_1213 = arith.constant 0 : index
    %get3A_1214 = vector.load %arg6[%get3A_1212, %get3A_1213] : memref<976x1xf32, #tpu.memory_space<vmem>>, vector<8x1xf32>
    %mul3A_1215 = vector.broadcast %get3A_1214 : vector<8x1xf32> to vector<8x1024xf32>
    %mul3A_1216 = arith.mulf %mul3A_1215, %broadcast_in_dim3A_30 : vector<8x1024xf32>
    %add3A_1217 = arith.addf %broadcast_in_dim3A_27, %mul3A_1216 : vector<8x1024xf32>
    %get3A_1218 = arith.constant 448 : index
    %get3A_1219 = arith.constant 0 : index
    %get3A_1220 = vector.load %arg7[%get3A_1218, %get3A_1219] : memref<976x1xf32, #tpu.memory_space<vmem>>, vector<8x1xf32>
    %mul3A_1221 = vector.broadcast %get3A_1220 : vector<8x1xf32> to vector<8x1024xf32>
    %mul3A_1222 = arith.mulf %mul3A_1221, %broadcast_in_dim3A_33 : vector<8x1024xf32>
    %add3A_1223 = arith.addf %add3A_1217, %mul3A_1222 : vector<8x1024xf32>
    %get3A_1224 = arith.constant 448 : index
    %get3A_1225 = arith.constant 0 : index
    %get3A_1226 = vector.load %arg8[%get3A_1224, %get3A_1225] : memref<976x1xf32, #tpu.memory_space<vmem>>, vector<8x1xf32>
    %mul3A_1227 = vector.broadcast %get3A_1226 : vector<8x1xf32> to vector<8x1024xf32>
    %mul3A_1228 = arith.mulf %mul3A_1227, %broadcast_in_dim3A_36 : vector<8x1024xf32>
    %add3A_1229 = arith.addf %add3A_1223, %mul3A_1228 : vector<8x1024xf32>
    %swap3A_1230 = arith.constant 448 : index
    %swap3A_1231 = arith.constant 0 : index
    %swap3A_1232 = vector.load %arg9[%swap3A_1230, %swap3A_1231] : memref<976x1024xf32, #tpu.memory_space<vmem>>, vector<8x1024xf32>
    tpu.vector_store %arg9[%swap3A_1230, %swap3A_1231], %add3A_1229 {strides = array<i32>} : memref<976x1024xf32, #tpu.memory_space<vmem>>, vector<8x1024xf32>,
    %get3A_1233 = arith.constant 456 : index
    %get3A_1234 = arith.constant 0 : index
    %get3A_1235 = vector.load %arg6[%get3A_1233, %get3A_1234] : memref<976x1xf32, #tpu.memory_space<vmem>>, vector<8x1xf32>
    %mul3A_1236 = vector.broadcast %get3A_1235 : vector<8x1xf32> to vector<8x1024xf32>
    %mul3A_1237 = arith.mulf %mul3A_1236, %broadcast_in_dim3A_30 : vector<8x1024xf32>
    %add3A_1238 = arith.addf %broadcast_in_dim3A_27, %mul3A_1237 : vector<8x1024xf32>
    %get3A_1239 = arith.constant 456 : index
    %get3A_1240 = arith.constant 0 : index
    %get3A_1241 = vector.load %arg7[%get3A_1239, %get3A_1240] : memref<976x1xf32, #tpu.memory_space<vmem>>, vector<8x1xf32>
    %mul3A_1242 = vector.broadcast %get3A_1241 : vector<8x1xf32> to vector<8x1024xf32>
    %mul3A_1243 = arith.mulf %mul3A_1242, %broadcast_in_dim3A_33 : vector<8x1024xf32>
    %add3A_1244 = arith.addf %add3A_1238, %mul3A_1243 : vector<8x1024xf32>
    %get3A_1245 = arith.constant 456 : index
    %get3A_1246 = arith.constant 0 : index
    %get3A_1247 = vector.load %arg8[%get3A_1245, %get3A_1246] : memref<976x1xf32, #tpu.memory_space<vmem>>, vector<8x1xf32>
    %mul3A_1248 = vector.broadcast %get3A_1247 : vector<8x1xf32> to vector<8x1024xf32>
    %mul3A_1249 = arith.mulf %mul3A_1248, %broadcast_in_dim3A_36 : vector<8x1024xf32>
    %add3A_1250 = arith.addf %add3A_1244, %mul3A_1249 : vector<8x1024xf32>
    %swap3A_1251 = arith.constant 456 : index
    %swap3A_1252 = arith.constant 0 : index
    %swap3A_1253 = vector.load %arg9[%swap3A_1251, %swap3A_1252] : memref<976x1024xf32, #tpu.memory_space<vmem>>, vector<8x1024xf32>
    tpu.vector_store %arg9[%swap3A_1251, %swap3A_1252], %add3A_1250 {strides = array<i32>} : memref<976x1024xf32, #tpu.memory_space<vmem>>, vector<8x1024xf32>,
    %get3A_1254 = arith.constant 464 : index
    %get3A_1255 = arith.constant 0 : index
    %get3A_1256 = vector.load %arg6[%get3A_1254, %get3A_1255] : memref<976x1xf32, #tpu.memory_space<vmem>>, vector<8x1xf32>
    %mul3A_1257 = vector.broadcast %get3A_1256 : vector<8x1xf32> to vector<8x1024xf32>
    %mul3A_1258 = arith.mulf %mul3A_1257, %broadcast_in_dim3A_30 : vector<8x1024xf32>
    %add3A_1259 = arith.addf %broadcast_in_dim3A_27, %mul3A_1258 : vector<8x1024xf32>
    %get3A_1260 = arith.constant 464 : index
    %get3A_1261 = arith.constant 0 : index
    %get3A_1262 = vector.load %arg7[%get3A_1260, %get3A_1261] : memref<976x1xf32, #tpu.memory_space<vmem>>, vector<8x1xf32>
    %mul3A_1263 = vector.broadcast %get3A_1262 : vector<8x1xf32> to vector<8x1024xf32>
    %mul3A_1264 = arith.mulf %mul3A_1263, %broadcast_in_dim3A_33 : vector<8x1024xf32>
    %add3A_1265 = arith.addf %add3A_1259, %mul3A_1264 : vector<8x1024xf32>
    %get3A_1266 = arith.constant 464 : index
    %get3A_1267 = arith.constant 0 : index
    %get3A_1268 = vector.load %arg8[%get3A_1266, %get3A_1267] : memref<976x1xf32, #tpu.memory_space<vmem>>, vector<8x1xf32>
    %mul3A_1269 = vector.broadcast %get3A_1268 : vector<8x1xf32> to vector<8x1024xf32>
    %mul3A_1270 = arith.mulf %mul3A_1269, %broadcast_in_dim3A_36 : vector<8x1024xf32>
    %add3A_1271 = arith.addf %add3A_1265, %mul3A_1270 : vector<8x1024xf32>
    %swap3A_1272 = arith.constant 464 : index
    %swap3A_1273 = arith.constant 0 : index
    %swap3A_1274 = vector.load %arg9[%swap3A_1272, %swap3A_1273] : memref<976x1024xf32, #tpu.memory_space<vmem>>, vector<8x1024xf32>
    tpu.vector_store %arg9[%swap3A_1272, %swap3A_1273], %add3A_1271 {strides = array<i32>} : memref<976x1024xf32, #tpu.memory_space<vmem>>, vector<8x1024xf32>,
    %get3A_1275 = arith.constant 472 : index
    %get3A_1276 = arith.constant 0 : index
    %get3A_1277 = vector.load %arg6[%get3A_1275, %get3A_1276] : memref<976x1xf32, #tpu.memory_space<vmem>>, vector<8x1xf32>
    %mul3A_1278 = vector.broadcast %get3A_1277 : vector<8x1xf32> to vector<8x1024xf32>
    %mul3A_1279 = arith.mulf %mul3A_1278, %broadcast_in_dim3A_30 : vector<8x1024xf32>
    %add3A_1280 = arith.addf %broadcast_in_dim3A_27, %mul3A_1279 : vector<8x1024xf32>
    %get3A_1281 = arith.constant 472 : index
    %get3A_1282 = arith.constant 0 : index
    %get3A_1283 = vector.load %arg7[%get3A_1281, %get3A_1282] : memref<976x1xf32, #tpu.memory_space<vmem>>, vector<8x1xf32>
    %mul3A_1284 = vector.broadcast %get3A_1283 : vector<8x1xf32> to vector<8x1024xf32>
    %mul3A_1285 = arith.mulf %mul3A_1284, %broadcast_in_dim3A_33 : vector<8x1024xf32>
    %add3A_1286 = arith.addf %add3A_1280, %mul3A_1285 : vector<8x1024xf32>
    %get3A_1287 = arith.constant 472 : index
    %get3A_1288 = arith.constant 0 : index
    %get3A_1289 = vector.load %arg8[%get3A_1287, %get3A_1288] : memref<976x1xf32, #tpu.memory_space<vmem>>, vector<8x1xf32>
    %mul3A_1290 = vector.broadcast %get3A_1289 : vector<8x1xf32> to vector<8x1024xf32>
    %mul3A_1291 = arith.mulf %mul3A_1290, %broadcast_in_dim3A_36 : vector<8x1024xf32>
    %add3A_1292 = arith.addf %add3A_1286, %mul3A_1291 : vector<8x1024xf32>
    %swap3A_1293 = arith.constant 472 : index
    %swap3A_1294 = arith.constant 0 : index
    %swap3A_1295 = vector.load %arg9[%swap3A_1293, %swap3A_1294] : memref<976x1024xf32, #tpu.memory_space<vmem>>, vector<8x1024xf32>
    tpu.vector_store %arg9[%swap3A_1293, %swap3A_1294], %add3A_1292 {strides = array<i32>} : memref<976x1024xf32, #tpu.memory_space<vmem>>, vector<8x1024xf32>,
    %get3A_1296 = arith.constant 480 : index
    %get3A_1297 = arith.constant 0 : index
    %get3A_1298 = vector.load %arg6[%get3A_1296, %get3A_1297] : memref<976x1xf32, #tpu.memory_space<vmem>>, vector<8x1xf32>
    %mul3A_1299 = vector.broadcast %get3A_1298 : vector<8x1xf32> to vector<8x1024xf32>
    %mul3A_1300 = arith.mulf %mul3A_1299, %broadcast_in_dim3A_30 : vector<8x1024xf32>
    %add3A_1301 = arith.addf %broadcast_in_dim3A_27, %mul3A_1300 : vector<8x1024xf32>
    %get3A_1302 = arith.constant 480 : index
    %get3A_1303 = arith.constant 0 : index
    %get3A_1304 = vector.load %arg7[%get3A_1302, %get3A_1303] : memref<976x1xf32, #tpu.memory_space<vmem>>, vector<8x1xf32>
    %mul3A_1305 = vector.broadcast %get3A_1304 : vector<8x1xf32> to vector<8x1024xf32>
    %mul3A_1306 = arith.mulf %mul3A_1305, %broadcast_in_dim3A_33 : vector<8x1024xf32>
    %add3A_1307 = arith.addf %add3A_1301, %mul3A_1306 : vector<8x1024xf32>
    %get3A_1308 = arith.constant 480 : index
    %get3A_1309 = arith.constant 0 : index
    %get3A_1310 = vector.load %arg8[%get3A_1308, %get3A_1309] : memref<976x1xf32, #tpu.memory_space<vmem>>, vector<8x1xf32>
    %mul3A_1311 = vector.broadcast %get3A_1310 : vector<8x1xf32> to vector<8x1024xf32>
    %mul3A_1312 = arith.mulf %mul3A_1311, %broadcast_in_dim3A_36 : vector<8x1024xf32>
    %add3A_1313 = arith.addf %add3A_1307, %mul3A_1312 : vector<8x1024xf32>
    %swap3A_1314 = arith.constant 480 : index
    %swap3A_1315 = arith.constant 0 : index
    %swap3A_1316 = vector.load %arg9[%swap3A_1314, %swap3A_1315] : memref<976x1024xf32, #tpu.memory_space<vmem>>, vector<8x1024xf32>
    tpu.vector_store %arg9[%swap3A_1314, %swap3A_1315], %add3A_1313 {strides = array<i32>} : memref<976x1024xf32, #tpu.memory_space<vmem>>, vector<8x1024xf32>,
    %get3A_1317 = arith.constant 488 : index
    %get3A_1318 = arith.constant 0 : index
    %get3A_1319 = vector.load %arg6[%get3A_1317, %get3A_1318] : memref<976x1xf32, #tpu.memory_space<vmem>>, vector<8x1xf32>
    %mul3A_1320 = vector.broadcast %get3A_1319 : vector<8x1xf32> to vector<8x1024xf32>
    %mul3A_1321 = arith.mulf %mul3A_1320, %broadcast_in_dim3A_30 : vector<8x1024xf32>
    %add3A_1322 = arith.addf %broadcast_in_dim3A_27, %mul3A_1321 : vector<8x1024xf32>
    %get3A_1323 = arith.constant 488 : index
    %get3A_1324 = arith.constant 0 : index
    %get3A_1325 = vector.load %arg7[%get3A_1323, %get3A_1324] : memref<976x1xf32, #tpu.memory_space<vmem>>, vector<8x1xf32>
    %mul3A_1326 = vector.broadcast %get3A_1325 : vector<8x1xf32> to vector<8x1024xf32>
    %mul3A_1327 = arith.mulf %mul3A_1326, %broadcast_in_dim3A_33 : vector<8x1024xf32>
    %add3A_1328 = arith.addf %add3A_1322, %mul3A_1327 : vector<8x1024xf32>
    %get3A_1329 = arith.constant 488 : index
    %get3A_1330 = arith.constant 0 : index
    %get3A_1331 = vector.load %arg8[%get3A_1329, %get3A_1330] : memref<976x1xf32, #tpu.memory_space<vmem>>, vector<8x1xf32>
    %mul3A_1332 = vector.broadcast %get3A_1331 : vector<8x1xf32> to vector<8x1024xf32>
    %mul3A_1333 = arith.mulf %mul3A_1332, %broadcast_in_dim3A_36 : vector<8x1024xf32>
    %add3A_1334 = arith.addf %add3A_1328, %mul3A_1333 : vector<8x1024xf32>
    %swap3A_1335 = arith.constant 488 : index
    %swap3A_1336 = arith.constant 0 : index
    %swap3A_1337 = vector.load %arg9[%swap3A_1335, %swap3A_1336] : memref<976x1024xf32, #tpu.memory_space<vmem>>, vector<8x1024xf32>
    tpu.vector_store %arg9[%swap3A_1335, %swap3A_1336], %add3A_1334 {strides = array<i32>} : memref<976x1024xf32, #tpu.memory_space<vmem>>, vector<8x1024xf32>,
    %get3A_1338 = arith.constant 496 : index
    %get3A_1339 = arith.constant 0 : index
    %get3A_1340 = vector.load %arg6[%get3A_1338, %get3A_1339] : memref<976x1xf32, #tpu.memory_space<vmem>>, vector<8x1xf32>
    %mul3A_1341 = vector.broadcast %get3A_1340 : vector<8x1xf32> to vector<8x1024xf32>
    %mul3A_1342 = arith.mulf %mul3A_1341, %broadcast_in_dim3A_30 : vector<8x1024xf32>
    %add3A_1343 = arith.addf %broadcast_in_dim3A_27, %mul3A_1342 : vector<8x1024xf32>
    %get3A_1344 = arith.constant 496 : index
    %get3A_1345 = arith.constant 0 : index
    %get3A_1346 = vector.load %arg7[%get3A_1344, %get3A_1345] : memref<976x1xf32, #tpu.memory_space<vmem>>, vector<8x1xf32>
    %mul3A_1347 = vector.broadcast %get3A_1346 : vector<8x1xf32> to vector<8x1024xf32>
    %mul3A_1348 = arith.mulf %mul3A_1347, %broadcast_in_dim3A_33 : vector<8x1024xf32>
    %add3A_1349 = arith.addf %add3A_1343, %mul3A_1348 : vector<8x1024xf32>
    %get3A_1350 = arith.constant 496 : index
    %get3A_1351 = arith.constant 0 : index
    %get3A_1352 = vector.load %arg8[%get3A_1350, %get3A_1351] : memref<976x1xf32, #tpu.memory_space<vmem>>, vector<8x1xf32>
    %mul3A_1353 = vector.broadcast %get3A_1352 : vector<8x1xf32> to vector<8x1024xf32>
    %mul3A_1354 = arith.mulf %mul3A_1353, %broadcast_in_dim3A_36 : vector<8x1024xf32>
    %add3A_1355 = arith.addf %add3A_1349, %mul3A_1354 : vector<8x1024xf32>
    %swap3A_1356 = arith.constant 496 : index
    %swap3A_1357 = arith.constant 0 : index
    %swap3A_1358 = vector.load %arg9[%swap3A_1356, %swap3A_1357] : memref<976x1024xf32, #tpu.memory_space<vmem>>, vector<8x1024xf32>
    tpu.vector_store %arg9[%swap3A_1356, %swap3A_1357], %add3A_1355 {strides = array<i32>} : memref<976x1024xf32, #tpu.memory_space<vmem>>, vector<8x1024xf32>,
    %get3A_1359 = arith.constant 504 : index
    %get3A_1360 = arith.constant 0 : index
    %get3A_1361 = vector.load %arg6[%get3A_1359, %get3A_1360] : memref<976x1xf32, #tpu.memory_space<vmem>>, vector<8x1xf32>
    %mul3A_1362 = vector.broadcast %get3A_1361 : vector<8x1xf32> to vector<8x1024xf32>
    %mul3A_1363 = arith.mulf %mul3A_1362, %broadcast_in_dim3A_30 : vector<8x1024xf32>
    %add3A_1364 = arith.addf %broadcast_in_dim3A_27, %mul3A_1363 : vector<8x1024xf32>
    %get3A_1365 = arith.constant 504 : index
    %get3A_1366 = arith.constant 0 : index
    %get3A_1367 = vector.load %arg7[%get3A_1365, %get3A_1366] : memref<976x1xf32, #tpu.memory_space<vmem>>, vector<8x1xf32>
    %mul3A_1368 = vector.broadcast %get3A_1367 : vector<8x1xf32> to vector<8x1024xf32>
    %mul3A_1369 = arith.mulf %mul3A_1368, %broadcast_in_dim3A_33 : vector<8x1024xf32>
    %add3A_1370 = arith.addf %add3A_1364, %mul3A_1369 : vector<8x1024xf32>
    %get3A_1371 = arith.constant 504 : index
    %get3A_1372 = arith.constant 0 : index
    %get3A_1373 = vector.load %arg8[%get3A_1371, %get3A_1372] : memref<976x1xf32, #tpu.memory_space<vmem>>, vector<8x1xf32>
    %mul3A_1374 = vector.broadcast %get3A_1373 : vector<8x1xf32> to vector<8x1024xf32>
    %mul3A_1375 = arith.mulf %mul3A_1374, %broadcast_in_dim3A_36 : vector<8x1024xf32>
    %add3A_1376 = arith.addf %add3A_1370, %mul3A_1375 : vector<8x1024xf32>
    %swap3A_1377 = arith.constant 504 : index
    %swap3A_1378 = arith.constant 0 : index
    %swap3A_1379 = vector.load %arg9[%swap3A_1377, %swap3A_1378] : memref<976x1024xf32, #tpu.memory_space<vmem>>, vector<8x1024xf32>
    tpu.vector_store %arg9[%swap3A_1377, %swap3A_1378], %add3A_1376 {strides = array<i32>} : memref<976x1024xf32, #tpu.memory_space<vmem>>, vector<8x1024xf32>,
    %get3A_1380 = arith.constant 512 : index
    %get3A_1381 = arith.constant 0 : index
    %get3A_1382 = vector.load %arg6[%get3A_1380, %get3A_1381] : memref<976x1xf32, #tpu.memory_space<vmem>>, vector<8x1xf32>
    %mul3A_1383 = vector.broadcast %get3A_1382 : vector<8x1xf32> to vector<8x1024xf32>
    %mul3A_1384 = arith.mulf %mul3A_1383, %broadcast_in_dim3A_30 : vector<8x1024xf32>
    %add3A_1385 = arith.addf %broadcast_in_dim3A_27, %mul3A_1384 : vector<8x1024xf32>
    %get3A_1386 = arith.constant 512 : index
    %get3A_1387 = arith.constant 0 : index
    %get3A_1388 = vector.load %arg7[%get3A_1386, %get3A_1387] : memref<976x1xf32, #tpu.memory_space<vmem>>, vector<8x1xf32>
    %mul3A_1389 = vector.broadcast %get3A_1388 : vector<8x1xf32> to vector<8x1024xf32>
    %mul3A_1390 = arith.mulf %mul3A_1389, %broadcast_in_dim3A_33 : vector<8x1024xf32>
    %add3A_1391 = arith.addf %add3A_1385, %mul3A_1390 : vector<8x1024xf32>
    %get3A_1392 = arith.constant 512 : index
    %get3A_1393 = arith.constant 0 : index
    %get3A_1394 = vector.load %arg8[%get3A_1392, %get3A_1393] : memref<976x1xf32, #tpu.memory_space<vmem>>, vector<8x1xf32>
    %mul3A_1395 = vector.broadcast %get3A_1394 : vector<8x1xf32> to vector<8x1024xf32>
    %mul3A_1396 = arith.mulf %mul3A_1395, %broadcast_in_dim3A_36 : vector<8x1024xf32>
    %add3A_1397 = arith.addf %add3A_1391, %mul3A_1396 : vector<8x1024xf32>
    %swap3A_1398 = arith.constant 512 : index
    %swap3A_1399 = arith.constant 0 : index
    %swap3A_1400 = vector.load %arg9[%swap3A_1398, %swap3A_1399] : memref<976x1024xf32, #tpu.memory_space<vmem>>, vector<8x1024xf32>
    tpu.vector_store %arg9[%swap3A_1398, %swap3A_1399], %add3A_1397 {strides = array<i32>} : memref<976x1024xf32, #tpu.memory_space<vmem>>, vector<8x1024xf32>,
    %get3A_1401 = arith.constant 520 : index
    %get3A_1402 = arith.constant 0 : index
    %get3A_1403 = vector.load %arg6[%get3A_1401, %get3A_1402] : memref<976x1xf32, #tpu.memory_space<vmem>>, vector<8x1xf32>
    %mul3A_1404 = vector.broadcast %get3A_1403 : vector<8x1xf32> to vector<8x1024xf32>
    %mul3A_1405 = arith.mulf %mul3A_1404, %broadcast_in_dim3A_30 : vector<8x1024xf32>
    %add3A_1406 = arith.addf %broadcast_in_dim3A_27, %mul3A_1405 : vector<8x1024xf32>
    %get3A_1407 = arith.constant 520 : index
    %get3A_1408 = arith.constant 0 : index
    %get3A_1409 = vector.load %arg7[%get3A_1407, %get3A_1408] : memref<976x1xf32, #tpu.memory_space<vmem>>, vector<8x1xf32>
    %mul3A_1410 = vector.broadcast %get3A_1409 : vector<8x1xf32> to vector<8x1024xf32>
    %mul3A_1411 = arith.mulf %mul3A_1410, %broadcast_in_dim3A_33 : vector<8x1024xf32>
    %add3A_1412 = arith.addf %add3A_1406, %mul3A_1411 : vector<8x1024xf32>
    %get3A_1413 = arith.constant 520 : index
    %get3A_1414 = arith.constant 0 : index
    %get3A_1415 = vector.load %arg8[%get3A_1413, %get3A_1414] : memref<976x1xf32, #tpu.memory_space<vmem>>, vector<8x1xf32>
    %mul3A_1416 = vector.broadcast %get3A_1415 : vector<8x1xf32> to vector<8x1024xf32>
    %mul3A_1417 = arith.mulf %mul3A_1416, %broadcast_in_dim3A_36 : vector<8x1024xf32>
    %add3A_1418 = arith.addf %add3A_1412, %mul3A_1417 : vector<8x1024xf32>
    %swap3A_1419 = arith.constant 520 : index
    %swap3A_1420 = arith.constant 0 : index
    %swap3A_1421 = vector.load %arg9[%swap3A_1419, %swap3A_1420] : memref<976x1024xf32, #tpu.memory_space<vmem>>, vector<8x1024xf32>
    tpu.vector_store %arg9[%swap3A_1419, %swap3A_1420], %add3A_1418 {strides = array<i32>} : memref<976x1024xf32, #tpu.memory_space<vmem>>, vector<8x1024xf32>,
    %get3A_1422 = arith.constant 528 : index
    %get3A_1423 = arith.constant 0 : index
    %get3A_1424 = vector.load %arg6[%get3A_1422, %get3A_1423] : memref<976x1xf32, #tpu.memory_space<vmem>>, vector<8x1xf32>
    %mul3A_1425 = vector.broadcast %get3A_1424 : vector<8x1xf32> to vector<8x1024xf32>
    %mul3A_1426 = arith.mulf %mul3A_1425, %broadcast_in_dim3A_30 : vector<8x1024xf32>
    %add3A_1427 = arith.addf %broadcast_in_dim3A_27, %mul3A_1426 : vector<8x1024xf32>
    %get3A_1428 = arith.constant 528 : index
    %get3A_1429 = arith.constant 0 : index
    %get3A_1430 = vector.load %arg7[%get3A_1428, %get3A_1429] : memref<976x1xf32, #tpu.memory_space<vmem>>, vector<8x1xf32>
    %mul3A_1431 = vector.broadcast %get3A_1430 : vector<8x1xf32> to vector<8x1024xf32>
    %mul3A_1432 = arith.mulf %mul3A_1431, %broadcast_in_dim3A_33 : vector<8x1024xf32>
    %add3A_1433 = arith.addf %add3A_1427, %mul3A_1432 : vector<8x1024xf32>
    %get3A_1434 = arith.constant 528 : index
    %get3A_1435 = arith.constant 0 : index
    %get3A_1436 = vector.load %arg8[%get3A_1434, %get3A_1435] : memref<976x1xf32, #tpu.memory_space<vmem>>, vector<8x1xf32>
    %mul3A_1437 = vector.broadcast %get3A_1436 : vector<8x1xf32> to vector<8x1024xf32>
    %mul3A_1438 = arith.mulf %mul3A_1437, %broadcast_in_dim3A_36 : vector<8x1024xf32>
    %add3A_1439 = arith.addf %add3A_1433, %mul3A_1438 : vector<8x1024xf32>
    %swap3A_1440 = arith.constant 528 : index
    %swap3A_1441 = arith.constant 0 : index
    %swap3A_1442 = vector.load %arg9[%swap3A_1440, %swap3A_1441] : memref<976x1024xf32, #tpu.memory_space<vmem>>, vector<8x1024xf32>
    tpu.vector_store %arg9[%swap3A_1440, %swap3A_1441], %add3A_1439 {strides = array<i32>} : memref<976x1024xf32, #tpu.memory_space<vmem>>, vector<8x1024xf32>,
    %get3A_1443 = arith.constant 536 : index
    %get3A_1444 = arith.constant 0 : index
    %get3A_1445 = vector.load %arg6[%get3A_1443, %get3A_1444] : memref<976x1xf32, #tpu.memory_space<vmem>>, vector<8x1xf32>
    %mul3A_1446 = vector.broadcast %get3A_1445 : vector<8x1xf32> to vector<8x1024xf32>
    %mul3A_1447 = arith.mulf %mul3A_1446, %broadcast_in_dim3A_30 : vector<8x1024xf32>
    %add3A_1448 = arith.addf %broadcast_in_dim3A_27, %mul3A_1447 : vector<8x1024xf32>
    %get3A_1449 = arith.constant 536 : index
    %get3A_1450 = arith.constant 0 : index
    %get3A_1451 = vector.load %arg7[%get3A_1449, %get3A_1450] : memref<976x1xf32, #tpu.memory_space<vmem>>, vector<8x1xf32>
    %mul3A_1452 = vector.broadcast %get3A_1451 : vector<8x1xf32> to vector<8x1024xf32>
    %mul3A_1453 = arith.mulf %mul3A_1452, %broadcast_in_dim3A_33 : vector<8x1024xf32>
    %add3A_1454 = arith.addf %add3A_1448, %mul3A_1453 : vector<8x1024xf32>
    %get3A_1455 = arith.constant 536 : index
    %get3A_1456 = arith.constant 0 : index
    %get3A_1457 = vector.load %arg8[%get3A_1455, %get3A_1456] : memref<976x1xf32, #tpu.memory_space<vmem>>, vector<8x1xf32>
    %mul3A_1458 = vector.broadcast %get3A_1457 : vector<8x1xf32> to vector<8x1024xf32>
    %mul3A_1459 = arith.mulf %mul3A_1458, %broadcast_in_dim3A_36 : vector<8x1024xf32>
    %add3A_1460 = arith.addf %add3A_1454, %mul3A_1459 : vector<8x1024xf32>
    %swap3A_1461 = arith.constant 536 : index
    %swap3A_1462 = arith.constant 0 : index
    %swap3A_1463 = vector.load %arg9[%swap3A_1461, %swap3A_1462] : memref<976x1024xf32, #tpu.memory_space<vmem>>, vector<8x1024xf32>
    tpu.vector_store %arg9[%swap3A_1461, %swap3A_1462], %add3A_1460 {strides = array<i32>} : memref<976x1024xf32, #tpu.memory_space<vmem>>, vector<8x1024xf32>,
    %get3A_1464 = arith.constant 544 : index
    %get3A_1465 = arith.constant 0 : index
    %get3A_1466 = vector.load %arg6[%get3A_1464, %get3A_1465] : memref<976x1xf32, #tpu.memory_space<vmem>>, vector<8x1xf32>
    %mul3A_1467 = vector.broadcast %get3A_1466 : vector<8x1xf32> to vector<8x1024xf32>
    %mul3A_1468 = arith.mulf %mul3A_1467, %broadcast_in_dim3A_30 : vector<8x1024xf32>
    %add3A_1469 = arith.addf %broadcast_in_dim3A_27, %mul3A_1468 : vector<8x1024xf32>
    %get3A_1470 = arith.constant 544 : index
    %get3A_1471 = arith.constant 0 : index
    %get3A_1472 = vector.load %arg7[%get3A_1470, %get3A_1471] : memref<976x1xf32, #tpu.memory_space<vmem>>, vector<8x1xf32>
    %mul3A_1473 = vector.broadcast %get3A_1472 : vector<8x1xf32> to vector<8x1024xf32>
    %mul3A_1474 = arith.mulf %mul3A_1473, %broadcast_in_dim3A_33 : vector<8x1024xf32>
    %add3A_1475 = arith.addf %add3A_1469, %mul3A_1474 : vector<8x1024xf32>
    %get3A_1476 = arith.constant 544 : index
    %get3A_1477 = arith.constant 0 : index
    %get3A_1478 = vector.load %arg8[%get3A_1476, %get3A_1477] : memref<976x1xf32, #tpu.memory_space<vmem>>, vector<8x1xf32>
    %mul3A_1479 = vector.broadcast %get3A_1478 : vector<8x1xf32> to vector<8x1024xf32>
    %mul3A_1480 = arith.mulf %mul3A_1479, %broadcast_in_dim3A_36 : vector<8x1024xf32>
    %add3A_1481 = arith.addf %add3A_1475, %mul3A_1480 : vector<8x1024xf32>
    %swap3A_1482 = arith.constant 544 : index
    %swap3A_1483 = arith.constant 0 : index
    %swap3A_1484 = vector.load %arg9[%swap3A_1482, %swap3A_1483] : memref<976x1024xf32, #tpu.memory_space<vmem>>, vector<8x1024xf32>
    tpu.vector_store %arg9[%swap3A_1482, %swap3A_1483], %add3A_1481 {strides = array<i32>} : memref<976x1024xf32, #tpu.memory_space<vmem>>, vector<8x1024xf32>,
    %get3A_1485 = arith.constant 552 : index
    %get3A_1486 = arith.constant 0 : index
    %get3A_1487 = vector.load %arg6[%get3A_1485, %get3A_1486] : memref<976x1xf32, #tpu.memory_space<vmem>>, vector<8x1xf32>
    %mul3A_1488 = vector.broadcast %get3A_1487 : vector<8x1xf32> to vector<8x1024xf32>
    %mul3A_1489 = arith.mulf %mul3A_1488, %broadcast_in_dim3A_30 : vector<8x1024xf32>
    %add3A_1490 = arith.addf %broadcast_in_dim3A_27, %mul3A_1489 : vector<8x1024xf32>
    %get3A_1491 = arith.constant 552 : index
    %get3A_1492 = arith.constant 0 : index
    %get3A_1493 = vector.load %arg7[%get3A_1491, %get3A_1492] : memref<976x1xf32, #tpu.memory_space<vmem>>, vector<8x1xf32>
    %mul3A_1494 = vector.broadcast %get3A_1493 : vector<8x1xf32> to vector<8x1024xf32>
    %mul3A_1495 = arith.mulf %mul3A_1494, %broadcast_in_dim3A_33 : vector<8x1024xf32>
    %add3A_1496 = arith.addf %add3A_1490, %mul3A_1495 : vector<8x1024xf32>
    %get3A_1497 = arith.constant 552 : index
    %get3A_1498 = arith.constant 0 : index
    %get3A_1499 = vector.load %arg8[%get3A_1497, %get3A_1498] : memref<976x1xf32, #tpu.memory_space<vmem>>, vector<8x1xf32>
    %mul3A_1500 = vector.broadcast %get3A_1499 : vector<8x1xf32> to vector<8x1024xf32>
    %mul3A_1501 = arith.mulf %mul3A_1500, %broadcast_in_dim3A_36 : vector<8x1024xf32>
    %add3A_1502 = arith.addf %add3A_1496, %mul3A_1501 : vector<8x1024xf32>
    %swap3A_1503 = arith.constant 552 : index
    %swap3A_1504 = arith.constant 0 : index
    %swap3A_1505 = vector.load %arg9[%swap3A_1503, %swap3A_1504] : memref<976x1024xf32, #tpu.memory_space<vmem>>, vector<8x1024xf32>
    tpu.vector_store %arg9[%swap3A_1503, %swap3A_1504], %add3A_1502 {strides = array<i32>} : memref<976x1024xf32, #tpu.memory_space<vmem>>, vector<8x1024xf32>,
    %get3A_1506 = arith.constant 560 : index
    %get3A_1507 = arith.constant 0 : index
    %get3A_1508 = vector.load %arg6[%get3A_1506, %get3A_1507] : memref<976x1xf32, #tpu.memory_space<vmem>>, vector<8x1xf32>
    %mul3A_1509 = vector.broadcast %get3A_1508 : vector<8x1xf32> to vector<8x1024xf32>
    %mul3A_1510 = arith.mulf %mul3A_1509, %broadcast_in_dim3A_30 : vector<8x1024xf32>
    %add3A_1511 = arith.addf %broadcast_in_dim3A_27, %mul3A_1510 : vector<8x1024xf32>
    %get3A_1512 = arith.constant 560 : index
    %get3A_1513 = arith.constant 0 : index
    %get3A_1514 = vector.load %arg7[%get3A_1512, %get3A_1513] : memref<976x1xf32, #tpu.memory_space<vmem>>, vector<8x1xf32>
    %mul3A_1515 = vector.broadcast %get3A_1514 : vector<8x1xf32> to vector<8x1024xf32>
    %mul3A_1516 = arith.mulf %mul3A_1515, %broadcast_in_dim3A_33 : vector<8x1024xf32>
    %add3A_1517 = arith.addf %add3A_1511, %mul3A_1516 : vector<8x1024xf32>
    %get3A_1518 = arith.constant 560 : index
    %get3A_1519 = arith.constant 0 : index
    %get3A_1520 = vector.load %arg8[%get3A_1518, %get3A_1519] : memref<976x1xf32, #tpu.memory_space<vmem>>, vector<8x1xf32>
    %mul3A_1521 = vector.broadcast %get3A_1520 : vector<8x1xf32> to vector<8x1024xf32>
    %mul3A_1522 = arith.mulf %mul3A_1521, %broadcast_in_dim3A_36 : vector<8x1024xf32>
    %add3A_1523 = arith.addf %add3A_1517, %mul3A_1522 : vector<8x1024xf32>
    %swap3A_1524 = arith.constant 560 : index
    %swap3A_1525 = arith.constant 0 : index
    %swap3A_1526 = vector.load %arg9[%swap3A_1524, %swap3A_1525] : memref<976x1024xf32, #tpu.memory_space<vmem>>, vector<8x1024xf32>
    tpu.vector_store %arg9[%swap3A_1524, %swap3A_1525], %add3A_1523 {strides = array<i32>} : memref<976x1024xf32, #tpu.memory_space<vmem>>, vector<8x1024xf32>,
    %get3A_1527 = arith.constant 568 : index
    %get3A_1528 = arith.constant 0 : index
    %get3A_1529 = vector.load %arg6[%get3A_1527, %get3A_1528] : memref<976x1xf32, #tpu.memory_space<vmem>>, vector<8x1xf32>
    %mul3A_1530 = vector.broadcast %get3A_1529 : vector<8x1xf32> to vector<8x1024xf32>
    %mul3A_1531 = arith.mulf %mul3A_1530, %broadcast_in_dim3A_30 : vector<8x1024xf32>
    %add3A_1532 = arith.addf %broadcast_in_dim3A_27, %mul3A_1531 : vector<8x1024xf32>
    %get3A_1533 = arith.constant 568 : index
    %get3A_1534 = arith.constant 0 : index
    %get3A_1535 = vector.load %arg7[%get3A_1533, %get3A_1534] : memref<976x1xf32, #tpu.memory_space<vmem>>, vector<8x1xf32>
    %mul3A_1536 = vector.broadcast %get3A_1535 : vector<8x1xf32> to vector<8x1024xf32>
    %mul3A_1537 = arith.mulf %mul3A_1536, %broadcast_in_dim3A_33 : vector<8x1024xf32>
    %add3A_1538 = arith.addf %add3A_1532, %mul3A_1537 : vector<8x1024xf32>
    %get3A_1539 = arith.constant 568 : index
    %get3A_1540 = arith.constant 0 : index
    %get3A_1541 = vector.load %arg8[%get3A_1539, %get3A_1540] : memref<976x1xf32, #tpu.memory_space<vmem>>, vector<8x1xf32>
    %mul3A_1542 = vector.broadcast %get3A_1541 : vector<8x1xf32> to vector<8x1024xf32>
    %mul3A_1543 = arith.mulf %mul3A_1542, %broadcast_in_dim3A_36 : vector<8x1024xf32>
    %add3A_1544 = arith.addf %add3A_1538, %mul3A_1543 : vector<8x1024xf32>
    %swap3A_1545 = arith.constant 568 : index
    %swap3A_1546 = arith.constant 0 : index
    %swap3A_1547 = vector.load %arg9[%swap3A_1545, %swap3A_1546] : memref<976x1024xf32, #tpu.memory_space<vmem>>, vector<8x1024xf32>
    tpu.vector_store %arg9[%swap3A_1545, %swap3A_1546], %add3A_1544 {strides = array<i32>} : memref<976x1024xf32, #tpu.memory_space<vmem>>, vector<8x1024xf32>,
    %get3A_1548 = arith.constant 576 : index
    %get3A_1549 = arith.constant 0 : index
    %get3A_1550 = vector.load %arg6[%get3A_1548, %get3A_1549] : memref<976x1xf32, #tpu.memory_space<vmem>>, vector<8x1xf32>
    %mul3A_1551 = vector.broadcast %get3A_1550 : vector<8x1xf32> to vector<8x1024xf32>
    %mul3A_1552 = arith.mulf %mul3A_1551, %broadcast_in_dim3A_30 : vector<8x1024xf32>
    %add3A_1553 = arith.addf %broadcast_in_dim3A_27, %mul3A_1552 : vector<8x1024xf32>
    %get3A_1554 = arith.constant 576 : index
    %get3A_1555 = arith.constant 0 : index
    %get3A_1556 = vector.load %arg7[%get3A_1554, %get3A_1555] : memref<976x1xf32, #tpu.memory_space<vmem>>, vector<8x1xf32>
    %mul3A_1557 = vector.broadcast %get3A_1556 : vector<8x1xf32> to vector<8x1024xf32>
    %mul3A_1558 = arith.mulf %mul3A_1557, %broadcast_in_dim3A_33 : vector<8x1024xf32>
    %add3A_1559 = arith.addf %add3A_1553, %mul3A_1558 : vector<8x1024xf32>
    %get3A_1560 = arith.constant 576 : index
    %get3A_1561 = arith.constant 0 : index
    %get3A_1562 = vector.load %arg8[%get3A_1560, %get3A_1561] : memref<976x1xf32, #tpu.memory_space<vmem>>, vector<8x1xf32>
    %mul3A_1563 = vector.broadcast %get3A_1562 : vector<8x1xf32> to vector<8x1024xf32>
    %mul3A_1564 = arith.mulf %mul3A_1563, %broadcast_in_dim3A_36 : vector<8x1024xf32>
    %add3A_1565 = arith.addf %add3A_1559, %mul3A_1564 : vector<8x1024xf32>
    %swap3A_1566 = arith.constant 576 : index
    %swap3A_1567 = arith.constant 0 : index
    %swap3A_1568 = vector.load %arg9[%swap3A_1566, %swap3A_1567] : memref<976x1024xf32, #tpu.memory_space<vmem>>, vector<8x1024xf32>
    tpu.vector_store %arg9[%swap3A_1566, %swap3A_1567], %add3A_1565 {strides = array<i32>} : memref<976x1024xf32, #tpu.memory_space<vmem>>, vector<8x1024xf32>,
    %get3A_1569 = arith.constant 584 : index
    %get3A_1570 = arith.constant 0 : index
    %get3A_1571 = vector.load %arg6[%get3A_1569, %get3A_1570] : memref<976x1xf32, #tpu.memory_space<vmem>>, vector<8x1xf32>
    %mul3A_1572 = vector.broadcast %get3A_1571 : vector<8x1xf32> to vector<8x1024xf32>
    %mul3A_1573 = arith.mulf %mul3A_1572, %broadcast_in_dim3A_30 : vector<8x1024xf32>
    %add3A_1574 = arith.addf %broadcast_in_dim3A_27, %mul3A_1573 : vector<8x1024xf32>
    %get3A_1575 = arith.constant 584 : index
    %get3A_1576 = arith.constant 0 : index
    %get3A_1577 = vector.load %arg7[%get3A_1575, %get3A_1576] : memref<976x1xf32, #tpu.memory_space<vmem>>, vector<8x1xf32>
    %mul3A_1578 = vector.broadcast %get3A_1577 : vector<8x1xf32> to vector<8x1024xf32>
    %mul3A_1579 = arith.mulf %mul3A_1578, %broadcast_in_dim3A_33 : vector<8x1024xf32>
    %add3A_1580 = arith.addf %add3A_1574, %mul3A_1579 : vector<8x1024xf32>
    %get3A_1581 = arith.constant 584 : index
    %get3A_1582 = arith.constant 0 : index
    %get3A_1583 = vector.load %arg8[%get3A_1581, %get3A_1582] : memref<976x1xf32, #tpu.memory_space<vmem>>, vector<8x1xf32>
    %mul3A_1584 = vector.broadcast %get3A_1583 : vector<8x1xf32> to vector<8x1024xf32>
    %mul3A_1585 = arith.mulf %mul3A_1584, %broadcast_in_dim3A_36 : vector<8x1024xf32>
    %add3A_1586 = arith.addf %add3A_1580, %mul3A_1585 : vector<8x1024xf32>
    %swap3A_1587 = arith.constant 584 : index
    %swap3A_1588 = arith.constant 0 : index
    %swap3A_1589 = vector.load %arg9[%swap3A_1587, %swap3A_1588] : memref<976x1024xf32, #tpu.memory_space<vmem>>, vector<8x1024xf32>
    tpu.vector_store %arg9[%swap3A_1587, %swap3A_1588], %add3A_1586 {strides = array<i32>} : memref<976x1024xf32, #tpu.memory_space<vmem>>, vector<8x1024xf32>,
    %get3A_1590 = arith.constant 592 : index
    %get3A_1591 = arith.constant 0 : index
    %get3A_1592 = vector.load %arg6[%get3A_1590, %get3A_1591] : memref<976x1xf32, #tpu.memory_space<vmem>>, vector<8x1xf32>
    %mul3A_1593 = vector.broadcast %get3A_1592 : vector<8x1xf32> to vector<8x1024xf32>
    %mul3A_1594 = arith.mulf %mul3A_1593, %broadcast_in_dim3A_30 : vector<8x1024xf32>
    %add3A_1595 = arith.addf %broadcast_in_dim3A_27, %mul3A_1594 : vector<8x1024xf32>
    %get3A_1596 = arith.constant 592 : index
    %get3A_1597 = arith.constant 0 : index
    %get3A_1598 = vector.load %arg7[%get3A_1596, %get3A_1597] : memref<976x1xf32, #tpu.memory_space<vmem>>, vector<8x1xf32>
    %mul3A_1599 = vector.broadcast %get3A_1598 : vector<8x1xf32> to vector<8x1024xf32>
    %mul3A_1600 = arith.mulf %mul3A_1599, %broadcast_in_dim3A_33 : vector<8x1024xf32>
    %add3A_1601 = arith.addf %add3A_1595, %mul3A_1600 : vector<8x1024xf32>
    %get3A_1602 = arith.constant 592 : index
    %get3A_1603 = arith.constant 0 : index
    %get3A_1604 = vector.load %arg8[%get3A_1602, %get3A_1603] : memref<976x1xf32, #tpu.memory_space<vmem>>, vector<8x1xf32>
    %mul3A_1605 = vector.broadcast %get3A_1604 : vector<8x1xf32> to vector<8x1024xf32>
    %mul3A_1606 = arith.mulf %mul3A_1605, %broadcast_in_dim3A_36 : vector<8x1024xf32>
    %add3A_1607 = arith.addf %add3A_1601, %mul3A_1606 : vector<8x1024xf32>
    %swap3A_1608 = arith.constant 592 : index
    %swap3A_1609 = arith.constant 0 : index
    %swap3A_1610 = vector.load %arg9[%swap3A_1608, %swap3A_1609] : memref<976x1024xf32, #tpu.memory_space<vmem>>, vector<8x1024xf32>
    tpu.vector_store %arg9[%swap3A_1608, %swap3A_1609], %add3A_1607 {strides = array<i32>} : memref<976x1024xf32, #tpu.memory_space<vmem>>, vector<8x1024xf32>,
    %get3A_1611 = arith.constant 600 : index
    %get3A_1612 = arith.constant 0 : index
    %get3A_1613 = vector.load %arg6[%get3A_1611, %get3A_1612] : memref<976x1xf32, #tpu.memory_space<vmem>>, vector<8x1xf32>
    %mul3A_1614 = vector.broadcast %get3A_1613 : vector<8x1xf32> to vector<8x1024xf32>
    %mul3A_1615 = arith.mulf %mul3A_1614, %broadcast_in_dim3A_30 : vector<8x1024xf32>
    %add3A_1616 = arith.addf %broadcast_in_dim3A_27, %mul3A_1615 : vector<8x1024xf32>
    %get3A_1617 = arith.constant 600 : index
    %get3A_1618 = arith.constant 0 : index
    %get3A_1619 = vector.load %arg7[%get3A_1617, %get3A_1618] : memref<976x1xf32, #tpu.memory_space<vmem>>, vector<8x1xf32>
    %mul3A_1620 = vector.broadcast %get3A_1619 : vector<8x1xf32> to vector<8x1024xf32>
    %mul3A_1621 = arith.mulf %mul3A_1620, %broadcast_in_dim3A_33 : vector<8x1024xf32>
    %add3A_1622 = arith.addf %add3A_1616, %mul3A_1621 : vector<8x1024xf32>
    %get3A_1623 = arith.constant 600 : index
    %get3A_1624 = arith.constant 0 : index
    %get3A_1625 = vector.load %arg8[%get3A_1623, %get3A_1624] : memref<976x1xf32, #tpu.memory_space<vmem>>, vector<8x1xf32>
    %mul3A_1626 = vector.broadcast %get3A_1625 : vector<8x1xf32> to vector<8x1024xf32>
    %mul3A_1627 = arith.mulf %mul3A_1626, %broadcast_in_dim3A_36 : vector<8x1024xf32>
    %add3A_1628 = arith.addf %add3A_1622, %mul3A_1627 : vector<8x1024xf32>
    %swap3A_1629 = arith.constant 600 : index
    %swap3A_1630 = arith.constant 0 : index
    %swap3A_1631 = vector.load %arg9[%swap3A_1629, %swap3A_1630] : memref<976x1024xf32, #tpu.memory_space<vmem>>, vector<8x1024xf32>
    tpu.vector_store %arg9[%swap3A_1629, %swap3A_1630], %add3A_1628 {strides = array<i32>} : memref<976x1024xf32, #tpu.memory_space<vmem>>, vector<8x1024xf32>,
    %get3A_1632 = arith.constant 608 : index
    %get3A_1633 = arith.constant 0 : index
    %get3A_1634 = vector.load %arg6[%get3A_1632, %get3A_1633] : memref<976x1xf32, #tpu.memory_space<vmem>>, vector<8x1xf32>
    %mul3A_1635 = vector.broadcast %get3A_1634 : vector<8x1xf32> to vector<8x1024xf32>
    %mul3A_1636 = arith.mulf %mul3A_1635, %broadcast_in_dim3A_30 : vector<8x1024xf32>
    %add3A_1637 = arith.addf %broadcast_in_dim3A_27, %mul3A_1636 : vector<8x1024xf32>
    %get3A_1638 = arith.constant 608 : index
    %get3A_1639 = arith.constant 0 : index
    %get3A_1640 = vector.load %arg7[%get3A_1638, %get3A_1639] : memref<976x1xf32, #tpu.memory_space<vmem>>, vector<8x1xf32>
    %mul3A_1641 = vector.broadcast %get3A_1640 : vector<8x1xf32> to vector<8x1024xf32>
    %mul3A_1642 = arith.mulf %mul3A_1641, %broadcast_in_dim3A_33 : vector<8x1024xf32>
    %add3A_1643 = arith.addf %add3A_1637, %mul3A_1642 : vector<8x1024xf32>
    %get3A_1644 = arith.constant 608 : index
    %get3A_1645 = arith.constant 0 : index
    %get3A_1646 = vector.load %arg8[%get3A_1644, %get3A_1645] : memref<976x1xf32, #tpu.memory_space<vmem>>, vector<8x1xf32>
    %mul3A_1647 = vector.broadcast %get3A_1646 : vector<8x1xf32> to vector<8x1024xf32>
    %mul3A_1648 = arith.mulf %mul3A_1647, %broadcast_in_dim3A_36 : vector<8x1024xf32>
    %add3A_1649 = arith.addf %add3A_1643, %mul3A_1648 : vector<8x1024xf32>
    %swap3A_1650 = arith.constant 608 : index
    %swap3A_1651 = arith.constant 0 : index
    %swap3A_1652 = vector.load %arg9[%swap3A_1650, %swap3A_1651] : memref<976x1024xf32, #tpu.memory_space<vmem>>, vector<8x1024xf32>
    tpu.vector_store %arg9[%swap3A_1650, %swap3A_1651], %add3A_1649 {strides = array<i32>} : memref<976x1024xf32, #tpu.memory_space<vmem>>, vector<8x1024xf32>,
    %get3A_1653 = arith.constant 616 : index
    %get3A_1654 = arith.constant 0 : index
    %get3A_1655 = vector.load %arg6[%get3A_1653, %get3A_1654] : memref<976x1xf32, #tpu.memory_space<vmem>>, vector<8x1xf32>
    %mul3A_1656 = vector.broadcast %get3A_1655 : vector<8x1xf32> to vector<8x1024xf32>
    %mul3A_1657 = arith.mulf %mul3A_1656, %broadcast_in_dim3A_30 : vector<8x1024xf32>
    %add3A_1658 = arith.addf %broadcast_in_dim3A_27, %mul3A_1657 : vector<8x1024xf32>
    %get3A_1659 = arith.constant 616 : index
    %get3A_1660 = arith.constant 0 : index
    %get3A_1661 = vector.load %arg7[%get3A_1659, %get3A_1660] : memref<976x1xf32, #tpu.memory_space<vmem>>, vector<8x1xf32>
    %mul3A_1662 = vector.broadcast %get3A_1661 : vector<8x1xf32> to vector<8x1024xf32>
    %mul3A_1663 = arith.mulf %mul3A_1662, %broadcast_in_dim3A_33 : vector<8x1024xf32>
    %add3A_1664 = arith.addf %add3A_1658, %mul3A_1663 : vector<8x1024xf32>
    %get3A_1665 = arith.constant 616 : index
    %get3A_1666 = arith.constant 0 : index
    %get3A_1667 = vector.load %arg8[%get3A_1665, %get3A_1666] : memref<976x1xf32, #tpu.memory_space<vmem>>, vector<8x1xf32>
    %mul3A_1668 = vector.broadcast %get3A_1667 : vector<8x1xf32> to vector<8x1024xf32>
    %mul3A_1669 = arith.mulf %mul3A_1668, %broadcast_in_dim3A_36 : vector<8x1024xf32>
    %add3A_1670 = arith.addf %add3A_1664, %mul3A_1669 : vector<8x1024xf32>
    %swap3A_1671 = arith.constant 616 : index
    %swap3A_1672 = arith.constant 0 : index
    %swap3A_1673 = vector.load %arg9[%swap3A_1671, %swap3A_1672] : memref<976x1024xf32, #tpu.memory_space<vmem>>, vector<8x1024xf32>
    tpu.vector_store %arg9[%swap3A_1671, %swap3A_1672], %add3A_1670 {strides = array<i32>} : memref<976x1024xf32, #tpu.memory_space<vmem>>, vector<8x1024xf32>,
    %get3A_1674 = arith.constant 624 : index
    %get3A_1675 = arith.constant 0 : index
    %get3A_1676 = vector.load %arg6[%get3A_1674, %get3A_1675] : memref<976x1xf32, #tpu.memory_space<vmem>>, vector<8x1xf32>
    %mul3A_1677 = vector.broadcast %get3A_1676 : vector<8x1xf32> to vector<8x1024xf32>
    %mul3A_1678 = arith.mulf %mul3A_1677, %broadcast_in_dim3A_30 : vector<8x1024xf32>
    %add3A_1679 = arith.addf %broadcast_in_dim3A_27, %mul3A_1678 : vector<8x1024xf32>
    %get3A_1680 = arith.constant 624 : index
    %get3A_1681 = arith.constant 0 : index
    %get3A_1682 = vector.load %arg7[%get3A_1680, %get3A_1681] : memref<976x1xf32, #tpu.memory_space<vmem>>, vector<8x1xf32>
    %mul3A_1683 = vector.broadcast %get3A_1682 : vector<8x1xf32> to vector<8x1024xf32>
    %mul3A_1684 = arith.mulf %mul3A_1683, %broadcast_in_dim3A_33 : vector<8x1024xf32>
    %add3A_1685 = arith.addf %add3A_1679, %mul3A_1684 : vector<8x1024xf32>
    %get3A_1686 = arith.constant 624 : index
    %get3A_1687 = arith.constant 0 : index
    %get3A_1688 = vector.load %arg8[%get3A_1686, %get3A_1687] : memref<976x1xf32, #tpu.memory_space<vmem>>, vector<8x1xf32>
    %mul3A_1689 = vector.broadcast %get3A_1688 : vector<8x1xf32> to vector<8x1024xf32>
    %mul3A_1690 = arith.mulf %mul3A_1689, %broadcast_in_dim3A_36 : vector<8x1024xf32>
    %add3A_1691 = arith.addf %add3A_1685, %mul3A_1690 : vector<8x1024xf32>
    %swap3A_1692 = arith.constant 624 : index
    %swap3A_1693 = arith.constant 0 : index
    %swap3A_1694 = vector.load %arg9[%swap3A_1692, %swap3A_1693] : memref<976x1024xf32, #tpu.memory_space<vmem>>, vector<8x1024xf32>
    tpu.vector_store %arg9[%swap3A_1692, %swap3A_1693], %add3A_1691 {strides = array<i32>} : memref<976x1024xf32, #tpu.memory_space<vmem>>, vector<8x1024xf32>,
    %get3A_1695 = arith.constant 632 : index
    %get3A_1696 = arith.constant 0 : index
    %get3A_1697 = vector.load %arg6[%get3A_1695, %get3A_1696] : memref<976x1xf32, #tpu.memory_space<vmem>>, vector<8x1xf32>
    %mul3A_1698 = vector.broadcast %get3A_1697 : vector<8x1xf32> to vector<8x1024xf32>
    %mul3A_1699 = arith.mulf %mul3A_1698, %broadcast_in_dim3A_30 : vector<8x1024xf32>
    %add3A_1700 = arith.addf %broadcast_in_dim3A_27, %mul3A_1699 : vector<8x1024xf32>
    %get3A_1701 = arith.constant 632 : index
    %get3A_1702 = arith.constant 0 : index
    %get3A_1703 = vector.load %arg7[%get3A_1701, %get3A_1702] : memref<976x1xf32, #tpu.memory_space<vmem>>, vector<8x1xf32>
    %mul3A_1704 = vector.broadcast %get3A_1703 : vector<8x1xf32> to vector<8x1024xf32>
    %mul3A_1705 = arith.mulf %mul3A_1704, %broadcast_in_dim3A_33 : vector<8x1024xf32>
    %add3A_1706 = arith.addf %add3A_1700, %mul3A_1705 : vector<8x1024xf32>
    %get3A_1707 = arith.constant 632 : index
    %get3A_1708 = arith.constant 0 : index
    %get3A_1709 = vector.load %arg8[%get3A_1707, %get3A_1708] : memref<976x1xf32, #tpu.memory_space<vmem>>, vector<8x1xf32>
    %mul3A_1710 = vector.broadcast %get3A_1709 : vector<8x1xf32> to vector<8x1024xf32>
    %mul3A_1711 = arith.mulf %mul3A_1710, %broadcast_in_dim3A_36 : vector<8x1024xf32>
    %add3A_1712 = arith.addf %add3A_1706, %mul3A_1711 : vector<8x1024xf32>
    %swap3A_1713 = arith.constant 632 : index
    %swap3A_1714 = arith.constant 0 : index
    %swap3A_1715 = vector.load %arg9[%swap3A_1713, %swap3A_1714] : memref<976x1024xf32, #tpu.memory_space<vmem>>, vector<8x1024xf32>
    tpu.vector_store %arg9[%swap3A_1713, %swap3A_1714], %add3A_1712 {strides = array<i32>} : memref<976x1024xf32, #tpu.memory_space<vmem>>, vector<8x1024xf32>,
    %get3A_1716 = arith.constant 640 : index
    %get3A_1717 = arith.constant 0 : index
    %get3A_1718 = vector.load %arg6[%get3A_1716, %get3A_1717] : memref<976x1xf32, #tpu.memory_space<vmem>>, vector<8x1xf32>
    %mul3A_1719 = vector.broadcast %get3A_1718 : vector<8x1xf32> to vector<8x1024xf32>
    %mul3A_1720 = arith.mulf %mul3A_1719, %broadcast_in_dim3A_30 : vector<8x1024xf32>
    %add3A_1721 = arith.addf %broadcast_in_dim3A_27, %mul3A_1720 : vector<8x1024xf32>
    %get3A_1722 = arith.constant 640 : index
    %get3A_1723 = arith.constant 0 : index
    %get3A_1724 = vector.load %arg7[%get3A_1722, %get3A_1723] : memref<976x1xf32, #tpu.memory_space<vmem>>, vector<8x1xf32>
    %mul3A_1725 = vector.broadcast %get3A_1724 : vector<8x1xf32> to vector<8x1024xf32>
    %mul3A_1726 = arith.mulf %mul3A_1725, %broadcast_in_dim3A_33 : vector<8x1024xf32>
    %add3A_1727 = arith.addf %add3A_1721, %mul3A_1726 : vector<8x1024xf32>
    %get3A_1728 = arith.constant 640 : index
    %get3A_1729 = arith.constant 0 : index
    %get3A_1730 = vector.load %arg8[%get3A_1728, %get3A_1729] : memref<976x1xf32, #tpu.memory_space<vmem>>, vector<8x1xf32>
    %mul3A_1731 = vector.broadcast %get3A_1730 : vector<8x1xf32> to vector<8x1024xf32>
    %mul3A_1732 = arith.mulf %mul3A_1731, %broadcast_in_dim3A_36 : vector<8x1024xf32>
    %add3A_1733 = arith.addf %add3A_1727, %mul3A_1732 : vector<8x1024xf32>
    %swap3A_1734 = arith.constant 640 : index
    %swap3A_1735 = arith.constant 0 : index
    %swap3A_1736 = vector.load %arg9[%swap3A_1734, %swap3A_1735] : memref<976x1024xf32, #tpu.memory_space<vmem>>, vector<8x1024xf32>
    tpu.vector_store %arg9[%swap3A_1734, %swap3A_1735], %add3A_1733 {strides = array<i32>} : memref<976x1024xf32, #tpu.memory_space<vmem>>, vector<8x1024xf32>,
    %get3A_1737 = arith.constant 648 : index
    %get3A_1738 = arith.constant 0 : index
    %get3A_1739 = vector.load %arg6[%get3A_1737, %get3A_1738] : memref<976x1xf32, #tpu.memory_space<vmem>>, vector<8x1xf32>
    %mul3A_1740 = vector.broadcast %get3A_1739 : vector<8x1xf32> to vector<8x1024xf32>
    %mul3A_1741 = arith.mulf %mul3A_1740, %broadcast_in_dim3A_30 : vector<8x1024xf32>
    %add3A_1742 = arith.addf %broadcast_in_dim3A_27, %mul3A_1741 : vector<8x1024xf32>
    %get3A_1743 = arith.constant 648 : index
    %get3A_1744 = arith.constant 0 : index
    %get3A_1745 = vector.load %arg7[%get3A_1743, %get3A_1744] : memref<976x1xf32, #tpu.memory_space<vmem>>, vector<8x1xf32>
    %mul3A_1746 = vector.broadcast %get3A_1745 : vector<8x1xf32> to vector<8x1024xf32>
    %mul3A_1747 = arith.mulf %mul3A_1746, %broadcast_in_dim3A_33 : vector<8x1024xf32>
    %add3A_1748 = arith.addf %add3A_1742, %mul3A_1747 : vector<8x1024xf32>
    %get3A_1749 = arith.constant 648 : index
    %get3A_1750 = arith.constant 0 : index
    %get3A_1751 = vector.load %arg8[%get3A_1749, %get3A_1750] : memref<976x1xf32, #tpu.memory_space<vmem>>, vector<8x1xf32>
    %mul3A_1752 = vector.broadcast %get3A_1751 : vector<8x1xf32> to vector<8x1024xf32>
    %mul3A_1753 = arith.mulf %mul3A_1752, %broadcast_in_dim3A_36 : vector<8x1024xf32>
    %add3A_1754 = arith.addf %add3A_1748, %mul3A_1753 : vector<8x1024xf32>
    %swap3A_1755 = arith.constant 648 : index
    %swap3A_1756 = arith.constant 0 : index
    %swap3A_1757 = vector.load %arg9[%swap3A_1755, %swap3A_1756] : memref<976x1024xf32, #tpu.memory_space<vmem>>, vector<8x1024xf32>
    tpu.vector_store %arg9[%swap3A_1755, %swap3A_1756], %add3A_1754 {strides = array<i32>} : memref<976x1024xf32, #tpu.memory_space<vmem>>, vector<8x1024xf32>,
    %get3A_1758 = arith.constant 656 : index
    %get3A_1759 = arith.constant 0 : index
    %get3A_1760 = vector.load %arg6[%get3A_1758, %get3A_1759] : memref<976x1xf32, #tpu.memory_space<vmem>>, vector<8x1xf32>
    %mul3A_1761 = vector.broadcast %get3A_1760 : vector<8x1xf32> to vector<8x1024xf32>
    %mul3A_1762 = arith.mulf %mul3A_1761, %broadcast_in_dim3A_30 : vector<8x1024xf32>
    %add3A_1763 = arith.addf %broadcast_in_dim3A_27, %mul3A_1762 : vector<8x1024xf32>
    %get3A_1764 = arith.constant 656 : index
    %get3A_1765 = arith.constant 0 : index
    %get3A_1766 = vector.load %arg7[%get3A_1764, %get3A_1765] : memref<976x1xf32, #tpu.memory_space<vmem>>, vector<8x1xf32>
    %mul3A_1767 = vector.broadcast %get3A_1766 : vector<8x1xf32> to vector<8x1024xf32>
    %mul3A_1768 = arith.mulf %mul3A_1767, %broadcast_in_dim3A_33 : vector<8x1024xf32>
    %add3A_1769 = arith.addf %add3A_1763, %mul3A_1768 : vector<8x1024xf32>
    %get3A_1770 = arith.constant 656 : index
    %get3A_1771 = arith.constant 0 : index
    %get3A_1772 = vector.load %arg8[%get3A_1770, %get3A_1771] : memref<976x1xf32, #tpu.memory_space<vmem>>, vector<8x1xf32>
    %mul3A_1773 = vector.broadcast %get3A_1772 : vector<8x1xf32> to vector<8x1024xf32>
    %mul3A_1774 = arith.mulf %mul3A_1773, %broadcast_in_dim3A_36 : vector<8x1024xf32>
    %add3A_1775 = arith.addf %add3A_1769, %mul3A_1774 : vector<8x1024xf32>
    %swap3A_1776 = arith.constant 656 : index
    %swap3A_1777 = arith.constant 0 : index
    %swap3A_1778 = vector.load %arg9[%swap3A_1776, %swap3A_1777] : memref<976x1024xf32, #tpu.memory_space<vmem>>, vector<8x1024xf32>
    tpu.vector_store %arg9[%swap3A_1776, %swap3A_1777], %add3A_1775 {strides = array<i32>} : memref<976x1024xf32, #tpu.memory_space<vmem>>, vector<8x1024xf32>,
    %get3A_1779 = arith.constant 664 : index
    %get3A_1780 = arith.constant 0 : index
    %get3A_1781 = vector.load %arg6[%get3A_1779, %get3A_1780] : memref<976x1xf32, #tpu.memory_space<vmem>>, vector<8x1xf32>
    %mul3A_1782 = vector.broadcast %get3A_1781 : vector<8x1xf32> to vector<8x1024xf32>
    %mul3A_1783 = arith.mulf %mul3A_1782, %broadcast_in_dim3A_30 : vector<8x1024xf32>
    %add3A_1784 = arith.addf %broadcast_in_dim3A_27, %mul3A_1783 : vector<8x1024xf32>
    %get3A_1785 = arith.constant 664 : index
    %get3A_1786 = arith.constant 0 : index
    %get3A_1787 = vector.load %arg7[%get3A_1785, %get3A_1786] : memref<976x1xf32, #tpu.memory_space<vmem>>, vector<8x1xf32>
    %mul3A_1788 = vector.broadcast %get3A_1787 : vector<8x1xf32> to vector<8x1024xf32>
    %mul3A_1789 = arith.mulf %mul3A_1788, %broadcast_in_dim3A_33 : vector<8x1024xf32>
    %add3A_1790 = arith.addf %add3A_1784, %mul3A_1789 : vector<8x1024xf32>
    %get3A_1791 = arith.constant 664 : index
    %get3A_1792 = arith.constant 0 : index
    %get3A_1793 = vector.load %arg8[%get3A_1791, %get3A_1792] : memref<976x1xf32, #tpu.memory_space<vmem>>, vector<8x1xf32>
    %mul3A_1794 = vector.broadcast %get3A_1793 : vector<8x1xf32> to vector<8x1024xf32>
    %mul3A_1795 = arith.mulf %mul3A_1794, %broadcast_in_dim3A_36 : vector<8x1024xf32>
    %add3A_1796 = arith.addf %add3A_1790, %mul3A_1795 : vector<8x1024xf32>
    %swap3A_1797 = arith.constant 664 : index
    %swap3A_1798 = arith.constant 0 : index
    %swap3A_1799 = vector.load %arg9[%swap3A_1797, %swap3A_1798] : memref<976x1024xf32, #tpu.memory_space<vmem>>, vector<8x1024xf32>
    tpu.vector_store %arg9[%swap3A_1797, %swap3A_1798], %add3A_1796 {strides = array<i32>} : memref<976x1024xf32, #tpu.memory_space<vmem>>, vector<8x1024xf32>,
    %get3A_1800 = arith.constant 672 : index
    %get3A_1801 = arith.constant 0 : index
    %get3A_1802 = vector.load %arg6[%get3A_1800, %get3A_1801] : memref<976x1xf32, #tpu.memory_space<vmem>>, vector<8x1xf32>
    %mul3A_1803 = vector.broadcast %get3A_1802 : vector<8x1xf32> to vector<8x1024xf32>
    %mul3A_1804 = arith.mulf %mul3A_1803, %broadcast_in_dim3A_30 : vector<8x1024xf32>
    %add3A_1805 = arith.addf %broadcast_in_dim3A_27, %mul3A_1804 : vector<8x1024xf32>
    %get3A_1806 = arith.constant 672 : index
    %get3A_1807 = arith.constant 0 : index
    %get3A_1808 = vector.load %arg7[%get3A_1806, %get3A_1807] : memref<976x1xf32, #tpu.memory_space<vmem>>, vector<8x1xf32>
    %mul3A_1809 = vector.broadcast %get3A_1808 : vector<8x1xf32> to vector<8x1024xf32>
    %mul3A_1810 = arith.mulf %mul3A_1809, %broadcast_in_dim3A_33 : vector<8x1024xf32>
    %add3A_1811 = arith.addf %add3A_1805, %mul3A_1810 : vector<8x1024xf32>
    %get3A_1812 = arith.constant 672 : index
    %get3A_1813 = arith.constant 0 : index
    %get3A_1814 = vector.load %arg8[%get3A_1812, %get3A_1813] : memref<976x1xf32, #tpu.memory_space<vmem>>, vector<8x1xf32>
    %mul3A_1815 = vector.broadcast %get3A_1814 : vector<8x1xf32> to vector<8x1024xf32>
    %mul3A_1816 = arith.mulf %mul3A_1815, %broadcast_in_dim3A_36 : vector<8x1024xf32>
    %add3A_1817 = arith.addf %add3A_1811, %mul3A_1816 : vector<8x1024xf32>
    %swap3A_1818 = arith.constant 672 : index
    %swap3A_1819 = arith.constant 0 : index
    %swap3A_1820 = vector.load %arg9[%swap3A_1818, %swap3A_1819] : memref<976x1024xf32, #tpu.memory_space<vmem>>, vector<8x1024xf32>
    tpu.vector_store %arg9[%swap3A_1818, %swap3A_1819], %add3A_1817 {strides = array<i32>} : memref<976x1024xf32, #tpu.memory_space<vmem>>, vector<8x1024xf32>,
    %get3A_1821 = arith.constant 680 : index
    %get3A_1822 = arith.constant 0 : index
    %get3A_1823 = vector.load %arg6[%get3A_1821, %get3A_1822] : memref<976x1xf32, #tpu.memory_space<vmem>>, vector<8x1xf32>
    %mul3A_1824 = vector.broadcast %get3A_1823 : vector<8x1xf32> to vector<8x1024xf32>
    %mul3A_1825 = arith.mulf %mul3A_1824, %broadcast_in_dim3A_30 : vector<8x1024xf32>
    %add3A_1826 = arith.addf %broadcast_in_dim3A_27, %mul3A_1825 : vector<8x1024xf32>
    %get3A_1827 = arith.constant 680 : index
    %get3A_1828 = arith.constant 0 : index
    %get3A_1829 = vector.load %arg7[%get3A_1827, %get3A_1828] : memref<976x1xf32, #tpu.memory_space<vmem>>, vector<8x1xf32>
    %mul3A_1830 = vector.broadcast %get3A_1829 : vector<8x1xf32> to vector<8x1024xf32>
    %mul3A_1831 = arith.mulf %mul3A_1830, %broadcast_in_dim3A_33 : vector<8x1024xf32>
    %add3A_1832 = arith.addf %add3A_1826, %mul3A_1831 : vector<8x1024xf32>
    %get3A_1833 = arith.constant 680 : index
    %get3A_1834 = arith.constant 0 : index
    %get3A_1835 = vector.load %arg8[%get3A_1833, %get3A_1834] : memref<976x1xf32, #tpu.memory_space<vmem>>, vector<8x1xf32>
    %mul3A_1836 = vector.broadcast %get3A_1835 : vector<8x1xf32> to vector<8x1024xf32>
    %mul3A_1837 = arith.mulf %mul3A_1836, %broadcast_in_dim3A_36 : vector<8x1024xf32>
    %add3A_1838 = arith.addf %add3A_1832, %mul3A_1837 : vector<8x1024xf32>
    %swap3A_1839 = arith.constant 680 : index
    %swap3A_1840 = arith.constant 0 : index
    %swap3A_1841 = vector.load %arg9[%swap3A_1839, %swap3A_1840] : memref<976x1024xf32, #tpu.memory_space<vmem>>, vector<8x1024xf32>
    tpu.vector_store %arg9[%swap3A_1839, %swap3A_1840], %add3A_1838 {strides = array<i32>} : memref<976x1024xf32, #tpu.memory_space<vmem>>, vector<8x1024xf32>,
    %get3A_1842 = arith.constant 688 : index
    %get3A_1843 = arith.constant 0 : index
    %get3A_1844 = vector.load %arg6[%get3A_1842, %get3A_1843] : memref<976x1xf32, #tpu.memory_space<vmem>>, vector<8x1xf32>
    %mul3A_1845 = vector.broadcast %get3A_1844 : vector<8x1xf32> to vector<8x1024xf32>
    %mul3A_1846 = arith.mulf %mul3A_1845, %broadcast_in_dim3A_30 : vector<8x1024xf32>
    %add3A_1847 = arith.addf %broadcast_in_dim3A_27, %mul3A_1846 : vector<8x1024xf32>
    %get3A_1848 = arith.constant 688 : index
    %get3A_1849 = arith.constant 0 : index
    %get3A_1850 = vector.load %arg7[%get3A_1848, %get3A_1849] : memref<976x1xf32, #tpu.memory_space<vmem>>, vector<8x1xf32>
    %mul3A_1851 = vector.broadcast %get3A_1850 : vector<8x1xf32> to vector<8x1024xf32>
    %mul3A_1852 = arith.mulf %mul3A_1851, %broadcast_in_dim3A_33 : vector<8x1024xf32>
    %add3A_1853 = arith.addf %add3A_1847, %mul3A_1852 : vector<8x1024xf32>
    %get3A_1854 = arith.constant 688 : index
    %get3A_1855 = arith.constant 0 : index
    %get3A_1856 = vector.load %arg8[%get3A_1854, %get3A_1855] : memref<976x1xf32, #tpu.memory_space<vmem>>, vector<8x1xf32>
    %mul3A_1857 = vector.broadcast %get3A_1856 : vector<8x1xf32> to vector<8x1024xf32>
    %mul3A_1858 = arith.mulf %mul3A_1857, %broadcast_in_dim3A_36 : vector<8x1024xf32>
    %add3A_1859 = arith.addf %add3A_1853, %mul3A_1858 : vector<8x1024xf32>
    %swap3A_1860 = arith.constant 688 : index
    %swap3A_1861 = arith.constant 0 : index
    %swap3A_1862 = vector.load %arg9[%swap3A_1860, %swap3A_1861] : memref<976x1024xf32, #tpu.memory_space<vmem>>, vector<8x1024xf32>
    tpu.vector_store %arg9[%swap3A_1860, %swap3A_1861], %add3A_1859 {strides = array<i32>} : memref<976x1024xf32, #tpu.memory_space<vmem>>, vector<8x1024xf32>,
    %get3A_1863 = arith.constant 696 : index
    %get3A_1864 = arith.constant 0 : index
    %get3A_1865 = vector.load %arg6[%get3A_1863, %get3A_1864] : memref<976x1xf32, #tpu.memory_space<vmem>>, vector<8x1xf32>
    %mul3A_1866 = vector.broadcast %get3A_1865 : vector<8x1xf32> to vector<8x1024xf32>
    %mul3A_1867 = arith.mulf %mul3A_1866, %broadcast_in_dim3A_30 : vector<8x1024xf32>
    %add3A_1868 = arith.addf %broadcast_in_dim3A_27, %mul3A_1867 : vector<8x1024xf32>
    %get3A_1869 = arith.constant 696 : index
    %get3A_1870 = arith.constant 0 : index
    %get3A_1871 = vector.load %arg7[%get3A_1869, %get3A_1870] : memref<976x1xf32, #tpu.memory_space<vmem>>, vector<8x1xf32>
    %mul3A_1872 = vector.broadcast %get3A_1871 : vector<8x1xf32> to vector<8x1024xf32>
    %mul3A_1873 = arith.mulf %mul3A_1872, %broadcast_in_dim3A_33 : vector<8x1024xf32>
    %add3A_1874 = arith.addf %add3A_1868, %mul3A_1873 : vector<8x1024xf32>
    %get3A_1875 = arith.constant 696 : index
    %get3A_1876 = arith.constant 0 : index
    %get3A_1877 = vector.load %arg8[%get3A_1875, %get3A_1876] : memref<976x1xf32, #tpu.memory_space<vmem>>, vector<8x1xf32>
    %mul3A_1878 = vector.broadcast %get3A_1877 : vector<8x1xf32> to vector<8x1024xf32>
    %mul3A_1879 = arith.mulf %mul3A_1878, %broadcast_in_dim3A_36 : vector<8x1024xf32>
    %add3A_1880 = arith.addf %add3A_1874, %mul3A_1879 : vector<8x1024xf32>
    %swap3A_1881 = arith.constant 696 : index
    %swap3A_1882 = arith.constant 0 : index
    %swap3A_1883 = vector.load %arg9[%swap3A_1881, %swap3A_1882] : memref<976x1024xf32, #tpu.memory_space<vmem>>, vector<8x1024xf32>
    tpu.vector_store %arg9[%swap3A_1881, %swap3A_1882], %add3A_1880 {strides = array<i32>} : memref<976x1024xf32, #tpu.memory_space<vmem>>, vector<8x1024xf32>,
    %get3A_1884 = arith.constant 704 : index
    %get3A_1885 = arith.constant 0 : index
    %get3A_1886 = vector.load %arg6[%get3A_1884, %get3A_1885] : memref<976x1xf32, #tpu.memory_space<vmem>>, vector<8x1xf32>
    %mul3A_1887 = vector.broadcast %get3A_1886 : vector<8x1xf32> to vector<8x1024xf32>
    %mul3A_1888 = arith.mulf %mul3A_1887, %broadcast_in_dim3A_30 : vector<8x1024xf32>
    %add3A_1889 = arith.addf %broadcast_in_dim3A_27, %mul3A_1888 : vector<8x1024xf32>
    %get3A_1890 = arith.constant 704 : index
    %get3A_1891 = arith.constant 0 : index
    %get3A_1892 = vector.load %arg7[%get3A_1890, %get3A_1891] : memref<976x1xf32, #tpu.memory_space<vmem>>, vector<8x1xf32>
    %mul3A_1893 = vector.broadcast %get3A_1892 : vector<8x1xf32> to vector<8x1024xf32>
    %mul3A_1894 = arith.mulf %mul3A_1893, %broadcast_in_dim3A_33 : vector<8x1024xf32>
    %add3A_1895 = arith.addf %add3A_1889, %mul3A_1894 : vector<8x1024xf32>
    %get3A_1896 = arith.constant 704 : index
    %get3A_1897 = arith.constant 0 : index
    %get3A_1898 = vector.load %arg8[%get3A_1896, %get3A_1897] : memref<976x1xf32, #tpu.memory_space<vmem>>, vector<8x1xf32>
    %mul3A_1899 = vector.broadcast %get3A_1898 : vector<8x1xf32> to vector<8x1024xf32>
    %mul3A_1900 = arith.mulf %mul3A_1899, %broadcast_in_dim3A_36 : vector<8x1024xf32>
    %add3A_1901 = arith.addf %add3A_1895, %mul3A_1900 : vector<8x1024xf32>
    %swap3A_1902 = arith.constant 704 : index
    %swap3A_1903 = arith.constant 0 : index
    %swap3A_1904 = vector.load %arg9[%swap3A_1902, %swap3A_1903] : memref<976x1024xf32, #tpu.memory_space<vmem>>, vector<8x1024xf32>
    tpu.vector_store %arg9[%swap3A_1902, %swap3A_1903], %add3A_1901 {strides = array<i32>} : memref<976x1024xf32, #tpu.memory_space<vmem>>, vector<8x1024xf32>,
    %get3A_1905 = arith.constant 712 : index
    %get3A_1906 = arith.constant 0 : index
    %get3A_1907 = vector.load %arg6[%get3A_1905, %get3A_1906] : memref<976x1xf32, #tpu.memory_space<vmem>>, vector<8x1xf32>
    %mul3A_1908 = vector.broadcast %get3A_1907 : vector<8x1xf32> to vector<8x1024xf32>
    %mul3A_1909 = arith.mulf %mul3A_1908, %broadcast_in_dim3A_30 : vector<8x1024xf32>
    %add3A_1910 = arith.addf %broadcast_in_dim3A_27, %mul3A_1909 : vector<8x1024xf32>
    %get3A_1911 = arith.constant 712 : index
    %get3A_1912 = arith.constant 0 : index
    %get3A_1913 = vector.load %arg7[%get3A_1911, %get3A_1912] : memref<976x1xf32, #tpu.memory_space<vmem>>, vector<8x1xf32>
    %mul3A_1914 = vector.broadcast %get3A_1913 : vector<8x1xf32> to vector<8x1024xf32>
    %mul3A_1915 = arith.mulf %mul3A_1914, %broadcast_in_dim3A_33 : vector<8x1024xf32>
    %add3A_1916 = arith.addf %add3A_1910, %mul3A_1915 : vector<8x1024xf32>
    %get3A_1917 = arith.constant 712 : index
    %get3A_1918 = arith.constant 0 : index
    %get3A_1919 = vector.load %arg8[%get3A_1917, %get3A_1918] : memref<976x1xf32, #tpu.memory_space<vmem>>, vector<8x1xf32>
    %mul3A_1920 = vector.broadcast %get3A_1919 : vector<8x1xf32> to vector<8x1024xf32>
    %mul3A_1921 = arith.mulf %mul3A_1920, %broadcast_in_dim3A_36 : vector<8x1024xf32>
    %add3A_1922 = arith.addf %add3A_1916, %mul3A_1921 : vector<8x1024xf32>
    %swap3A_1923 = arith.constant 712 : index
    %swap3A_1924 = arith.constant 0 : index
    %swap3A_1925 = vector.load %arg9[%swap3A_1923, %swap3A_1924] : memref<976x1024xf32, #tpu.memory_space<vmem>>, vector<8x1024xf32>
    tpu.vector_store %arg9[%swap3A_1923, %swap3A_1924], %add3A_1922 {strides = array<i32>} : memref<976x1024xf32, #tpu.memory_space<vmem>>, vector<8x1024xf32>,
    %get3A_1926 = arith.constant 720 : index
    %get3A_1927 = arith.constant 0 : index
    %get3A_1928 = vector.load %arg6[%get3A_1926, %get3A_1927] : memref<976x1xf32, #tpu.memory_space<vmem>>, vector<8x1xf32>
    %mul3A_1929 = vector.broadcast %get3A_1928 : vector<8x1xf32> to vector<8x1024xf32>
    %mul3A_1930 = arith.mulf %mul3A_1929, %broadcast_in_dim3A_30 : vector<8x1024xf32>
    %add3A_1931 = arith.addf %broadcast_in_dim3A_27, %mul3A_1930 : vector<8x1024xf32>
    %get3A_1932 = arith.constant 720 : index
    %get3A_1933 = arith.constant 0 : index
    %get3A_1934 = vector.load %arg7[%get3A_1932, %get3A_1933] : memref<976x1xf32, #tpu.memory_space<vmem>>, vector<8x1xf32>
    %mul3A_1935 = vector.broadcast %get3A_1934 : vector<8x1xf32> to vector<8x1024xf32>
    %mul3A_1936 = arith.mulf %mul3A_1935, %broadcast_in_dim3A_33 : vector<8x1024xf32>
    %add3A_1937 = arith.addf %add3A_1931, %mul3A_1936 : vector<8x1024xf32>
    %get3A_1938 = arith.constant 720 : index
    %get3A_1939 = arith.constant 0 : index
    %get3A_1940 = vector.load %arg8[%get3A_1938, %get3A_1939] : memref<976x1xf32, #tpu.memory_space<vmem>>, vector<8x1xf32>
    %mul3A_1941 = vector.broadcast %get3A_1940 : vector<8x1xf32> to vector<8x1024xf32>
    %mul3A_1942 = arith.mulf %mul3A_1941, %broadcast_in_dim3A_36 : vector<8x1024xf32>
    %add3A_1943 = arith.addf %add3A_1937, %mul3A_1942 : vector<8x1024xf32>
    %swap3A_1944 = arith.constant 720 : index
    %swap3A_1945 = arith.constant 0 : index
    %swap3A_1946 = vector.load %arg9[%swap3A_1944, %swap3A_1945] : memref<976x1024xf32, #tpu.memory_space<vmem>>, vector<8x1024xf32>
    tpu.vector_store %arg9[%swap3A_1944, %swap3A_1945], %add3A_1943 {strides = array<i32>} : memref<976x1024xf32, #tpu.memory_space<vmem>>, vector<8x1024xf32>,
    %get3A_1947 = arith.constant 728 : index
    %get3A_1948 = arith.constant 0 : index
    %get3A_1949 = vector.load %arg6[%get3A_1947, %get3A_1948] : memref<976x1xf32, #tpu.memory_space<vmem>>, vector<8x1xf32>
    %mul3A_1950 = vector.broadcast %get3A_1949 : vector<8x1xf32> to vector<8x1024xf32>
    %mul3A_1951 = arith.mulf %mul3A_1950, %broadcast_in_dim3A_30 : vector<8x1024xf32>
    %add3A_1952 = arith.addf %broadcast_in_dim3A_27, %mul3A_1951 : vector<8x1024xf32>
    %get3A_1953 = arith.constant 728 : index
    %get3A_1954 = arith.constant 0 : index
    %get3A_1955 = vector.load %arg7[%get3A_1953, %get3A_1954] : memref<976x1xf32, #tpu.memory_space<vmem>>, vector<8x1xf32>
    %mul3A_1956 = vector.broadcast %get3A_1955 : vector<8x1xf32> to vector<8x1024xf32>
    %mul3A_1957 = arith.mulf %mul3A_1956, %broadcast_in_dim3A_33 : vector<8x1024xf32>
    %add3A_1958 = arith.addf %add3A_1952, %mul3A_1957 : vector<8x1024xf32>
    %get3A_1959 = arith.constant 728 : index
    %get3A_1960 = arith.constant 0 : index
    %get3A_1961 = vector.load %arg8[%get3A_1959, %get3A_1960] : memref<976x1xf32, #tpu.memory_space<vmem>>, vector<8x1xf32>
    %mul3A_1962 = vector.broadcast %get3A_1961 : vector<8x1xf32> to vector<8x1024xf32>
    %mul3A_1963 = arith.mulf %mul3A_1962, %broadcast_in_dim3A_36 : vector<8x1024xf32>
    %add3A_1964 = arith.addf %add3A_1958, %mul3A_1963 : vector<8x1024xf32>
    %swap3A_1965 = arith.constant 728 : index
    %swap3A_1966 = arith.constant 0 : index
    %swap3A_1967 = vector.load %arg9[%swap3A_1965, %swap3A_1966] : memref<976x1024xf32, #tpu.memory_space<vmem>>, vector<8x1024xf32>
    tpu.vector_store %arg9[%swap3A_1965, %swap3A_1966], %add3A_1964 {strides = array<i32>} : memref<976x1024xf32, #tpu.memory_space<vmem>>, vector<8x1024xf32>,
    %get3A_1968 = arith.constant 736 : index
    %get3A_1969 = arith.constant 0 : index
    %get3A_1970 = vector.load %arg6[%get3A_1968, %get3A_1969] : memref<976x1xf32, #tpu.memory_space<vmem>>, vector<8x1xf32>
    %mul3A_1971 = vector.broadcast %get3A_1970 : vector<8x1xf32> to vector<8x1024xf32>
    %mul3A_1972 = arith.mulf %mul3A_1971, %broadcast_in_dim3A_30 : vector<8x1024xf32>
    %add3A_1973 = arith.addf %broadcast_in_dim3A_27, %mul3A_1972 : vector<8x1024xf32>
    %get3A_1974 = arith.constant 736 : index
    %get3A_1975 = arith.constant 0 : index
    %get3A_1976 = vector.load %arg7[%get3A_1974, %get3A_1975] : memref<976x1xf32, #tpu.memory_space<vmem>>, vector<8x1xf32>
    %mul3A_1977 = vector.broadcast %get3A_1976 : vector<8x1xf32> to vector<8x1024xf32>
    %mul3A_1978 = arith.mulf %mul3A_1977, %broadcast_in_dim3A_33 : vector<8x1024xf32>
    %add3A_1979 = arith.addf %add3A_1973, %mul3A_1978 : vector<8x1024xf32>
    %get3A_1980 = arith.constant 736 : index
    %get3A_1981 = arith.constant 0 : index
    %get3A_1982 = vector.load %arg8[%get3A_1980, %get3A_1981] : memref<976x1xf32, #tpu.memory_space<vmem>>, vector<8x1xf32>
    %mul3A_1983 = vector.broadcast %get3A_1982 : vector<8x1xf32> to vector<8x1024xf32>
    %mul3A_1984 = arith.mulf %mul3A_1983, %broadcast_in_dim3A_36 : vector<8x1024xf32>
    %add3A_1985 = arith.addf %add3A_1979, %mul3A_1984 : vector<8x1024xf32>
    %swap3A_1986 = arith.constant 736 : index
    %swap3A_1987 = arith.constant 0 : index
    %swap3A_1988 = vector.load %arg9[%swap3A_1986, %swap3A_1987] : memref<976x1024xf32, #tpu.memory_space<vmem>>, vector<8x1024xf32>
    tpu.vector_store %arg9[%swap3A_1986, %swap3A_1987], %add3A_1985 {strides = array<i32>} : memref<976x1024xf32, #tpu.memory_space<vmem>>, vector<8x1024xf32>,
    %get3A_1989 = arith.constant 744 : index
    %get3A_1990 = arith.constant 0 : index
    %get3A_1991 = vector.load %arg6[%get3A_1989, %get3A_1990] : memref<976x1xf32, #tpu.memory_space<vmem>>, vector<8x1xf32>
    %mul3A_1992 = vector.broadcast %get3A_1991 : vector<8x1xf32> to vector<8x1024xf32>
    %mul3A_1993 = arith.mulf %mul3A_1992, %broadcast_in_dim3A_30 : vector<8x1024xf32>
    %add3A_1994 = arith.addf %broadcast_in_dim3A_27, %mul3A_1993 : vector<8x1024xf32>
    %get3A_1995 = arith.constant 744 : index
    %get3A_1996 = arith.constant 0 : index
    %get3A_1997 = vector.load %arg7[%get3A_1995, %get3A_1996] : memref<976x1xf32, #tpu.memory_space<vmem>>, vector<8x1xf32>
    %mul3A_1998 = vector.broadcast %get3A_1997 : vector<8x1xf32> to vector<8x1024xf32>
    %mul3A_1999 = arith.mulf %mul3A_1998, %broadcast_in_dim3A_33 : vector<8x1024xf32>
    %add3A_2000 = arith.addf %add3A_1994, %mul3A_1999 : vector<8x1024xf32>
    %get3A_2001 = arith.constant 744 : index
    %get3A_2002 = arith.constant 0 : index
    %get3A_2003 = vector.load %arg8[%get3A_2001, %get3A_2002] : memref<976x1xf32, #tpu.memory_space<vmem>>, vector<8x1xf32>
    %mul3A_2004 = vector.broadcast %get3A_2003 : vector<8x1xf32> to vector<8x1024xf32>
    %mul3A_2005 = arith.mulf %mul3A_2004, %broadcast_in_dim3A_36 : vector<8x1024xf32>
    %add3A_2006 = arith.addf %add3A_2000, %mul3A_2005 : vector<8x1024xf32>
    %swap3A_2007 = arith.constant 744 : index
    %swap3A_2008 = arith.constant 0 : index
    %swap3A_2009 = vector.load %arg9[%swap3A_2007, %swap3A_2008] : memref<976x1024xf32, #tpu.memory_space<vmem>>, vector<8x1024xf32>
    tpu.vector_store %arg9[%swap3A_2007, %swap3A_2008], %add3A_2006 {strides = array<i32>} : memref<976x1024xf32, #tpu.memory_space<vmem>>, vector<8x1024xf32>,
    %get3A_2010 = arith.constant 752 : index
    %get3A_2011 = arith.constant 0 : index
    %get3A_2012 = vector.load %arg6[%get3A_2010, %get3A_2011] : memref<976x1xf32, #tpu.memory_space<vmem>>, vector<8x1xf32>
    %mul3A_2013 = vector.broadcast %get3A_2012 : vector<8x1xf32> to vector<8x1024xf32>
    %mul3A_2014 = arith.mulf %mul3A_2013, %broadcast_in_dim3A_30 : vector<8x1024xf32>
    %add3A_2015 = arith.addf %broadcast_in_dim3A_27, %mul3A_2014 : vector<8x1024xf32>
    %get3A_2016 = arith.constant 752 : index
    %get3A_2017 = arith.constant 0 : index
    %get3A_2018 = vector.load %arg7[%get3A_2016, %get3A_2017] : memref<976x1xf32, #tpu.memory_space<vmem>>, vector<8x1xf32>
    %mul3A_2019 = vector.broadcast %get3A_2018 : vector<8x1xf32> to vector<8x1024xf32>
    %mul3A_2020 = arith.mulf %mul3A_2019, %broadcast_in_dim3A_33 : vector<8x1024xf32>
    %add3A_2021 = arith.addf %add3A_2015, %mul3A_2020 : vector<8x1024xf32>
    %get3A_2022 = arith.constant 752 : index
    %get3A_2023 = arith.constant 0 : index
    %get3A_2024 = vector.load %arg8[%get3A_2022, %get3A_2023] : memref<976x1xf32, #tpu.memory_space<vmem>>, vector<8x1xf32>
    %mul3A_2025 = vector.broadcast %get3A_2024 : vector<8x1xf32> to vector<8x1024xf32>
    %mul3A_2026 = arith.mulf %mul3A_2025, %broadcast_in_dim3A_36 : vector<8x1024xf32>
    %add3A_2027 = arith.addf %add3A_2021, %mul3A_2026 : vector<8x1024xf32>
    %swap3A_2028 = arith.constant 752 : index
    %swap3A_2029 = arith.constant 0 : index
    %swap3A_2030 = vector.load %arg9[%swap3A_2028, %swap3A_2029] : memref<976x1024xf32, #tpu.memory_space<vmem>>, vector<8x1024xf32>
    tpu.vector_store %arg9[%swap3A_2028, %swap3A_2029], %add3A_2027 {strides = array<i32>} : memref<976x1024xf32, #tpu.memory_space<vmem>>, vector<8x1024xf32>,
    %get3A_2031 = arith.constant 760 : index
    %get3A_2032 = arith.constant 0 : index
    %get3A_2033 = vector.load %arg6[%get3A_2031, %get3A_2032] : memref<976x1xf32, #tpu.memory_space<vmem>>, vector<8x1xf32>
    %mul3A_2034 = vector.broadcast %get3A_2033 : vector<8x1xf32> to vector<8x1024xf32>
    %mul3A_2035 = arith.mulf %mul3A_2034, %broadcast_in_dim3A_30 : vector<8x1024xf32>
    %add3A_2036 = arith.addf %broadcast_in_dim3A_27, %mul3A_2035 : vector<8x1024xf32>
    %get3A_2037 = arith.constant 760 : index
    %get3A_2038 = arith.constant 0 : index
    %get3A_2039 = vector.load %arg7[%get3A_2037, %get3A_2038] : memref<976x1xf32, #tpu.memory_space<vmem>>, vector<8x1xf32>
    %mul3A_2040 = vector.broadcast %get3A_2039 : vector<8x1xf32> to vector<8x1024xf32>
    %mul3A_2041 = arith.mulf %mul3A_2040, %broadcast_in_dim3A_33 : vector<8x1024xf32>
    %add3A_2042 = arith.addf %add3A_2036, %mul3A_2041 : vector<8x1024xf32>
    %get3A_2043 = arith.constant 760 : index
    %get3A_2044 = arith.constant 0 : index
    %get3A_2045 = vector.load %arg8[%get3A_2043, %get3A_2044] : memref<976x1xf32, #tpu.memory_space<vmem>>, vector<8x1xf32>
    %mul3A_2046 = vector.broadcast %get3A_2045 : vector<8x1xf32> to vector<8x1024xf32>
    %mul3A_2047 = arith.mulf %mul3A_2046, %broadcast_in_dim3A_36 : vector<8x1024xf32>
    %add3A_2048 = arith.addf %add3A_2042, %mul3A_2047 : vector<8x1024xf32>
    %swap3A_2049 = arith.constant 760 : index
    %swap3A_2050 = arith.constant 0 : index
    %swap3A_2051 = vector.load %arg9[%swap3A_2049, %swap3A_2050] : memref<976x1024xf32, #tpu.memory_space<vmem>>, vector<8x1024xf32>
    tpu.vector_store %arg9[%swap3A_2049, %swap3A_2050], %add3A_2048 {strides = array<i32>} : memref<976x1024xf32, #tpu.memory_space<vmem>>, vector<8x1024xf32>,
    %get3A_2052 = arith.constant 768 : index
    %get3A_2053 = arith.constant 0 : index
    %get3A_2054 = vector.load %arg6[%get3A_2052, %get3A_2053] : memref<976x1xf32, #tpu.memory_space<vmem>>, vector<8x1xf32>
    %mul3A_2055 = vector.broadcast %get3A_2054 : vector<8x1xf32> to vector<8x1024xf32>
    %mul3A_2056 = arith.mulf %mul3A_2055, %broadcast_in_dim3A_30 : vector<8x1024xf32>
    %add3A_2057 = arith.addf %broadcast_in_dim3A_27, %mul3A_2056 : vector<8x1024xf32>
    %get3A_2058 = arith.constant 768 : index
    %get3A_2059 = arith.constant 0 : index
    %get3A_2060 = vector.load %arg7[%get3A_2058, %get3A_2059] : memref<976x1xf32, #tpu.memory_space<vmem>>, vector<8x1xf32>
    %mul3A_2061 = vector.broadcast %get3A_2060 : vector<8x1xf32> to vector<8x1024xf32>
    %mul3A_2062 = arith.mulf %mul3A_2061, %broadcast_in_dim3A_33 : vector<8x1024xf32>
    %add3A_2063 = arith.addf %add3A_2057, %mul3A_2062 : vector<8x1024xf32>
    %get3A_2064 = arith.constant 768 : index
    %get3A_2065 = arith.constant 0 : index
    %get3A_2066 = vector.load %arg8[%get3A_2064, %get3A_2065] : memref<976x1xf32, #tpu.memory_space<vmem>>, vector<8x1xf32>
    %mul3A_2067 = vector.broadcast %get3A_2066 : vector<8x1xf32> to vector<8x1024xf32>
    %mul3A_2068 = arith.mulf %mul3A_2067, %broadcast_in_dim3A_36 : vector<8x1024xf32>
    %add3A_2069 = arith.addf %add3A_2063, %mul3A_2068 : vector<8x1024xf32>
    %swap3A_2070 = arith.constant 768 : index
    %swap3A_2071 = arith.constant 0 : index
    %swap3A_2072 = vector.load %arg9[%swap3A_2070, %swap3A_2071] : memref<976x1024xf32, #tpu.memory_space<vmem>>, vector<8x1024xf32>
    tpu.vector_store %arg9[%swap3A_2070, %swap3A_2071], %add3A_2069 {strides = array<i32>} : memref<976x1024xf32, #tpu.memory_space<vmem>>, vector<8x1024xf32>,
    %get3A_2073 = arith.constant 776 : index
    %get3A_2074 = arith.constant 0 : index
    %get3A_2075 = vector.load %arg6[%get3A_2073, %get3A_2074] : memref<976x1xf32, #tpu.memory_space<vmem>>, vector<8x1xf32>
    %mul3A_2076 = vector.broadcast %get3A_2075 : vector<8x1xf32> to vector<8x1024xf32>
    %mul3A_2077 = arith.mulf %mul3A_2076, %broadcast_in_dim3A_30 : vector<8x1024xf32>
    %add3A_2078 = arith.addf %broadcast_in_dim3A_27, %mul3A_2077 : vector<8x1024xf32>
    %get3A_2079 = arith.constant 776 : index
    %get3A_2080 = arith.constant 0 : index
    %get3A_2081 = vector.load %arg7[%get3A_2079, %get3A_2080] : memref<976x1xf32, #tpu.memory_space<vmem>>, vector<8x1xf32>
    %mul3A_2082 = vector.broadcast %get3A_2081 : vector<8x1xf32> to vector<8x1024xf32>
    %mul3A_2083 = arith.mulf %mul3A_2082, %broadcast_in_dim3A_33 : vector<8x1024xf32>
    %add3A_2084 = arith.addf %add3A_2078, %mul3A_2083 : vector<8x1024xf32>
    %get3A_2085 = arith.constant 776 : index
    %get3A_2086 = arith.constant 0 : index
    %get3A_2087 = vector.load %arg8[%get3A_2085, %get3A_2086] : memref<976x1xf32, #tpu.memory_space<vmem>>, vector<8x1xf32>
    %mul3A_2088 = vector.broadcast %get3A_2087 : vector<8x1xf32> to vector<8x1024xf32>
    %mul3A_2089 = arith.mulf %mul3A_2088, %broadcast_in_dim3A_36 : vector<8x1024xf32>
    %add3A_2090 = arith.addf %add3A_2084, %mul3A_2089 : vector<8x1024xf32>
    %swap3A_2091 = arith.constant 776 : index
    %swap3A_2092 = arith.constant 0 : index
    %swap3A_2093 = vector.load %arg9[%swap3A_2091, %swap3A_2092] : memref<976x1024xf32, #tpu.memory_space<vmem>>, vector<8x1024xf32>
    tpu.vector_store %arg9[%swap3A_2091, %swap3A_2092], %add3A_2090 {strides = array<i32>} : memref<976x1024xf32, #tpu.memory_space<vmem>>, vector<8x1024xf32>,
    %get3A_2094 = arith.constant 784 : index
    %get3A_2095 = arith.constant 0 : index
    %get3A_2096 = vector.load %arg6[%get3A_2094, %get3A_2095] : memref<976x1xf32, #tpu.memory_space<vmem>>, vector<8x1xf32>
    %mul3A_2097 = vector.broadcast %get3A_2096 : vector<8x1xf32> to vector<8x1024xf32>
    %mul3A_2098 = arith.mulf %mul3A_2097, %broadcast_in_dim3A_30 : vector<8x1024xf32>
    %add3A_2099 = arith.addf %broadcast_in_dim3A_27, %mul3A_2098 : vector<8x1024xf32>
    %get3A_2100 = arith.constant 784 : index
    %get3A_2101 = arith.constant 0 : index
    %get3A_2102 = vector.load %arg7[%get3A_2100, %get3A_2101] : memref<976x1xf32, #tpu.memory_space<vmem>>, vector<8x1xf32>
    %mul3A_2103 = vector.broadcast %get3A_2102 : vector<8x1xf32> to vector<8x1024xf32>
    %mul3A_2104 = arith.mulf %mul3A_2103, %broadcast_in_dim3A_33 : vector<8x1024xf32>
    %add3A_2105 = arith.addf %add3A_2099, %mul3A_2104 : vector<8x1024xf32>
    %get3A_2106 = arith.constant 784 : index
    %get3A_2107 = arith.constant 0 : index
    %get3A_2108 = vector.load %arg8[%get3A_2106, %get3A_2107] : memref<976x1xf32, #tpu.memory_space<vmem>>, vector<8x1xf32>
    %mul3A_2109 = vector.broadcast %get3A_2108 : vector<8x1xf32> to vector<8x1024xf32>
    %mul3A_2110 = arith.mulf %mul3A_2109, %broadcast_in_dim3A_36 : vector<8x1024xf32>
    %add3A_2111 = arith.addf %add3A_2105, %mul3A_2110 : vector<8x1024xf32>
    %swap3A_2112 = arith.constant 784 : index
    %swap3A_2113 = arith.constant 0 : index
    %swap3A_2114 = vector.load %arg9[%swap3A_2112, %swap3A_2113] : memref<976x1024xf32, #tpu.memory_space<vmem>>, vector<8x1024xf32>
    tpu.vector_store %arg9[%swap3A_2112, %swap3A_2113], %add3A_2111 {strides = array<i32>} : memref<976x1024xf32, #tpu.memory_space<vmem>>, vector<8x1024xf32>,
    %get3A_2115 = arith.constant 792 : index
    %get3A_2116 = arith.constant 0 : index
    %get3A_2117 = vector.load %arg6[%get3A_2115, %get3A_2116] : memref<976x1xf32, #tpu.memory_space<vmem>>, vector<8x1xf32>
    %mul3A_2118 = vector.broadcast %get3A_2117 : vector<8x1xf32> to vector<8x1024xf32>
    %mul3A_2119 = arith.mulf %mul3A_2118, %broadcast_in_dim3A_30 : vector<8x1024xf32>
    %add3A_2120 = arith.addf %broadcast_in_dim3A_27, %mul3A_2119 : vector<8x1024xf32>
    %get3A_2121 = arith.constant 792 : index
    %get3A_2122 = arith.constant 0 : index
    %get3A_2123 = vector.load %arg7[%get3A_2121, %get3A_2122] : memref<976x1xf32, #tpu.memory_space<vmem>>, vector<8x1xf32>
    %mul3A_2124 = vector.broadcast %get3A_2123 : vector<8x1xf32> to vector<8x1024xf32>
    %mul3A_2125 = arith.mulf %mul3A_2124, %broadcast_in_dim3A_33 : vector<8x1024xf32>
    %add3A_2126 = arith.addf %add3A_2120, %mul3A_2125 : vector<8x1024xf32>
    %get3A_2127 = arith.constant 792 : index
    %get3A_2128 = arith.constant 0 : index
    %get3A_2129 = vector.load %arg8[%get3A_2127, %get3A_2128] : memref<976x1xf32, #tpu.memory_space<vmem>>, vector<8x1xf32>
    %mul3A_2130 = vector.broadcast %get3A_2129 : vector<8x1xf32> to vector<8x1024xf32>
    %mul3A_2131 = arith.mulf %mul3A_2130, %broadcast_in_dim3A_36 : vector<8x1024xf32>
    %add3A_2132 = arith.addf %add3A_2126, %mul3A_2131 : vector<8x1024xf32>
    %swap3A_2133 = arith.constant 792 : index
    %swap3A_2134 = arith.constant 0 : index
    %swap3A_2135 = vector.load %arg9[%swap3A_2133, %swap3A_2134] : memref<976x1024xf32, #tpu.memory_space<vmem>>, vector<8x1024xf32>
    tpu.vector_store %arg9[%swap3A_2133, %swap3A_2134], %add3A_2132 {strides = array<i32>} : memref<976x1024xf32, #tpu.memory_space<vmem>>, vector<8x1024xf32>,
    %get3A_2136 = arith.constant 800 : index
    %get3A_2137 = arith.constant 0 : index
    %get3A_2138 = vector.load %arg6[%get3A_2136, %get3A_2137] : memref<976x1xf32, #tpu.memory_space<vmem>>, vector<8x1xf32>
    %mul3A_2139 = vector.broadcast %get3A_2138 : vector<8x1xf32> to vector<8x1024xf32>
    %mul3A_2140 = arith.mulf %mul3A_2139, %broadcast_in_dim3A_30 : vector<8x1024xf32>
    %add3A_2141 = arith.addf %broadcast_in_dim3A_27, %mul3A_2140 : vector<8x1024xf32>
    %get3A_2142 = arith.constant 800 : index
    %get3A_2143 = arith.constant 0 : index
    %get3A_2144 = vector.load %arg7[%get3A_2142, %get3A_2143] : memref<976x1xf32, #tpu.memory_space<vmem>>, vector<8x1xf32>
    %mul3A_2145 = vector.broadcast %get3A_2144 : vector<8x1xf32> to vector<8x1024xf32>
    %mul3A_2146 = arith.mulf %mul3A_2145, %broadcast_in_dim3A_33 : vector<8x1024xf32>
    %add3A_2147 = arith.addf %add3A_2141, %mul3A_2146 : vector<8x1024xf32>
    %get3A_2148 = arith.constant 800 : index
    %get3A_2149 = arith.constant 0 : index
    %get3A_2150 = vector.load %arg8[%get3A_2148, %get3A_2149] : memref<976x1xf32, #tpu.memory_space<vmem>>, vector<8x1xf32>
    %mul3A_2151 = vector.broadcast %get3A_2150 : vector<8x1xf32> to vector<8x1024xf32>
    %mul3A_2152 = arith.mulf %mul3A_2151, %broadcast_in_dim3A_36 : vector<8x1024xf32>
    %add3A_2153 = arith.addf %add3A_2147, %mul3A_2152 : vector<8x1024xf32>
    %swap3A_2154 = arith.constant 800 : index
    %swap3A_2155 = arith.constant 0 : index
    %swap3A_2156 = vector.load %arg9[%swap3A_2154, %swap3A_2155] : memref<976x1024xf32, #tpu.memory_space<vmem>>, vector<8x1024xf32>
    tpu.vector_store %arg9[%swap3A_2154, %swap3A_2155], %add3A_2153 {strides = array<i32>} : memref<976x1024xf32, #tpu.memory_space<vmem>>, vector<8x1024xf32>,
    %get3A_2157 = arith.constant 808 : index
    %get3A_2158 = arith.constant 0 : index
    %get3A_2159 = vector.load %arg6[%get3A_2157, %get3A_2158] : memref<976x1xf32, #tpu.memory_space<vmem>>, vector<8x1xf32>
    %mul3A_2160 = vector.broadcast %get3A_2159 : vector<8x1xf32> to vector<8x1024xf32>
    %mul3A_2161 = arith.mulf %mul3A_2160, %broadcast_in_dim3A_30 : vector<8x1024xf32>
    %add3A_2162 = arith.addf %broadcast_in_dim3A_27, %mul3A_2161 : vector<8x1024xf32>
    %get3A_2163 = arith.constant 808 : index
    %get3A_2164 = arith.constant 0 : index
    %get3A_2165 = vector.load %arg7[%get3A_2163, %get3A_2164] : memref<976x1xf32, #tpu.memory_space<vmem>>, vector<8x1xf32>
    %mul3A_2166 = vector.broadcast %get3A_2165 : vector<8x1xf32> to vector<8x1024xf32>
    %mul3A_2167 = arith.mulf %mul3A_2166, %broadcast_in_dim3A_33 : vector<8x1024xf32>
    %add3A_2168 = arith.addf %add3A_2162, %mul3A_2167 : vector<8x1024xf32>
    %get3A_2169 = arith.constant 808 : index
    %get3A_2170 = arith.constant 0 : index
    %get3A_2171 = vector.load %arg8[%get3A_2169, %get3A_2170] : memref<976x1xf32, #tpu.memory_space<vmem>>, vector<8x1xf32>
    %mul3A_2172 = vector.broadcast %get3A_2171 : vector<8x1xf32> to vector<8x1024xf32>
    %mul3A_2173 = arith.mulf %mul3A_2172, %broadcast_in_dim3A_36 : vector<8x1024xf32>
    %add3A_2174 = arith.addf %add3A_2168, %mul3A_2173 : vector<8x1024xf32>
    %swap3A_2175 = arith.constant 808 : index
    %swap3A_2176 = arith.constant 0 : index
    %swap3A_2177 = vector.load %arg9[%swap3A_2175, %swap3A_2176] : memref<976x1024xf32, #tpu.memory_space<vmem>>, vector<8x1024xf32>
    tpu.vector_store %arg9[%swap3A_2175, %swap3A_2176], %add3A_2174 {strides = array<i32>} : memref<976x1024xf32, #tpu.memory_space<vmem>>, vector<8x1024xf32>,
    %get3A_2178 = arith.constant 816 : index
    %get3A_2179 = arith.constant 0 : index
    %get3A_2180 = vector.load %arg6[%get3A_2178, %get3A_2179] : memref<976x1xf32, #tpu.memory_space<vmem>>, vector<8x1xf32>
    %mul3A_2181 = vector.broadcast %get3A_2180 : vector<8x1xf32> to vector<8x1024xf32>
    %mul3A_2182 = arith.mulf %mul3A_2181, %broadcast_in_dim3A_30 : vector<8x1024xf32>
    %add3A_2183 = arith.addf %broadcast_in_dim3A_27, %mul3A_2182 : vector<8x1024xf32>
    %get3A_2184 = arith.constant 816 : index
    %get3A_2185 = arith.constant 0 : index
    %get3A_2186 = vector.load %arg7[%get3A_2184, %get3A_2185] : memref<976x1xf32, #tpu.memory_space<vmem>>, vector<8x1xf32>
    %mul3A_2187 = vector.broadcast %get3A_2186 : vector<8x1xf32> to vector<8x1024xf32>
    %mul3A_2188 = arith.mulf %mul3A_2187, %broadcast_in_dim3A_33 : vector<8x1024xf32>
    %add3A_2189 = arith.addf %add3A_2183, %mul3A_2188 : vector<8x1024xf32>
    %get3A_2190 = arith.constant 816 : index
    %get3A_2191 = arith.constant 0 : index
    %get3A_2192 = vector.load %arg8[%get3A_2190, %get3A_2191] : memref<976x1xf32, #tpu.memory_space<vmem>>, vector<8x1xf32>
    %mul3A_2193 = vector.broadcast %get3A_2192 : vector<8x1xf32> to vector<8x1024xf32>
    %mul3A_2194 = arith.mulf %mul3A_2193, %broadcast_in_dim3A_36 : vector<8x1024xf32>
    %add3A_2195 = arith.addf %add3A_2189, %mul3A_2194 : vector<8x1024xf32>
    %swap3A_2196 = arith.constant 816 : index
    %swap3A_2197 = arith.constant 0 : index
    %swap3A_2198 = vector.load %arg9[%swap3A_2196, %swap3A_2197] : memref<976x1024xf32, #tpu.memory_space<vmem>>, vector<8x1024xf32>
    tpu.vector_store %arg9[%swap3A_2196, %swap3A_2197], %add3A_2195 {strides = array<i32>} : memref<976x1024xf32, #tpu.memory_space<vmem>>, vector<8x1024xf32>,
    %get3A_2199 = arith.constant 824 : index
    %get3A_2200 = arith.constant 0 : index
    %get3A_2201 = vector.load %arg6[%get3A_2199, %get3A_2200] : memref<976x1xf32, #tpu.memory_space<vmem>>, vector<8x1xf32>
    %mul3A_2202 = vector.broadcast %get3A_2201 : vector<8x1xf32> to vector<8x1024xf32>
    %mul3A_2203 = arith.mulf %mul3A_2202, %broadcast_in_dim3A_30 : vector<8x1024xf32>
    %add3A_2204 = arith.addf %broadcast_in_dim3A_27, %mul3A_2203 : vector<8x1024xf32>
    %get3A_2205 = arith.constant 824 : index
    %get3A_2206 = arith.constant 0 : index
    %get3A_2207 = vector.load %arg7[%get3A_2205, %get3A_2206] : memref<976x1xf32, #tpu.memory_space<vmem>>, vector<8x1xf32>
    %mul3A_2208 = vector.broadcast %get3A_2207 : vector<8x1xf32> to vector<8x1024xf32>
    %mul3A_2209 = arith.mulf %mul3A_2208, %broadcast_in_dim3A_33 : vector<8x1024xf32>
    %add3A_2210 = arith.addf %add3A_2204, %mul3A_2209 : vector<8x1024xf32>
    %get3A_2211 = arith.constant 824 : index
    %get3A_2212 = arith.constant 0 : index
    %get3A_2213 = vector.load %arg8[%get3A_2211, %get3A_2212] : memref<976x1xf32, #tpu.memory_space<vmem>>, vector<8x1xf32>
    %mul3A_2214 = vector.broadcast %get3A_2213 : vector<8x1xf32> to vector<8x1024xf32>
    %mul3A_2215 = arith.mulf %mul3A_2214, %broadcast_in_dim3A_36 : vector<8x1024xf32>
    %add3A_2216 = arith.addf %add3A_2210, %mul3A_2215 : vector<8x1024xf32>
    %swap3A_2217 = arith.constant 824 : index
    %swap3A_2218 = arith.constant 0 : index
    %swap3A_2219 = vector.load %arg9[%swap3A_2217, %swap3A_2218] : memref<976x1024xf32, #tpu.memory_space<vmem>>, vector<8x1024xf32>
    tpu.vector_store %arg9[%swap3A_2217, %swap3A_2218], %add3A_2216 {strides = array<i32>} : memref<976x1024xf32, #tpu.memory_space<vmem>>, vector<8x1024xf32>,
    %get3A_2220 = arith.constant 832 : index
    %get3A_2221 = arith.constant 0 : index
    %get3A_2222 = vector.load %arg6[%get3A_2220, %get3A_2221] : memref<976x1xf32, #tpu.memory_space<vmem>>, vector<8x1xf32>
    %mul3A_2223 = vector.broadcast %get3A_2222 : vector<8x1xf32> to vector<8x1024xf32>
    %mul3A_2224 = arith.mulf %mul3A_2223, %broadcast_in_dim3A_30 : vector<8x1024xf32>
    %add3A_2225 = arith.addf %broadcast_in_dim3A_27, %mul3A_2224 : vector<8x1024xf32>
    %get3A_2226 = arith.constant 832 : index
    %get3A_2227 = arith.constant 0 : index
    %get3A_2228 = vector.load %arg7[%get3A_2226, %get3A_2227] : memref<976x1xf32, #tpu.memory_space<vmem>>, vector<8x1xf32>
    %mul3A_2229 = vector.broadcast %get3A_2228 : vector<8x1xf32> to vector<8x1024xf32>
    %mul3A_2230 = arith.mulf %mul3A_2229, %broadcast_in_dim3A_33 : vector<8x1024xf32>
    %add3A_2231 = arith.addf %add3A_2225, %mul3A_2230 : vector<8x1024xf32>
    %get3A_2232 = arith.constant 832 : index
    %get3A_2233 = arith.constant 0 : index
    %get3A_2234 = vector.load %arg8[%get3A_2232, %get3A_2233] : memref<976x1xf32, #tpu.memory_space<vmem>>, vector<8x1xf32>
    %mul3A_2235 = vector.broadcast %get3A_2234 : vector<8x1xf32> to vector<8x1024xf32>
    %mul3A_2236 = arith.mulf %mul3A_2235, %broadcast_in_dim3A_36 : vector<8x1024xf32>
    %add3A_2237 = arith.addf %add3A_2231, %mul3A_2236 : vector<8x1024xf32>
    %swap3A_2238 = arith.constant 832 : index
    %swap3A_2239 = arith.constant 0 : index
    %swap3A_2240 = vector.load %arg9[%swap3A_2238, %swap3A_2239] : memref<976x1024xf32, #tpu.memory_space<vmem>>, vector<8x1024xf32>
    tpu.vector_store %arg9[%swap3A_2238, %swap3A_2239], %add3A_2237 {strides = array<i32>} : memref<976x1024xf32, #tpu.memory_space<vmem>>, vector<8x1024xf32>,
    %get3A_2241 = arith.constant 840 : index
    %get3A_2242 = arith.constant 0 : index
    %get3A_2243 = vector.load %arg6[%get3A_2241, %get3A_2242] : memref<976x1xf32, #tpu.memory_space<vmem>>, vector<8x1xf32>
    %mul3A_2244 = vector.broadcast %get3A_2243 : vector<8x1xf32> to vector<8x1024xf32>
    %mul3A_2245 = arith.mulf %mul3A_2244, %broadcast_in_dim3A_30 : vector<8x1024xf32>
    %add3A_2246 = arith.addf %broadcast_in_dim3A_27, %mul3A_2245 : vector<8x1024xf32>
    %get3A_2247 = arith.constant 840 : index
    %get3A_2248 = arith.constant 0 : index
    %get3A_2249 = vector.load %arg7[%get3A_2247, %get3A_2248] : memref<976x1xf32, #tpu.memory_space<vmem>>, vector<8x1xf32>
    %mul3A_2250 = vector.broadcast %get3A_2249 : vector<8x1xf32> to vector<8x1024xf32>
    %mul3A_2251 = arith.mulf %mul3A_2250, %broadcast_in_dim3A_33 : vector<8x1024xf32>
    %add3A_2252 = arith.addf %add3A_2246, %mul3A_2251 : vector<8x1024xf32>
    %get3A_2253 = arith.constant 840 : index
    %get3A_2254 = arith.constant 0 : index
    %get3A_2255 = vector.load %arg8[%get3A_2253, %get3A_2254] : memref<976x1xf32, #tpu.memory_space<vmem>>, vector<8x1xf32>
    %mul3A_2256 = vector.broadcast %get3A_2255 : vector<8x1xf32> to vector<8x1024xf32>
    %mul3A_2257 = arith.mulf %mul3A_2256, %broadcast_in_dim3A_36 : vector<8x1024xf32>
    %add3A_2258 = arith.addf %add3A_2252, %mul3A_2257 : vector<8x1024xf32>
    %swap3A_2259 = arith.constant 840 : index
    %swap3A_2260 = arith.constant 0 : index
    %swap3A_2261 = vector.load %arg9[%swap3A_2259, %swap3A_2260] : memref<976x1024xf32, #tpu.memory_space<vmem>>, vector<8x1024xf32>
    tpu.vector_store %arg9[%swap3A_2259, %swap3A_2260], %add3A_2258 {strides = array<i32>} : memref<976x1024xf32, #tpu.memory_space<vmem>>, vector<8x1024xf32>,
    %get3A_2262 = arith.constant 848 : index
    %get3A_2263 = arith.constant 0 : index
    %get3A_2264 = vector.load %arg6[%get3A_2262, %get3A_2263] : memref<976x1xf32, #tpu.memory_space<vmem>>, vector<8x1xf32>
    %mul3A_2265 = vector.broadcast %get3A_2264 : vector<8x1xf32> to vector<8x1024xf32>
    %mul3A_2266 = arith.mulf %mul3A_2265, %broadcast_in_dim3A_30 : vector<8x1024xf32>
    %add3A_2267 = arith.addf %broadcast_in_dim3A_27, %mul3A_2266 : vector<8x1024xf32>
    %get3A_2268 = arith.constant 848 : index
    %get3A_2269 = arith.constant 0 : index
    %get3A_2270 = vector.load %arg7[%get3A_2268, %get3A_2269] : memref<976x1xf32, #tpu.memory_space<vmem>>, vector<8x1xf32>
    %mul3A_2271 = vector.broadcast %get3A_2270 : vector<8x1xf32> to vector<8x1024xf32>
    %mul3A_2272 = arith.mulf %mul3A_2271, %broadcast_in_dim3A_33 : vector<8x1024xf32>
    %add3A_2273 = arith.addf %add3A_2267, %mul3A_2272 : vector<8x1024xf32>
    %get3A_2274 = arith.constant 848 : index
    %get3A_2275 = arith.constant 0 : index
    %get3A_2276 = vector.load %arg8[%get3A_2274, %get3A_2275] : memref<976x1xf32, #tpu.memory_space<vmem>>, vector<8x1xf32>
    %mul3A_2277 = vector.broadcast %get3A_2276 : vector<8x1xf32> to vector<8x1024xf32>
    %mul3A_2278 = arith.mulf %mul3A_2277, %broadcast_in_dim3A_36 : vector<8x1024xf32>
    %add3A_2279 = arith.addf %add3A_2273, %mul3A_2278 : vector<8x1024xf32>
    %swap3A_2280 = arith.constant 848 : index
    %swap3A_2281 = arith.constant 0 : index
    %swap3A_2282 = vector.load %arg9[%swap3A_2280, %swap3A_2281] : memref<976x1024xf32, #tpu.memory_space<vmem>>, vector<8x1024xf32>
    tpu.vector_store %arg9[%swap3A_2280, %swap3A_2281], %add3A_2279 {strides = array<i32>} : memref<976x1024xf32, #tpu.memory_space<vmem>>, vector<8x1024xf32>,
    %get3A_2283 = arith.constant 856 : index
    %get3A_2284 = arith.constant 0 : index
    %get3A_2285 = vector.load %arg6[%get3A_2283, %get3A_2284] : memref<976x1xf32, #tpu.memory_space<vmem>>, vector<8x1xf32>
    %mul3A_2286 = vector.broadcast %get3A_2285 : vector<8x1xf32> to vector<8x1024xf32>
    %mul3A_2287 = arith.mulf %mul3A_2286, %broadcast_in_dim3A_30 : vector<8x1024xf32>
    %add3A_2288 = arith.addf %broadcast_in_dim3A_27, %mul3A_2287 : vector<8x1024xf32>
    %get3A_2289 = arith.constant 856 : index
    %get3A_2290 = arith.constant 0 : index
    %get3A_2291 = vector.load %arg7[%get3A_2289, %get3A_2290] : memref<976x1xf32, #tpu.memory_space<vmem>>, vector<8x1xf32>
    %mul3A_2292 = vector.broadcast %get3A_2291 : vector<8x1xf32> to vector<8x1024xf32>
    %mul3A_2293 = arith.mulf %mul3A_2292, %broadcast_in_dim3A_33 : vector<8x1024xf32>
    %add3A_2294 = arith.addf %add3A_2288, %mul3A_2293 : vector<8x1024xf32>
    %get3A_2295 = arith.constant 856 : index
    %get3A_2296 = arith.constant 0 : index
    %get3A_2297 = vector.load %arg8[%get3A_2295, %get3A_2296] : memref<976x1xf32, #tpu.memory_space<vmem>>, vector<8x1xf32>
    %mul3A_2298 = vector.broadcast %get3A_2297 : vector<8x1xf32> to vector<8x1024xf32>
    %mul3A_2299 = arith.mulf %mul3A_2298, %broadcast_in_dim3A_36 : vector<8x1024xf32>
    %add3A_2300 = arith.addf %add3A_2294, %mul3A_2299 : vector<8x1024xf32>
    %swap3A_2301 = arith.constant 856 : index
    %swap3A_2302 = arith.constant 0 : index
    %swap3A_2303 = vector.load %arg9[%swap3A_2301, %swap3A_2302] : memref<976x1024xf32, #tpu.memory_space<vmem>>, vector<8x1024xf32>
    tpu.vector_store %arg9[%swap3A_2301, %swap3A_2302], %add3A_2300 {strides = array<i32>} : memref<976x1024xf32, #tpu.memory_space<vmem>>, vector<8x1024xf32>,
    %get3A_2304 = arith.constant 864 : index
    %get3A_2305 = arith.constant 0 : index
    %get3A_2306 = vector.load %arg6[%get3A_2304, %get3A_2305] : memref<976x1xf32, #tpu.memory_space<vmem>>, vector<8x1xf32>
    %mul3A_2307 = vector.broadcast %get3A_2306 : vector<8x1xf32> to vector<8x1024xf32>
    %mul3A_2308 = arith.mulf %mul3A_2307, %broadcast_in_dim3A_30 : vector<8x1024xf32>
    %add3A_2309 = arith.addf %broadcast_in_dim3A_27, %mul3A_2308 : vector<8x1024xf32>
    %get3A_2310 = arith.constant 864 : index
    %get3A_2311 = arith.constant 0 : index
    %get3A_2312 = vector.load %arg7[%get3A_2310, %get3A_2311] : memref<976x1xf32, #tpu.memory_space<vmem>>, vector<8x1xf32>
    %mul3A_2313 = vector.broadcast %get3A_2312 : vector<8x1xf32> to vector<8x1024xf32>
    %mul3A_2314 = arith.mulf %mul3A_2313, %broadcast_in_dim3A_33 : vector<8x1024xf32>
    %add3A_2315 = arith.addf %add3A_2309, %mul3A_2314 : vector<8x1024xf32>
    %get3A_2316 = arith.constant 864 : index
    %get3A_2317 = arith.constant 0 : index
    %get3A_2318 = vector.load %arg8[%get3A_2316, %get3A_2317] : memref<976x1xf32, #tpu.memory_space<vmem>>, vector<8x1xf32>
    %mul3A_2319 = vector.broadcast %get3A_2318 : vector<8x1xf32> to vector<8x1024xf32>
    %mul3A_2320 = arith.mulf %mul3A_2319, %broadcast_in_dim3A_36 : vector<8x1024xf32>
    %add3A_2321 = arith.addf %add3A_2315, %mul3A_2320 : vector<8x1024xf32>
    %swap3A_2322 = arith.constant 864 : index
    %swap3A_2323 = arith.constant 0 : index
    %swap3A_2324 = vector.load %arg9[%swap3A_2322, %swap3A_2323] : memref<976x1024xf32, #tpu.memory_space<vmem>>, vector<8x1024xf32>
    tpu.vector_store %arg9[%swap3A_2322, %swap3A_2323], %add3A_2321 {strides = array<i32>} : memref<976x1024xf32, #tpu.memory_space<vmem>>, vector<8x1024xf32>,
    %get3A_2325 = arith.constant 872 : index
    %get3A_2326 = arith.constant 0 : index
    %get3A_2327 = vector.load %arg6[%get3A_2325, %get3A_2326] : memref<976x1xf32, #tpu.memory_space<vmem>>, vector<8x1xf32>
    %mul3A_2328 = vector.broadcast %get3A_2327 : vector<8x1xf32> to vector<8x1024xf32>
    %mul3A_2329 = arith.mulf %mul3A_2328, %broadcast_in_dim3A_30 : vector<8x1024xf32>
    %add3A_2330 = arith.addf %broadcast_in_dim3A_27, %mul3A_2329 : vector<8x1024xf32>
    %get3A_2331 = arith.constant 872 : index
    %get3A_2332 = arith.constant 0 : index
    %get3A_2333 = vector.load %arg7[%get3A_2331, %get3A_2332] : memref<976x1xf32, #tpu.memory_space<vmem>>, vector<8x1xf32>
    %mul3A_2334 = vector.broadcast %get3A_2333 : vector<8x1xf32> to vector<8x1024xf32>
    %mul3A_2335 = arith.mulf %mul3A_2334, %broadcast_in_dim3A_33 : vector<8x1024xf32>
    %add3A_2336 = arith.addf %add3A_2330, %mul3A_2335 : vector<8x1024xf32>
    %get3A_2337 = arith.constant 872 : index
    %get3A_2338 = arith.constant 0 : index
    %get3A_2339 = vector.load %arg8[%get3A_2337, %get3A_2338] : memref<976x1xf32, #tpu.memory_space<vmem>>, vector<8x1xf32>
    %mul3A_2340 = vector.broadcast %get3A_2339 : vector<8x1xf32> to vector<8x1024xf32>
    %mul3A_2341 = arith.mulf %mul3A_2340, %broadcast_in_dim3A_36 : vector<8x1024xf32>
    %add3A_2342 = arith.addf %add3A_2336, %mul3A_2341 : vector<8x1024xf32>
    %swap3A_2343 = arith.constant 872 : index
    %swap3A_2344 = arith.constant 0 : index
    %swap3A_2345 = vector.load %arg9[%swap3A_2343, %swap3A_2344] : memref<976x1024xf32, #tpu.memory_space<vmem>>, vector<8x1024xf32>
    tpu.vector_store %arg9[%swap3A_2343, %swap3A_2344], %add3A_2342 {strides = array<i32>} : memref<976x1024xf32, #tpu.memory_space<vmem>>, vector<8x1024xf32>,
    %get3A_2346 = arith.constant 880 : index
    %get3A_2347 = arith.constant 0 : index
    %get3A_2348 = vector.load %arg6[%get3A_2346, %get3A_2347] : memref<976x1xf32, #tpu.memory_space<vmem>>, vector<8x1xf32>
    %mul3A_2349 = vector.broadcast %get3A_2348 : vector<8x1xf32> to vector<8x1024xf32>
    %mul3A_2350 = arith.mulf %mul3A_2349, %broadcast_in_dim3A_30 : vector<8x1024xf32>
    %add3A_2351 = arith.addf %broadcast_in_dim3A_27, %mul3A_2350 : vector<8x1024xf32>
    %get3A_2352 = arith.constant 880 : index
    %get3A_2353 = arith.constant 0 : index
    %get3A_2354 = vector.load %arg7[%get3A_2352, %get3A_2353] : memref<976x1xf32, #tpu.memory_space<vmem>>, vector<8x1xf32>
    %mul3A_2355 = vector.broadcast %get3A_2354 : vector<8x1xf32> to vector<8x1024xf32>
    %mul3A_2356 = arith.mulf %mul3A_2355, %broadcast_in_dim3A_33 : vector<8x1024xf32>
    %add3A_2357 = arith.addf %add3A_2351, %mul3A_2356 : vector<8x1024xf32>
    %get3A_2358 = arith.constant 880 : index
    %get3A_2359 = arith.constant 0 : index
    %get3A_2360 = vector.load %arg8[%get3A_2358, %get3A_2359] : memref<976x1xf32, #tpu.memory_space<vmem>>, vector<8x1xf32>
    %mul3A_2361 = vector.broadcast %get3A_2360 : vector<8x1xf32> to vector<8x1024xf32>
    %mul3A_2362 = arith.mulf %mul3A_2361, %broadcast_in_dim3A_36 : vector<8x1024xf32>
    %add3A_2363 = arith.addf %add3A_2357, %mul3A_2362 : vector<8x1024xf32>
    %swap3A_2364 = arith.constant 880 : index
    %swap3A_2365 = arith.constant 0 : index
    %swap3A_2366 = vector.load %arg9[%swap3A_2364, %swap3A_2365] : memref<976x1024xf32, #tpu.memory_space<vmem>>, vector<8x1024xf32>
    tpu.vector_store %arg9[%swap3A_2364, %swap3A_2365], %add3A_2363 {strides = array<i32>} : memref<976x1024xf32, #tpu.memory_space<vmem>>, vector<8x1024xf32>,
    %get3A_2367 = arith.constant 888 : index
    %get3A_2368 = arith.constant 0 : index
    %get3A_2369 = vector.load %arg6[%get3A_2367, %get3A_2368] : memref<976x1xf32, #tpu.memory_space<vmem>>, vector<8x1xf32>
    %mul3A_2370 = vector.broadcast %get3A_2369 : vector<8x1xf32> to vector<8x1024xf32>
    %mul3A_2371 = arith.mulf %mul3A_2370, %broadcast_in_dim3A_30 : vector<8x1024xf32>
    %add3A_2372 = arith.addf %broadcast_in_dim3A_27, %mul3A_2371 : vector<8x1024xf32>
    %get3A_2373 = arith.constant 888 : index
    %get3A_2374 = arith.constant 0 : index
    %get3A_2375 = vector.load %arg7[%get3A_2373, %get3A_2374] : memref<976x1xf32, #tpu.memory_space<vmem>>, vector<8x1xf32>
    %mul3A_2376 = vector.broadcast %get3A_2375 : vector<8x1xf32> to vector<8x1024xf32>
    %mul3A_2377 = arith.mulf %mul3A_2376, %broadcast_in_dim3A_33 : vector<8x1024xf32>
    %add3A_2378 = arith.addf %add3A_2372, %mul3A_2377 : vector<8x1024xf32>
    %get3A_2379 = arith.constant 888 : index
    %get3A_2380 = arith.constant 0 : index
    %get3A_2381 = vector.load %arg8[%get3A_2379, %get3A_2380] : memref<976x1xf32, #tpu.memory_space<vmem>>, vector<8x1xf32>
    %mul3A_2382 = vector.broadcast %get3A_2381 : vector<8x1xf32> to vector<8x1024xf32>
    %mul3A_2383 = arith.mulf %mul3A_2382, %broadcast_in_dim3A_36 : vector<8x1024xf32>
    %add3A_2384 = arith.addf %add3A_2378, %mul3A_2383 : vector<8x1024xf32>
    %swap3A_2385 = arith.constant 888 : index
    %swap3A_2386 = arith.constant 0 : index
    %swap3A_2387 = vector.load %arg9[%swap3A_2385, %swap3A_2386] : memref<976x1024xf32, #tpu.memory_space<vmem>>, vector<8x1024xf32>
    tpu.vector_store %arg9[%swap3A_2385, %swap3A_2386], %add3A_2384 {strides = array<i32>} : memref<976x1024xf32, #tpu.memory_space<vmem>>, vector<8x1024xf32>,
    %get3A_2388 = arith.constant 896 : index
    %get3A_2389 = arith.constant 0 : index
    %get3A_2390 = vector.load %arg6[%get3A_2388, %get3A_2389] : memref<976x1xf32, #tpu.memory_space<vmem>>, vector<8x1xf32>
    %mul3A_2391 = vector.broadcast %get3A_2390 : vector<8x1xf32> to vector<8x1024xf32>
    %mul3A_2392 = arith.mulf %mul3A_2391, %broadcast_in_dim3A_30 : vector<8x1024xf32>
    %add3A_2393 = arith.addf %broadcast_in_dim3A_27, %mul3A_2392 : vector<8x1024xf32>
    %get3A_2394 = arith.constant 896 : index
    %get3A_2395 = arith.constant 0 : index
    %get3A_2396 = vector.load %arg7[%get3A_2394, %get3A_2395] : memref<976x1xf32, #tpu.memory_space<vmem>>, vector<8x1xf32>
    %mul3A_2397 = vector.broadcast %get3A_2396 : vector<8x1xf32> to vector<8x1024xf32>
    %mul3A_2398 = arith.mulf %mul3A_2397, %broadcast_in_dim3A_33 : vector<8x1024xf32>
    %add3A_2399 = arith.addf %add3A_2393, %mul3A_2398 : vector<8x1024xf32>
    %get3A_2400 = arith.constant 896 : index
    %get3A_2401 = arith.constant 0 : index
    %get3A_2402 = vector.load %arg8[%get3A_2400, %get3A_2401] : memref<976x1xf32, #tpu.memory_space<vmem>>, vector<8x1xf32>
    %mul3A_2403 = vector.broadcast %get3A_2402 : vector<8x1xf32> to vector<8x1024xf32>
    %mul3A_2404 = arith.mulf %mul3A_2403, %broadcast_in_dim3A_36 : vector<8x1024xf32>
    %add3A_2405 = arith.addf %add3A_2399, %mul3A_2404 : vector<8x1024xf32>
    %swap3A_2406 = arith.constant 896 : index
    %swap3A_2407 = arith.constant 0 : index
    %swap3A_2408 = vector.load %arg9[%swap3A_2406, %swap3A_2407] : memref<976x1024xf32, #tpu.memory_space<vmem>>, vector<8x1024xf32>
    tpu.vector_store %arg9[%swap3A_2406, %swap3A_2407], %add3A_2405 {strides = array<i32>} : memref<976x1024xf32, #tpu.memory_space<vmem>>, vector<8x1024xf32>,
    %get3A_2409 = arith.constant 904 : index
    %get3A_2410 = arith.constant 0 : index
    %get3A_2411 = vector.load %arg6[%get3A_2409, %get3A_2410] : memref<976x1xf32, #tpu.memory_space<vmem>>, vector<8x1xf32>
    %mul3A_2412 = vector.broadcast %get3A_2411 : vector<8x1xf32> to vector<8x1024xf32>
    %mul3A_2413 = arith.mulf %mul3A_2412, %broadcast_in_dim3A_30 : vector<8x1024xf32>
    %add3A_2414 = arith.addf %broadcast_in_dim3A_27, %mul3A_2413 : vector<8x1024xf32>
    %get3A_2415 = arith.constant 904 : index
    %get3A_2416 = arith.constant 0 : index
    %get3A_2417 = vector.load %arg7[%get3A_2415, %get3A_2416] : memref<976x1xf32, #tpu.memory_space<vmem>>, vector<8x1xf32>
    %mul3A_2418 = vector.broadcast %get3A_2417 : vector<8x1xf32> to vector<8x1024xf32>
    %mul3A_2419 = arith.mulf %mul3A_2418, %broadcast_in_dim3A_33 : vector<8x1024xf32>
    %add3A_2420 = arith.addf %add3A_2414, %mul3A_2419 : vector<8x1024xf32>
    %get3A_2421 = arith.constant 904 : index
    %get3A_2422 = arith.constant 0 : index
    %get3A_2423 = vector.load %arg8[%get3A_2421, %get3A_2422] : memref<976x1xf32, #tpu.memory_space<vmem>>, vector<8x1xf32>
    %mul3A_2424 = vector.broadcast %get3A_2423 : vector<8x1xf32> to vector<8x1024xf32>
    %mul3A_2425 = arith.mulf %mul3A_2424, %broadcast_in_dim3A_36 : vector<8x1024xf32>
    %add3A_2426 = arith.addf %add3A_2420, %mul3A_2425 : vector<8x1024xf32>
    %swap3A_2427 = arith.constant 904 : index
    %swap3A_2428 = arith.constant 0 : index
    %swap3A_2429 = vector.load %arg9[%swap3A_2427, %swap3A_2428] : memref<976x1024xf32, #tpu.memory_space<vmem>>, vector<8x1024xf32>
    tpu.vector_store %arg9[%swap3A_2427, %swap3A_2428], %add3A_2426 {strides = array<i32>} : memref<976x1024xf32, #tpu.memory_space<vmem>>, vector<8x1024xf32>,
    %get3A_2430 = arith.constant 912 : index
    %get3A_2431 = arith.constant 0 : index
    %get3A_2432 = vector.load %arg6[%get3A_2430, %get3A_2431] : memref<976x1xf32, #tpu.memory_space<vmem>>, vector<8x1xf32>
    %mul3A_2433 = vector.broadcast %get3A_2432 : vector<8x1xf32> to vector<8x1024xf32>
    %mul3A_2434 = arith.mulf %mul3A_2433, %broadcast_in_dim3A_30 : vector<8x1024xf32>
    %add3A_2435 = arith.addf %broadcast_in_dim3A_27, %mul3A_2434 : vector<8x1024xf32>
    %get3A_2436 = arith.constant 912 : index
    %get3A_2437 = arith.constant 0 : index
    %get3A_2438 = vector.load %arg7[%get3A_2436, %get3A_2437] : memref<976x1xf32, #tpu.memory_space<vmem>>, vector<8x1xf32>
    %mul3A_2439 = vector.broadcast %get3A_2438 : vector<8x1xf32> to vector<8x1024xf32>
    %mul3A_2440 = arith.mulf %mul3A_2439, %broadcast_in_dim3A_33 : vector<8x1024xf32>
    %add3A_2441 = arith.addf %add3A_2435, %mul3A_2440 : vector<8x1024xf32>
    %get3A_2442 = arith.constant 912 : index
    %get3A_2443 = arith.constant 0 : index
    %get3A_2444 = vector.load %arg8[%get3A_2442, %get3A_2443] : memref<976x1xf32, #tpu.memory_space<vmem>>, vector<8x1xf32>
    %mul3A_2445 = vector.broadcast %get3A_2444 : vector<8x1xf32> to vector<8x1024xf32>
    %mul3A_2446 = arith.mulf %mul3A_2445, %broadcast_in_dim3A_36 : vector<8x1024xf32>
    %add3A_2447 = arith.addf %add3A_2441, %mul3A_2446 : vector<8x1024xf32>
    %swap3A_2448 = arith.constant 912 : index
    %swap3A_2449 = arith.constant 0 : index
    %swap3A_2450 = vector.load %arg9[%swap3A_2448, %swap3A_2449] : memref<976x1024xf32, #tpu.memory_space<vmem>>, vector<8x1024xf32>
    tpu.vector_store %arg9[%swap3A_2448, %swap3A_2449], %add3A_2447 {strides = array<i32>} : memref<976x1024xf32, #tpu.memory_space<vmem>>, vector<8x1024xf32>,
    %get3A_2451 = arith.constant 920 : index
    %get3A_2452 = arith.constant 0 : index
    %get3A_2453 = vector.load %arg6[%get3A_2451, %get3A_2452] : memref<976x1xf32, #tpu.memory_space<vmem>>, vector<8x1xf32>
    %mul3A_2454 = vector.broadcast %get3A_2453 : vector<8x1xf32> to vector<8x1024xf32>
    %mul3A_2455 = arith.mulf %mul3A_2454, %broadcast_in_dim3A_30 : vector<8x1024xf32>
    %add3A_2456 = arith.addf %broadcast_in_dim3A_27, %mul3A_2455 : vector<8x1024xf32>
    %get3A_2457 = arith.constant 920 : index
    %get3A_2458 = arith.constant 0 : index
    %get3A_2459 = vector.load %arg7[%get3A_2457, %get3A_2458] : memref<976x1xf32, #tpu.memory_space<vmem>>, vector<8x1xf32>
    %mul3A_2460 = vector.broadcast %get3A_2459 : vector<8x1xf32> to vector<8x1024xf32>
    %mul3A_2461 = arith.mulf %mul3A_2460, %broadcast_in_dim3A_33 : vector<8x1024xf32>
    %add3A_2462 = arith.addf %add3A_2456, %mul3A_2461 : vector<8x1024xf32>
    %get3A_2463 = arith.constant 920 : index
    %get3A_2464 = arith.constant 0 : index
    %get3A_2465 = vector.load %arg8[%get3A_2463, %get3A_2464] : memref<976x1xf32, #tpu.memory_space<vmem>>, vector<8x1xf32>
    %mul3A_2466 = vector.broadcast %get3A_2465 : vector<8x1xf32> to vector<8x1024xf32>
    %mul3A_2467 = arith.mulf %mul3A_2466, %broadcast_in_dim3A_36 : vector<8x1024xf32>
    %add3A_2468 = arith.addf %add3A_2462, %mul3A_2467 : vector<8x1024xf32>
    %swap3A_2469 = arith.constant 920 : index
    %swap3A_2470 = arith.constant 0 : index
    %swap3A_2471 = vector.load %arg9[%swap3A_2469, %swap3A_2470] : memref<976x1024xf32, #tpu.memory_space<vmem>>, vector<8x1024xf32>
    tpu.vector_store %arg9[%swap3A_2469, %swap3A_2470], %add3A_2468 {strides = array<i32>} : memref<976x1024xf32, #tpu.memory_space<vmem>>, vector<8x1024xf32>,
    %get3A_2472 = arith.constant 928 : index
    %get3A_2473 = arith.constant 0 : index
    %get3A_2474 = vector.load %arg6[%get3A_2472, %get3A_2473] : memref<976x1xf32, #tpu.memory_space<vmem>>, vector<8x1xf32>
    %mul3A_2475 = vector.broadcast %get3A_2474 : vector<8x1xf32> to vector<8x1024xf32>
    %mul3A_2476 = arith.mulf %mul3A_2475, %broadcast_in_dim3A_30 : vector<8x1024xf32>
    %add3A_2477 = arith.addf %broadcast_in_dim3A_27, %mul3A_2476 : vector<8x1024xf32>
    %get3A_2478 = arith.constant 928 : index
    %get3A_2479 = arith.constant 0 : index
    %get3A_2480 = vector.load %arg7[%get3A_2478, %get3A_2479] : memref<976x1xf32, #tpu.memory_space<vmem>>, vector<8x1xf32>
    %mul3A_2481 = vector.broadcast %get3A_2480 : vector<8x1xf32> to vector<8x1024xf32>
    %mul3A_2482 = arith.mulf %mul3A_2481, %broadcast_in_dim3A_33 : vector<8x1024xf32>
    %add3A_2483 = arith.addf %add3A_2477, %mul3A_2482 : vector<8x1024xf32>
    %get3A_2484 = arith.constant 928 : index
    %get3A_2485 = arith.constant 0 : index
    %get3A_2486 = vector.load %arg8[%get3A_2484, %get3A_2485] : memref<976x1xf32, #tpu.memory_space<vmem>>, vector<8x1xf32>
    %mul3A_2487 = vector.broadcast %get3A_2486 : vector<8x1xf32> to vector<8x1024xf32>
    %mul3A_2488 = arith.mulf %mul3A_2487, %broadcast_in_dim3A_36 : vector<8x1024xf32>
    %add3A_2489 = arith.addf %add3A_2483, %mul3A_2488 : vector<8x1024xf32>
    %swap3A_2490 = arith.constant 928 : index
    %swap3A_2491 = arith.constant 0 : index
    %swap3A_2492 = vector.load %arg9[%swap3A_2490, %swap3A_2491] : memref<976x1024xf32, #tpu.memory_space<vmem>>, vector<8x1024xf32>
    tpu.vector_store %arg9[%swap3A_2490, %swap3A_2491], %add3A_2489 {strides = array<i32>} : memref<976x1024xf32, #tpu.memory_space<vmem>>, vector<8x1024xf32>,
    %get3A_2493 = arith.constant 936 : index
    %get3A_2494 = arith.constant 0 : index
    %get3A_2495 = vector.load %arg6[%get3A_2493, %get3A_2494] : memref<976x1xf32, #tpu.memory_space<vmem>>, vector<8x1xf32>
    %mul3A_2496 = vector.broadcast %get3A_2495 : vector<8x1xf32> to vector<8x1024xf32>
    %mul3A_2497 = arith.mulf %mul3A_2496, %broadcast_in_dim3A_30 : vector<8x1024xf32>
    %add3A_2498 = arith.addf %broadcast_in_dim3A_27, %mul3A_2497 : vector<8x1024xf32>
    %get3A_2499 = arith.constant 936 : index
    %get3A_2500 = arith.constant 0 : index
    %get3A_2501 = vector.load %arg7[%get3A_2499, %get3A_2500] : memref<976x1xf32, #tpu.memory_space<vmem>>, vector<8x1xf32>
    %mul3A_2502 = vector.broadcast %get3A_2501 : vector<8x1xf32> to vector<8x1024xf32>
    %mul3A_2503 = arith.mulf %mul3A_2502, %broadcast_in_dim3A_33 : vector<8x1024xf32>
    %add3A_2504 = arith.addf %add3A_2498, %mul3A_2503 : vector<8x1024xf32>
    %get3A_2505 = arith.constant 936 : index
    %get3A_2506 = arith.constant 0 : index
    %get3A_2507 = vector.load %arg8[%get3A_2505, %get3A_2506] : memref<976x1xf32, #tpu.memory_space<vmem>>, vector<8x1xf32>
    %mul3A_2508 = vector.broadcast %get3A_2507 : vector<8x1xf32> to vector<8x1024xf32>
    %mul3A_2509 = arith.mulf %mul3A_2508, %broadcast_in_dim3A_36 : vector<8x1024xf32>
    %add3A_2510 = arith.addf %add3A_2504, %mul3A_2509 : vector<8x1024xf32>
    %swap3A_2511 = arith.constant 936 : index
    %swap3A_2512 = arith.constant 0 : index
    %swap3A_2513 = vector.load %arg9[%swap3A_2511, %swap3A_2512] : memref<976x1024xf32, #tpu.memory_space<vmem>>, vector<8x1024xf32>
    tpu.vector_store %arg9[%swap3A_2511, %swap3A_2512], %add3A_2510 {strides = array<i32>} : memref<976x1024xf32, #tpu.memory_space<vmem>>, vector<8x1024xf32>,
    %get3A_2514 = arith.constant 944 : index
    %get3A_2515 = arith.constant 0 : index
    %get3A_2516 = vector.load %arg6[%get3A_2514, %get3A_2515] : memref<976x1xf32, #tpu.memory_space<vmem>>, vector<8x1xf32>
    %mul3A_2517 = vector.broadcast %get3A_2516 : vector<8x1xf32> to vector<8x1024xf32>
    %mul3A_2518 = arith.mulf %mul3A_2517, %broadcast_in_dim3A_30 : vector<8x1024xf32>
    %add3A_2519 = arith.addf %broadcast_in_dim3A_27, %mul3A_2518 : vector<8x1024xf32>
    %get3A_2520 = arith.constant 944 : index
    %get3A_2521 = arith.constant 0 : index
    %get3A_2522 = vector.load %arg7[%get3A_2520, %get3A_2521] : memref<976x1xf32, #tpu.memory_space<vmem>>, vector<8x1xf32>
    %mul3A_2523 = vector.broadcast %get3A_2522 : vector<8x1xf32> to vector<8x1024xf32>
    %mul3A_2524 = arith.mulf %mul3A_2523, %broadcast_in_dim3A_33 : vector<8x1024xf32>
    %add3A_2525 = arith.addf %add3A_2519, %mul3A_2524 : vector<8x1024xf32>
    %get3A_2526 = arith.constant 944 : index
    %get3A_2527 = arith.constant 0 : index
    %get3A_2528 = vector.load %arg8[%get3A_2526, %get3A_2527] : memref<976x1xf32, #tpu.memory_space<vmem>>, vector<8x1xf32>
    %mul3A_2529 = vector.broadcast %get3A_2528 : vector<8x1xf32> to vector<8x1024xf32>
    %mul3A_2530 = arith.mulf %mul3A_2529, %broadcast_in_dim3A_36 : vector<8x1024xf32>
    %add3A_2531 = arith.addf %add3A_2525, %mul3A_2530 : vector<8x1024xf32>
    %swap3A_2532 = arith.constant 944 : index
    %swap3A_2533 = arith.constant 0 : index
    %swap3A_2534 = vector.load %arg9[%swap3A_2532, %swap3A_2533] : memref<976x1024xf32, #tpu.memory_space<vmem>>, vector<8x1024xf32>
    tpu.vector_store %arg9[%swap3A_2532, %swap3A_2533], %add3A_2531 {strides = array<i32>} : memref<976x1024xf32, #tpu.memory_space<vmem>>, vector<8x1024xf32>,
    %get3A_2535 = arith.constant 952 : index
    %get3A_2536 = arith.constant 0 : index
    %get3A_2537 = vector.load %arg6[%get3A_2535, %get3A_2536] : memref<976x1xf32, #tpu.memory_space<vmem>>, vector<8x1xf32>
    %mul3A_2538 = vector.broadcast %get3A_2537 : vector<8x1xf32> to vector<8x1024xf32>
    %mul3A_2539 = arith.mulf %mul3A_2538, %broadcast_in_dim3A_30 : vector<8x1024xf32>
    %add3A_2540 = arith.addf %broadcast_in_dim3A_27, %mul3A_2539 : vector<8x1024xf32>
    %get3A_2541 = arith.constant 952 : index
    %get3A_2542 = arith.constant 0 : index
    %get3A_2543 = vector.load %arg7[%get3A_2541, %get3A_2542] : memref<976x1xf32, #tpu.memory_space<vmem>>, vector<8x1xf32>
    %mul3A_2544 = vector.broadcast %get3A_2543 : vector<8x1xf32> to vector<8x1024xf32>
    %mul3A_2545 = arith.mulf %mul3A_2544, %broadcast_in_dim3A_33 : vector<8x1024xf32>
    %add3A_2546 = arith.addf %add3A_2540, %mul3A_2545 : vector<8x1024xf32>
    %get3A_2547 = arith.constant 952 : index
    %get3A_2548 = arith.constant 0 : index
    %get3A_2549 = vector.load %arg8[%get3A_2547, %get3A_2548] : memref<976x1xf32, #tpu.memory_space<vmem>>, vector<8x1xf32>
    %mul3A_2550 = vector.broadcast %get3A_2549 : vector<8x1xf32> to vector<8x1024xf32>
    %mul3A_2551 = arith.mulf %mul3A_2550, %broadcast_in_dim3A_36 : vector<8x1024xf32>
    %add3A_2552 = arith.addf %add3A_2546, %mul3A_2551 : vector<8x1024xf32>
    %swap3A_2553 = arith.constant 952 : index
    %swap3A_2554 = arith.constant 0 : index
    %swap3A_2555 = vector.load %arg9[%swap3A_2553, %swap3A_2554] : memref<976x1024xf32, #tpu.memory_space<vmem>>, vector<8x1024xf32>
    tpu.vector_store %arg9[%swap3A_2553, %swap3A_2554], %add3A_2552 {strides = array<i32>} : memref<976x1024xf32, #tpu.memory_space<vmem>>, vector<8x1024xf32>,
    %get3A_2556 = arith.constant 960 : index
    %get3A_2557 = arith.constant 0 : index
    %get3A_2558 = vector.load %arg6[%get3A_2556, %get3A_2557] : memref<976x1xf32, #tpu.memory_space<vmem>>, vector<8x1xf32>
    %mul3A_2559 = vector.broadcast %get3A_2558 : vector<8x1xf32> to vector<8x1024xf32>
    %mul3A_2560 = arith.mulf %mul3A_2559, %broadcast_in_dim3A_30 : vector<8x1024xf32>
    %add3A_2561 = arith.addf %broadcast_in_dim3A_27, %mul3A_2560 : vector<8x1024xf32>
    %get3A_2562 = arith.constant 960 : index
    %get3A_2563 = arith.constant 0 : index
    %get3A_2564 = vector.load %arg7[%get3A_2562, %get3A_2563] : memref<976x1xf32, #tpu.memory_space<vmem>>, vector<8x1xf32>
    %mul3A_2565 = vector.broadcast %get3A_2564 : vector<8x1xf32> to vector<8x1024xf32>
    %mul3A_2566 = arith.mulf %mul3A_2565, %broadcast_in_dim3A_33 : vector<8x1024xf32>
    %add3A_2567 = arith.addf %add3A_2561, %mul3A_2566 : vector<8x1024xf32>
    %get3A_2568 = arith.constant 960 : index
    %get3A_2569 = arith.constant 0 : index
    %get3A_2570 = vector.load %arg8[%get3A_2568, %get3A_2569] : memref<976x1xf32, #tpu.memory_space<vmem>>, vector<8x1xf32>
    %mul3A_2571 = vector.broadcast %get3A_2570 : vector<8x1xf32> to vector<8x1024xf32>
    %mul3A_2572 = arith.mulf %mul3A_2571, %broadcast_in_dim3A_36 : vector<8x1024xf32>
    %add3A_2573 = arith.addf %add3A_2567, %mul3A_2572 : vector<8x1024xf32>
    %swap3A_2574 = arith.constant 960 : index
    %swap3A_2575 = arith.constant 0 : index
    %swap3A_2576 = vector.load %arg9[%swap3A_2574, %swap3A_2575] : memref<976x1024xf32, #tpu.memory_space<vmem>>, vector<8x1024xf32>
    tpu.vector_store %arg9[%swap3A_2574, %swap3A_2575], %add3A_2573 {strides = array<i32>} : memref<976x1024xf32, #tpu.memory_space<vmem>>, vector<8x1024xf32>,
    %get3A_2577 = arith.constant 968 : index
    %get3A_2578 = arith.constant 0 : index
    %get3A_2579 = vector.load %arg6[%get3A_2577, %get3A_2578] : memref<976x1xf32, #tpu.memory_space<vmem>>, vector<8x1xf32>
    %mul3A_2580 = vector.broadcast %get3A_2579 : vector<8x1xf32> to vector<8x1024xf32>
    %mul3A_2581 = arith.mulf %mul3A_2580, %broadcast_in_dim3A_30 : vector<8x1024xf32>
    %add3A_2582 = arith.addf %broadcast_in_dim3A_27, %mul3A_2581 : vector<8x1024xf32>
    %get3A_2583 = arith.constant 968 : index
    %get3A_2584 = arith.constant 0 : index
    %get3A_2585 = vector.load %arg7[%get3A_2583, %get3A_2584] : memref<976x1xf32, #tpu.memory_space<vmem>>, vector<8x1xf32>
    %mul3A_2586 = vector.broadcast %get3A_2585 : vector<8x1xf32> to vector<8x1024xf32>
    %mul3A_2587 = arith.mulf %mul3A_2586, %broadcast_in_dim3A_33 : vector<8x1024xf32>
    %add3A_2588 = arith.addf %add3A_2582, %mul3A_2587 : vector<8x1024xf32>
    %get3A_2589 = arith.constant 968 : index
    %get3A_2590 = arith.constant 0 : index
    %get3A_2591 = vector.load %arg8[%get3A_2589, %get3A_2590] : memref<976x1xf32, #tpu.memory_space<vmem>>, vector<8x1xf32>
    %mul3A_2592 = vector.broadcast %get3A_2591 : vector<8x1xf32> to vector<8x1024xf32>
    %mul3A_2593 = arith.mulf %mul3A_2592, %broadcast_in_dim3A_36 : vector<8x1024xf32>
    %add3A_2594 = arith.addf %add3A_2588, %mul3A_2593 : vector<8x1024xf32>
    %swap3A_2595 = arith.constant 968 : index
    %swap3A_2596 = arith.constant 0 : index
    %swap3A_2597 = vector.load %arg9[%swap3A_2595, %swap3A_2596] : memref<976x1024xf32, #tpu.memory_space<vmem>>, vector<8x1024xf32>
    tpu.vector_store %arg9[%swap3A_2595, %swap3A_2596], %add3A_2594 {strides = array<i32>} : memref<976x1024xf32, #tpu.memory_space<vmem>>, vector<8x1024xf32>,
    %get3A_2598 = arith.constant 0 : index
    %get3A_2599 = arith.constant 0 : index
    %get3A_2600 = vector.load %arg0[%get3A_2598, %get3A_2599] : memref<8192x16xi32, #tpu.memory_space<vmem>>, vector<8192x16xi32>
    %jit3A = arith.constant 0 : i32
    %jit3A_2601 = arith.constant 3 : i32
    %max3A = vector.broadcast %jit3A : i32 to vector<8192x16xi32>
    %max3A_2602 = arith.maxsi %max3A, %get3A_2600 : vector<8192x16xi32>
    %min3A = vector.broadcast %jit3A_2601 : i32 to vector<8192x16xi32>
    %min3A_2603 = arith.minsi %min3A, %max3A_2602 : vector<8192x16xi32>
    %eq3A = arith.constant 1 : i32
    %eq3A_2604 = vector.broadcast %eq3A : i32 to vector<8192x16xi32>
    %eq3A_2605 = arith.cmpi eq, %min3A_2603, %eq3A_2604 : vector<8192x16xi32>
    %convert_element_type3A = arith.extui %eq3A_2605 : vector<8192x16xi1> to vector<8192x16xi32>
    %convert_element_type3A_2606 = arith.sitofp %convert_element_type3A : vector<8192x16xi32> to vector<8192x16xf32>
    %reduce_sum3A = arith.constant dense<0.000000e+00> : vector<8192xf32>
    %reduce_sum3A_2607 = vector.multi_reduction <add>, %convert_element_type3A_2606, %reduce_sum3A [1] : vector<8192x16xf32> to vector<8192xf32>
    %broadcast_in_dim3A_2608 = vector.shape_cast %reduce_sum3A_2607 : vector<8192xf32> to vector<8192x1xf32>
    %eq3A_2609 = arith.constant 2 : i32
    %eq3A_2610 = vector.broadcast %eq3A_2609 : i32 to vector<8192x16xi32>
    %eq3A_2611 = arith.cmpi eq, %min3A_2603, %eq3A_2610 : vector<8192x16xi32>
    %convert_element_type3A_2612 = arith.extui %eq3A_2611 : vector<8192x16xi1> to vector<8192x16xi32>
    %convert_element_type3A_2613 = arith.sitofp %convert_element_type3A_2612 : vector<8192x16xi32> to vector<8192x16xf32>
    %reduce_sum3A_2614 = arith.constant dense<0.000000e+00> : vector<8192xf32>
    %reduce_sum3A_2615 = vector.multi_reduction <add>, %convert_element_type3A_2613, %reduce_sum3A_2614 [1] : vector<8192x16xf32> to vector<8192xf32>
    %broadcast_in_dim3A_2616 = vector.shape_cast %reduce_sum3A_2615 : vector<8192xf32> to vector<8192x1xf32>
    %eq3A_2617 = arith.constant 3 : i32
    %eq3A_2618 = vector.broadcast %eq3A_2617 : i32 to vector<8192x16xi32>
    %eq3A_2619 = arith.cmpi eq, %min3A_2603, %eq3A_2618 : vector<8192x16xi32>
    %convert_element_type3A_2620 = arith.extui %eq3A_2619 : vector<8192x16xi1> to vector<8192x16xi32>
    %convert_element_type3A_2621 = arith.sitofp %convert_element_type3A_2620 : vector<8192x16xi32> to vector<8192x16xf32>
    %reduce_sum3A_2622 = arith.constant dense<0.000000e+00> : vector<8192xf32>
    %reduce_sum3A_2623 = vector.multi_reduction <add>, %convert_element_type3A_2621, %reduce_sum3A_2622 [1] : vector<8192x16xf32> to vector<8192xf32>
    %broadcast_in_dim3A_2624 = vector.shape_cast %reduce_sum3A_2623 : vector<8192xf32> to vector<8192x1xf32>
    %mul3A_2625 = arith.constant 1.530000e+02 : f32
    %mul3A_2626 = vector.broadcast %mul3A_2625 : f32 to vector<8192x1xf32>
    %mul3A_2627 = arith.mulf %mul3A_2626, %broadcast_in_dim3A_2624 : vector<8192x1xf32>
    %sub3A_2628 = arith.constant 1.000000e+00 : f32
    %sub3A_2629 = vector.broadcast %sub3A_2628 : f32 to vector<8192x1xf32>
    %sub3A_2630 = arith.subf %broadcast_in_dim3A_2624, %sub3A_2629 : vector<8192x1xf32>
    %mul3A_2631 = arith.mulf %broadcast_in_dim3A_2624, %sub3A_2630 : vector<8192x1xf32>
    %mul3A_2632 = arith.constant 8.750000e+00 : f32
    %mul3A_2633 = vector.broadcast %mul3A_2632 : f32 to vector<8192x1xf32>
    %mul3A_2634 = arith.mulf %mul3A_2633, %mul3A_2631 : vector<8192x1xf32>
    %sub3A_2635 = arith.subf %mul3A_2627, %mul3A_2634 : vector<8192x1xf32>
    %sub3A_2636 = arith.constant 1.000000e+00 : f32
    %sub3A_2637 = vector.broadcast %sub3A_2636 : f32 to vector<8192x1xf32>
    %sub3A_2638 = arith.subf %broadcast_in_dim3A_2624, %sub3A_2637 : vector<8192x1xf32>
    %mul3A_2639 = arith.mulf %sub3A_2638, %broadcast_in_dim3A_2624 : vector<8192x1xf32>
    %mul3A_2640 = arith.constant 2.000000e+00 : f32
    %mul3A_2641 = vector.broadcast %mul3A_2640 : f32 to vector<8192x1xf32>
    %mul3A_2642 = arith.mulf %mul3A_2641, %broadcast_in_dim3A_2624 : vector<8192x1xf32>
    %sub3A_2643 = arith.constant 1.000000e+00 : f32
    %sub3A_2644 = vector.broadcast %sub3A_2643 : f32 to vector<8192x1xf32>
    %sub3A_2645 = arith.subf %mul3A_2642, %sub3A_2644 : vector<8192x1xf32>
    %mul3A_2646 = arith.mulf %mul3A_2639, %sub3A_2645 : vector<8192x1xf32>
    %mul3A_2647 = arith.constant 0.0833333358 : f32
    %mul3A_2648 = vector.broadcast %mul3A_2647 : f32 to vector<8192x1xf32>
    %mul3A_2649 = arith.mulf %mul3A_2646, %mul3A_2648 : vector<8192x1xf32>
    %add3A_2650 = arith.addf %sub3A_2635, %mul3A_2649 : vector<8192x1xf32>
    %sub3A_2651 = arith.constant 1.700000e+01 : f32
    %sub3A_2652 = vector.broadcast %sub3A_2651 : f32 to vector<8192x1xf32>
    %sub3A_2653 = arith.subf %sub3A_2652, %broadcast_in_dim3A_2624 : vector<8192x1xf32>
    %mul3A_2654 = arith.mulf %broadcast_in_dim3A_2616, %sub3A_2653 : vector<8192x1xf32>
    %add3A_2655 = arith.addf %add3A_2650, %mul3A_2654 : vector<8192x1xf32>
    %sub3A_2656 = arith.constant 1.000000e+00 : f32
    %sub3A_2657 = vector.broadcast %sub3A_2656 : f32 to vector<8192x1xf32>
    %sub3A_2658 = arith.subf %broadcast_in_dim3A_2616, %sub3A_2657 : vector<8192x1xf32>
    %mul3A_2659 = arith.mulf %broadcast_in_dim3A_2616, %sub3A_2658 : vector<8192x1xf32>
    %mul3A_2660 = arith.constant 5.000000e-01 : f32
    %mul3A_2661 = vector.broadcast %mul3A_2660 : f32 to vector<8192x1xf32>
    %mul3A_2662 = arith.mulf %mul3A_2661, %mul3A_2659 : vector<8192x1xf32>
    %sub3A_2663 = arith.subf %add3A_2655, %mul3A_2662 : vector<8192x1xf32>
    %add3A_2664 = arith.addf %sub3A_2663, %broadcast_in_dim3A_2608 : vector<8192x1xf32>
    %iota3A = tpu.iota {dimensions = array<i32: 1>} : vector<8192x8xi32>
    %round3A = math.roundeven %add3A_2664 : vector<8192x1xf32>
    %convert_element_type3A_2665 = arith.fptosi %round3A : vector<8192x1xf32> to vector<8192x1xi32>
    %mul3A_2666 = arith.constant 8 : i32
    %mul3A_2667 = vector.broadcast %mul3A_2666 : i32 to vector<8192x1xi32>
    %mul3A_2668 = arith.muli %convert_element_type3A_2665, %mul3A_2667 : vector<8192x1xi32>
    %add3A_2669 = vector.broadcast %mul3A_2668 : vector<8192x1xi32> to vector<8192x8xi32>
    %add3A_2670 = arith.addi %add3A_2669, %iota3A : vector<8192x8xi32>
    %swap3A_2671 = arith.constant 0 : index
    %swap3A_2672 = arith.constant 0 : index
    %swap3A_2673 = vector.load %arg10[%swap3A_2671, %swap3A_2672] : memref<8192x8xi32, #tpu.memory_space<vmem>>, vector<8192x8xi32>
    tpu.vector_store %arg10[%swap3A_2671, %swap3A_2672], %add3A_2670 {strides = array<i32>} : memref<8192x8xi32, #tpu.memory_space<vmem>>, vector<8192x8xi32>,
    return
  }
}

</mosaic_0001>

<sc_bundles>
// kernel: kernel.4.cloned.1.call-start
scs
__scs_entry_jumppad:
0x0: {  	(pc) =	sbr.rel $0x88, $3  }
0x1: {  	(tag) =	ssettag $0x0;
	lr =	simm.s32 $0x1  }
0x2: {  	[smem:$0x3F9C] =	sst lr;
	_ =	strace $0xD0000000  }
0x3: {  	_ = 	snop  }
0x4: {  	_ = 	snop  }
0x5: {  	_ = 	snop  }
0x6: {  	_ = 	snop  }
0x7: {  	_ = 	snop  }
__scs_overlays_trampoline_lowered:
0x8: {  	[smem:$0x3FAB] =	sst s0  }
0x9: {  	[smem:$0x3FAC] =	sst s1  }
0xa: {  	[smem:$0x3FAD] =	sst s2  }
0xb: {  	[smem:$0x3FAE] =	sst s3  }
0xc: {  	[smem:$0x3FAF] =	sst s4  }
0xd: {  	[smem:$0x3FB0] =	sst s5  }
0xe: {  	[smem:$0x3FB1] =	sst s6  }
0xf: {  	[smem:$0x3FB2] =	sst s7  }
0x10: {  	[smem:$0x3FB3] =	sst s8  }
0x11: {  	[smem:$0x3FB4] =	sst s9;
	s0 =	simm.s32 @!p0 $0x0  }
0x12: {  	s1 =	sld [smem:$0x3F9A];
	s0 =	simm.s32 @p0 $0x1  }
0x13: {  	[smem:$0x3FB5] =	sst s0;
	s0 =	simm.s32 @!p1 $0x0  }
0x14: {  	s2 =	sld [smem:$0x3F99];
	s0 =	simm.s32 @p1 $0x1  }
0x15: {  	[smem:$0x3FB6] =	sst s0;
	s0 =	simm.s32 @!p2 $0x0  }
0x16: {  	s3 =	sld [smem:$0x3FDB];
	s0 =	simm.s32 @p2 $0x1  }
0x17: {  	s4 =	simm.s32 $0x1BF5;
	[smem:$0x3FB8] =	sst s0  }
0x18: {  	s0 =	sld [smem:$0x3F9B];
	_ =	swait.ge [sflag:s4], $0x0  }
0x19: {  	s7 =	sld [smem:$0x3F9C]  }
0x1a: {  	s8 =	sadd.s32 $0xFFFFE003, lr  }
0x1b: {  	s9 =	sadd.s32 $0xFFFFFEF7, lr;
	s5 =	simm.s32 $0xFFFFFFFF;
	p2 =	slt.u32 s8, $0xFFFFF086  }
0x1c: {  	p1 =	slt.u32 s9, $0xF7A;
	s5 =	simm.s32 @!p2 $0x0  }
0x1d: {  	s5 =	simm.s32 @p1 $0x1;
	p0 =	seq.s32 s7, s2  }
0x1e: {  	s7 =	smul.u32 @!p0 $0xF7A, s2;
	p2 =	seq.s32 @!p0 s5, $0x0  }
0x1f: {  	s9 =	smul.u32 $0xF7A, s1;
	s8 =	simm.s32 @!p0 $0x1BF5;
	p2 =	por !p2, p0  }
0x20: {  	[sflag:s8] =	ssyncset.s32 @!p0 $0xFFFFF086;
	s6 =	sadd.s32 @!p0 s3, s7;
	s7 =	simm.s32 @!p0 $0x108  }
0x21: {  	s3 =	sadd.s32 s3, s9;
	s6 =	sadd.s32 @!p0 $0x88, s6;
	s7 =	simm.s32 @p2 $0x1082  }
0x22: {  	[simem:s7], [sflag:s8] =	dma.local @!p0 [hbm:s6], $0xF7A  }
0x23: {  	s9 =	sor.u32 $0xD0000000, s2;
	s6 =	simm.s32 $0x108;
	_ =	swait.ge @!p0 [sflag:s8], $0x0  }
0x24: {  	s3 =	sadd.s32 $0x88, s3;
	s6 =	simm.s32 @!p1 $0x1082;
	[sflag:s4] =	ssyncset.s32 $0xFFFFF086  }
0x25: {  	[simem:s6], [sflag:s4] =	dma.local [hbm:s3], $0xF7A  }
0x26: {  	[smem:$0x3F9C] =	sst s1;
	(tag) =	ssettag s2;
	_ =	strace s9  }
0x27: {  	s1 =	sld [smem:$0x3FAC]  }
0x28: {  	s2 =	sld [smem:$0x3FAD]  }
0x29: {  	s4 =	sld [smem:$0x3FAF]  }
0x2a: {  	p0 =	seq.s32 s5, $0x0;
	s5 =	sld [smem:$0x3FB0]  }
0x2b: {  	s6 =	sld [smem:$0x3FB1]  }
0x2c: {  	s7 =	sld [smem:$0x3FB2]  }
0x2d: {  	s3 =	simm.s32 $0x108;
	s8 =	sld [smem:$0x3FB3]  }
0x2e: {  	s3 =	simm.s32 @!p0 $0x1082;
	s9 =	sld [smem:$0x3FB4]  }
0x2f: {  	lr =	sadd.s32 s0, s3;
	s0 =	sld [smem:$0x3FAB]  }
0x30: {  	s3 =	sld [smem:$0x3FAE]  }
0x31: {  	[smem:$0x3FB7] =	sst s10  }
0x32: {  	s10 =	sld [smem:$0x3FB5];
	_ =	sdelay $0x3  }
0x33: {  	p0 =	seq.s32 s10, $0x1;
	s10 =	sld [smem:$0x3FB7];
	_ =	sdelay $0x3  }
0x34: {  	[smem:$0x3FB7] =	sst s10  }
0x35: {  	s10 =	sld [smem:$0x3FB6];
	_ =	sdelay $0x3  }
0x36: {  	p1 =	seq.s32 s10, $0x1;
	s10 =	sld [smem:$0x3FB7];
	_ =	sdelay $0x3  }
0x37: {  	[smem:$0x3FB7] =	sst s10  }
0x38: {  	s10 =	sld [smem:$0x3FB8]  }
0x39: {  	_ = 	snop;
	(pc) =	sbr.ind lr, $3  }
0x3a: {  	_ = 	snop  }
0x3b: {  	_ = 	snop  }
0x3c: {  	p2 =	seq.s32 s10, $0x1;
	s10 =	sld [smem:$0x3FB7]  }
0x3d: {  	_ =	shalt  }
0x3e: {  	_ =	shalt  }
0x3f: {  	_ =	shalt  }
0x40: {  	_ =	shalt  }
0x41: {  	_ =	shalt  }
0x42: {  	_ =	shalt  }
0x43: {  	_ =	shalt  }
0x44: {  	_ =	shalt  }
0x45: {  	_ =	shalt  }
0x46: {  	_ =	shalt  }
0x47: {  	_ =	shalt  }
0x48: {  	_ =	shalt  }
0x49: {  	_ =	shalt  }
0x4a: {  	_ =	shalt  }
0x4b: {  	_ =	shalt  }
0x4c: {  	_ =	shalt  }
0x4d: {  	_ =	shalt  }
0x4e: {  	_ =	shalt  }
0x4f: {  	_ =	shalt  }
0x50: {  	_ =	shalt  }
0x51: {  	_ =	shalt  }
0x52: {  	_ =	shalt  }
0x53: {  	_ =	shalt  }
0x54: {  	_ =	shalt  }
0x55: {  	_ =	shalt  }
0x56: {  	_ =	shalt  }
0x57: {  	_ =	shalt  }
0x58: {  	_ =	shalt  }
0x59: {  	_ =	shalt  }
0x5a: {  	_ =	shalt  }
0x5b: {  	_ =	shalt  }
0x5c: {  	_ =	shalt  }
0x5d: {  	_ =	shalt  }
0x5e: {  	_ =	shalt  }
0x5f: {  	_ =	shalt  }
0x60: {  	_ =	shalt  }
0x61: {  	_ =	shalt  }
0x62: {  	_ =	shalt  }
0x63: {  	_ =	shalt  }
0x64: {  	_ =	shalt  }
0x65: {  	_ =	shalt  }
0x66: {  	_ =	shalt  }
0x67: {  	_ =	shalt  }
0x68: {  	_ =	shalt  }
0x69: {  	_ =	shalt  }
0x6a: {  	_ =	shalt  }
0x6b: {  	_ =	shalt  }
0x6c: {  	_ =	shalt  }
0x6d: {  	_ =	shalt  }
0x6e: {  	_ =	shalt  }
0x6f: {  	_ =	shalt  }
0x70: {  	_ =	shalt  }
0x71: {  	_ =	shalt  }
0x72: {  	_ =	shalt  }
0x73: {  	_ =	shalt  }
0x74: {  	_ =	shalt  }
0x75: {  	_ =	shalt  }
0x76: {  	_ =	shalt  }
0x77: {  	_ =	shalt  }
0x78: {  	_ =	shalt  }
0x79: {  	_ =	shalt  }
0x7a: {  	_ =	shalt  }
0x7b: {  	_ =	shalt  }
0x7c: {  	_ =	shalt  }
0x7d: {  	_ =	shalt  }
0x7e: {  	_ =	shalt  }
0x7f: {  	_ =	shalt  }
0x80: {  	_ =	shalt  }
0x81: {  	_ =	shalt  }
0x82: {  	_ =	shalt  }
0x83: {  	_ =	shalt  }
0x84: {  	_ =	shalt  }
0x85: {  	_ =	shalt  }
0x86: {  	_ =	shalt  }
0x87: {  	_ =	shalt  }
.Lfunc_end0:
.L_simem_size_0:
called_computation_lowered:
.L_overlay_start_0:
0x88: {  	s2 =	sld [smem:$0x3FD9]  }
0x89: {  	s3 =	sld [smem:$0x3FFE];
	_ =	sdelay $0x1  }
0x8a: {  	s1 =	srdreg.scid  }
0x8b: {  	s0 =	sand.u32 $0x1, s1  }
0x8c: {  	s17 =	sshll.u32 s0, $0xA;
	s2 =	sadd.s32 s3, s2  }
0x8d: {  	s2 =	sadd.s32 s2, s17  }
0x8e: {  	[smem:$0x3FC3] =	sst s2  }
0x8f: {  	_ = 	snop  }
0x90: {  	s2 =	sld [smem:$0x3FD0];
	(tm) =	ssettm $0x1  }
0x91: {  	s18 =	sld [smem:$0x3FFB];
	_ =	sdelay $0x3  }
0x92: {  	_ =	strace s18  }
0x93: {  	s3 =	sld [smem:$0x3FFC];
	_ =	sdelay $0x3  }
0x94: {  	_ =	strace s3  }
0x95: {  	s3 =	sld [smem:$0x3FFD];
	_ =	sdelay $0x3  }
0x96: {  	_ =	strace s3  }
0x97: {  	_ =	strace $0x8FFFFFFF  }
0x98: {  	s19 =	sld [smem:$0x3FDB];
	_ =	sdelay $0x1  }
0x99: {  	s4 =	simm.s32 $_scs_section_size  }
0x9a: {  	s5 =	simm.s32 $_size__tile_overlayer_lowered;
	s6 =	simm.s32 $_tile_overlayer_lowered  }
0x9b: {  	s22 =	simm.s32 $0x1BFF;
	s21 =	sshll.u32 s6, $0x1;
	s3 =	sadd.s32 s4, s19  }
0x9c: {  	s7 =	simm.s32 $0x0;
	s20 =	sshll.u32 s5, $0x1;
	s5 =	sadd.s32 s21, s3  }
0x9d: {  	[timem:s7], [sflag:s22] =	dma.local [hbm:s5], s20  }
0x9e: {  	_ =	swait.ge [sflag:s22], s20  }
0x9f: {  	s4 =	ssub.s32 $0x0, s20;
	[sflag:s22] =	ssyncset.done $0x0  }
0xa0: {  	[sflag:s22] =	ssyncadd.s32 s4;
	_ =	sdelay $0x1  }
0xa1: {  	s23 =	simm.s32 $0x1B8B  }
0xa2: {  	_ =	swait.ge [sflag:s23], $0x1  }
0xa3: {  	[sflag:s23] =	ssyncset.done $0x0  }
0xa4: {  	s25 =	simm.s32 $0x1B8E;
	s24 =	sld [smem:$0x3FFE];
	[sflag:s23] =	ssyncadd.s32 $0xFFFFFFFF  }
0xa5: {  	s26 =	simm.s32 $execute0_lowered;
	[smem:$0x3FD2] =	sst s25  }
0xa6: {  	s5 =	sshll.u32 s26, $0x1;
	_ =	strace $0x80000046;
	[dreg:$0x1] =	wrdreg $0xFFFFFFFF  }
0xa7: {  	s28 =	simm.s32 $_size_execute0_lowered;
	s3 =	sadd.s32 s3, s5;
	[dreg:$0x0] =	wrdreg $0x0  }
0xa8: {  	s5 =	sshll.u32 s28, $0x1;
	[dreg:$0x2] =	wrdreg s3  }
0xa9: {  	[dreg:$0x3] =	wrdreg s5  }
0xaa: {  	[dreg:$0x4] =	wrdreg $0xC0  }
0xab: {  	_ =	task [dreg:s7], $0x5FFFF  }
0xac: {  	[dreg:$0x1] =	wrdreg $0xFFFFFFFF  }
0xad: {  	[dreg:$0x0] =	wrdreg $0x60  }
0xae: {  	[dreg:$0x2] =	wrdreg s2  }
0xaf: {  	[dreg:$0x3] =	wrdreg s24  }
0xb0: {  	[dreg:$0x4] =	wrdreg $0x9  }
0xb1: {  	_ =	task.clear_ibuf [dreg:s7], $0x5FFFF;
	_ =	strace $0x90000046  }
0xb2: {  	s29 =	simm.s32 $0x9;
	_ =	strace $0x8000004F  }
0xb3: {  	_ =	swait.ge [sflag:s29], $0x1  }
0xb4: {  	[sflag:s29] =	ssyncadd.s32 $0xFFFFFFFF  }
0xb5: {  	_ =	strace $0x9000004F  }
0xb6: {  	_ =	sfence  }
0xb7: {  	s30 =	sld [smem:$0x0];
	_ =	sdelay $0x2  }
0xb8: {  	s31 =	sshll.u32 s1, $0xD;
	s1 =	sshrl.u32 s1, $0x2  }
0xb9: {  	s3 =	sand.u32 $0x4000, s31;
	s1 =	sadd.s32 s1, s30  }
0xba: {  	s0 =	sor.u32 s3, s0;
	s1 =	sshll.u32 s1, $0x11  }
0xbb: {  	s0 =	sor.u32 s1, s0  }
0xbc: {  	s0 =	sadd.s32 $0x8F2B, s0  }
0xbd: {  	[sflag:s0] =	ssyncadd.remote.s32 $0x1  }
0xbe: {  	_ =	sfence.sel $0xFFFF  }
0xbf: {  	[dreg:$0x0] =	wrdreg $0xFFFFFFFF;
	(pc) =	sbr.abs _section_cstart, $3  }
0xc0: {  	[dreg:$0x1] =	wrdreg $0xFFFFFFFF  }
0xc1: {  	_ =	task.clear_ibuf [dreg:s7], $0x2FFFF;
	_ =	strace $0x9FFFFFFF  }
0xc2: {  	(tm) =	ssettm $0x7FFFFFFF  }
0xc3: {  	_ =	shalt  }
tec
execute0_lowered:
.L_overlay_start_1:
0x0: {  	(tag) =	ssettag $0x1  }
0x1: {  	s0 =	rddreg [dreg:$0x0]  }
0x2: {  	s4 =	rddreg [dreg:$0x1]  }
0x3: {  	s1 =	simm.s32 $0x0;
	[dreg:$0x3] =	wrdreg s0  }
0x4: {  	s2 =	srdreg.scid;
	s8 =	simm.s32 $0x80;
	s0 =	rddreg [dreg:$0x2]  }
0x5: {  	s9 =	simm.s32 $0x4;
	s10 =	simm.s32 $0x0;
	[smem:$0x7FF] =	sst s1  }
0x6: {  	s3 =	sadd.s32 $0x1400, s4;
	s5 =	sand.u32 $0x1, s2;
	s4 =	sadd.s32 $0x3400, s4  }
0x7: {  	s2 =	stileid.u32;
	_ =	strace $0x80000047;
	[dreg:$0x5] =	wrdreg s4  }
0x8: {  	s6 =	ssub.s32 $0x2, s5;
	s5 =	sshll.u32 s5, $0x4;
	[dreg:$0x4] =	wrdreg s8  }
0x9: {  	s8 =	simm.s32 $0x5;
	s7 =	sshrl.u32 s6, $0x1;
	s5 =	sor.u32 s2, s5  }
0xa: {  	s6 =	ssub.s32 s6, s7;
	s31 =	sshll.u32 s5, $0x8;
	s4 =	sshll.u32 s5, $0x4  }
0xb: {  	s7 =	simm.s32 $0x1;
	s5 =	sadd.s32 s3, s31;
	s6 =	smax.u32 s6, $0x1  }
.LBB2_1:
0xc: {  	_ =	strace $0x80000048;
	s11 =	simm.s32 $0x1;
	p0 =	por $0x0, $0x0  }
0xd: {  	[tilespmem:s1], [sflag:$0x1] =	stream.linear.gather [hbm4b:s5+s1], $0x80, $0x200038;
	[tilespmem:$0x8100] =	vst v63  }
0xe: {  	s11 =	simm.s32 @p0 $0x0  }
0xf: {  	p4 =	por $0x1, $0x1;
	s20 =	sand.u32 $0x1, s1;
	p1 =	sne.s32 s11, $0x0  }
0x10: {  	p2 =	por $0x1, $0x1;
	s18 =	simm.s32 $0xE;
	p0 =	por !p4, !p1  }
0x11: {  	s16 =	simm.s32 $0x0;
	p5 =	por $0x0, $0x0;
	p0 =	por !p0, !p0  }
0x12: {  	s23 =	sadd.s32 $0x0, s4;
	s30 =	sadd.s32 $0x1, s20;
	s12 =	sadd.s32 @p0 s4, s11  }
0x13: {  	_ =	strace $0x90000048;
	s13 =	sand.u32 @p0 $0x1, s7;
	s12 =	sshll.u32 @p0 s12, $0x4  }
0x14: {  	_ =	strace @p0 $0x80000049;
	s15 =	simm.s32 @p0 $0x0;
	s12 =	sand.u32 @p0 $0x1FFFFFF0, s12  }
0x15: {  	s14 =	sshll.u32 @p0 s13, $0x7;
	s13 =	sadd.s32 @p0 $0x1, s13;
	s12 =	sadd.s32 @p0 s3, s12  }
0x16: {  	[tilespmem:s14], [sflag:s13] =	stream.linear.gather @p0 [hbm4b:s12+s15], $0x80, $0x200038;
	[tilespmem:$0x8100] =	vst v63  }
0x17: {  	p3 =	por p2, p2;
	s21 =	sshll.u32 s20, $0xE;
	_ =	strace @p0 $0x90000049  }
0x18: {  	s16 =	sand.u32 $0x80, s16;
	p2 =	por p5, p5;
	_ =	strace $0x8000004A  }
0x19: {  	s17 =	sadd.s32 $0x1, s11;
	s22 =	sor.u32 $0x100, s21;
	_ =	swait.ge [sflag:s30], $0x80  }
0x1a: {  	s21 =	simm.s32 $0x1;
	p6 =	por p1, p1;
	[sflag:s30] =	ssyncset.done $0x0  }
0x1b: {  	p1 =	por p3, p3;
	p4 =	por $0x1, $0x1;
	[sflag:s30] =	ssyncadd.s32 $0xFFFFFF80  }
0x1c: {  	s12 =	simm.s32 $0xF;
	s15 =	sand.u32 @!p3 $0x1, s1;
	_ =	strace $0x9000004A  }
0x1d: {  	s13 =	simm.s32 $0x1;
	p3 =	seq.s32 s17, $0x10;
	_ =	strace $0x8000004B  }
0x1e: {  	s13 =	simm.s32 @!p0 $0x0;
	s17 =	simm.s32 @p3 $0x0;
	s19 =	rddreg [dreg:$0x4]  }
0x1f: {  	p0 =	por $0x0, $0x0;
	s14 =	sadd.s32 $0x1, s13;
	s31 =	rddreg [dreg:$0x3]  }
0x20: {  	[tilespmem:s22], [sflag:$0x5] =	stream.indirect.gather [hbm4b:s31+s19], $0x80, s16, s19, $0x2000b8;
	[tilespmem:$0x8100] =	vst v63  }
0x21: {  	p3 =	sne.s32 s11, s17;
	s21 =	simm.s32 @!p0 $0x0;
	_ =	swait.ge [sflag:s8], $0x4000  }
0x22: {  	p5 =	por !p4, !p3;
	p4 =	por $0x0, $0x0;
	[sflag:s8] =	ssyncset.done $0x0  }
0x23: {  	s13 =	simm.s32 $0x0;
	p6 =	por p4, p6;
	[sflag:s8] =	ssyncadd.s32 $0xFFFFC000  }
0x24: {  	s16 =	simm.s32 $0x0;
	s19 =	simm.s32 $0x0;
	_ =	strace $0x9000004B  }
.LBB2_2:
0x25: {  	_ =	strace @p6 $0x8000004C;
	s13 =	sadd.s32 s21, s13;
	s21 =	smov.u32 s12  }
0x26: {  	s12 =	smov.u32 s18;
	s18 =	sadd.s32 $0xFFFFFFFF, s18;
	p0 =	por p3, p3  }
0x27: {  	s28 =	sshll.u32 @p6 s23, $0xB;
	s20 =	sadd.s32 @p6 $0x3, s20;
	s24 =	simm.s32 @!p0 $0x0  }
0x28: {  	s25 =	rddreg [dreg:$0x5];
	s28 =	sand.u32 @p6 $0x1FFFF800, s28;
	s24 =	simm.s32 @p0 $0x1  }
0x29: {  	s25 =	sadd.s32 @p6 s25, s28;
	s28 =	simm.s32 @p6 $0x0;
	p0 =	sne.s32 s18, $0x0  }
0x2a: {  	[hbm4b:s25+s28] =	stream.linear.scatter @p6 [tilespmem:s22], [sflag:s20], $0x4000, $0x200038;
	[tilespmem:$0x8100] =	vst v63  }
0x2b: {  	s20 =	sadd.s32 @!p1 $0x3, s15;
	s15 =	simm.s32 @!p0 $0x0  }
0x2c: {  	s26 =	simm.s32 $0x1;
	[smem:$0x7FC] =	sst s24;
	s15 =	simm.s32 @p0 $0x1  }
0x2d: {  	s26 =	simm.s32 @!p6 $0x0;
	_ =	strace @p6 $0x9000004C;
	[smem:$0x7FD] =	sst s15  }
0x2e: {  	p5 =	por !p5, !p5;
	s19 =	sadd.s32 s26, s19;
	_ =	strace @!p1 $0x8000004D  }
0x2f: {  	s24 =	sand.u32 @!p2 $0x1, s13;
	s22 =	sand.u32 @p5 $0x1, s14;
	_ =	swait.ge @!p1 [sflag:s20], $0x4000  }
0x30: {  	s15 =	smov.u32 s24;
	s24 =	sadd.s32 @p5 s4, s17;
	[sflag:s20] =	ssyncset.done @!p1 $0x0  }
0x31: {  	s25 =	sshll.u32 @p5 s22, $0x7;
	s24 =	sshll.u32 @p5 s24, $0x4;
	[sflag:s20] =	ssyncadd.s32 @!p1 $0xFFFFC000  }
0x32: {  	s20 =	sadd.s32 @p5 $0x1, s22;
	s22 =	sand.u32 @p5 $0x1FFFFFF0, s24;
	_ =	strace @!p1 $0x9000004D  }
0x33: {  	s24 =	simm.s32 @p5 $0x0;
	s22 =	sadd.s32 @p5 s3, s22;
	_ =	strace @p5 $0x80000049  }
0x34: {  	[tilespmem:s25], [sflag:s20] =	stream.linear.gather @p5 [hbm4b:s22+s24], $0x80, $0x200038;
	[tilespmem:$0x8100] =	vst v63  }
0x35: {  	s16 =	sadd.s32 s26, s16;
	s26 =	sand.u32 $0x1, s19;
	_ =	strace @p5 $0x90000049  }
0x36: {  	s24 =	sadd.s32 $0x1, s26;
	_ =	strace $0x8000004A  }
0x37: {  	_ =	swait.ge [sflag:s24], $0x80  }
0x38: {  	[sflag:s24] =	ssyncset.done $0x0  }
0x39: {  	s20 =	simm.s32 $0x1;
	[sflag:s24] =	ssyncadd.s32 $0xFFFFFF80  }
0x3a: {  	s20 =	simm.s32 @!p5 $0x0;
	_ =	strace $0x9000004A  }
0x3b: {  	s14 =	sadd.s32 s20, s14;
	s20 =	sand.u32 $0x1, s16;
	_ =	strace $0x8000004B  }
0x3c: {  	s29 =	sshll.u32 s19, $0x7;
	s25 =	sshll.u32 s20, $0xE;
	s26 =	rddreg [dreg:$0x4]  }
0x3d: {  	s29 =	sand.u32 $0x80, s29;
	s22 =	sor.u32 $0x100, s25;
	s30 =	rddreg [dreg:$0x3]  }
0x3e: {  	[tilespmem:s22], [sflag:$0x5] =	stream.indirect.gather [hbm4b:s30+s26], $0x80, s29, s26, $0x2000b8;
	[tilespmem:$0x8100] =	vst v63  }
0x3f: {  	_ =	swait.ge [sflag:s8], $0x4000  }
0x40: {  	s31 =	sadd.s32 $0x1, s17;
	[sflag:s8] =	ssyncset.done $0x0  }
0x41: {  	s23 =	sadd.s32 s4, s11;
	s11 =	smov.u32 s17;
	[sflag:s8] =	ssyncadd.s32 $0xFFFFC000  }
0x42: {  	p3 =	seq.s32 s31, $0x10;
	s17 =	smov.u32 s31;
	_ =	strace $0x9000004B  }
0x43: {  	s17 =	simm.s32 @p3 $0x0;
	s31 =	sld [smem:$0x7FD]  }
0x44: {  	p6 =	sne.s32 s12, $0x1;
	p0 =	sne.s32 s21, $0x10;
	p3 =	sne.s32 s11, s17  }
0x45: {  	p5 =	por !p6, !p3;
	p6 =	seq.s32 s21, $0x1;
	s21 =	simm.s32 $0x1  }
0x46: {  	s21 =	simm.s32 @!p0 $0x0;
	p0 =	seq.s32 s31, $0x1  }
.Ltmp0:
0x47: {  	s30 =	sld [smem:$0x7FC];
	(pc) =	sbr.rel @p0 .LBB2_2-.Ltmp0, $4  }
0x48: {  	_ = 	snop  }
0x49: {  	p4 =	seq.s32 s12, $0x10  }
0x4a: {  	p1 =	por p2, p2;
	p2 =	por p4, p4;
	p4 =	seq.s32 s30, $0x1  }
0x4b: {  	p6 =	por p6, p4  }
0x4c: {  	_ =	strace @p6 $0x8000004C;
	s23 =	sshll.u32 @p6 s23, $0xB  }
0x4d: {  	s18 =	rddreg [dreg:$0x5];
	s23 =	sand.u32 @p6 $0x1FFFF800, s23  }
0x4e: {  	s20 =	sadd.s32 @p6 $0x3, s20;
	s18 =	sadd.s32 @p6 s18, s23;
	s23 =	simm.s32 @p6 $0x0  }
0x4f: {  	[hbm4b:s18+s23] =	stream.linear.scatter @p6 [tilespmem:s22], [sflag:s20], $0x4000, $0x200038;
	[tilespmem:$0x8100] =	vst v63  }
0x50: {  	p0 =	por !p5, !p5;
	_ =	strace @p6 $0x9000004C  }
0x51: {  	s15 =	sadd.s32 @!p1 $0x3, s15;
	s17 =	sadd.s32 @p0 s4, s17;
	_ =	strace @!p1 $0x8000004D  }
0x52: {  	s14 =	sand.u32 @p0 $0x1, s14;
	s17 =	sshll.u32 @p0 s17, $0x4;
	_ =	swait.ge @!p1 [sflag:s15], $0x4000  }
0x53: {  	s18 =	simm.s32 $0x1;
	s20 =	sshll.u32 @p0 s14, $0x7;
	[sflag:s15] =	ssyncset.done @!p1 $0x0  }
0x54: {  	s14 =	sadd.s32 @p0 $0x1, s14;
	s18 =	simm.s32 @!p6 $0x0;
	[sflag:s15] =	ssyncadd.s32 @!p1 $0xFFFFC000  }
0x55: {  	s19 =	sadd.s32 s18, s19;
	s15 =	sand.u32 @p0 $0x1FFFFFF0, s17;
	_ =	strace @!p1 $0x9000004D  }
0x56: {  	s17 =	simm.s32 @p0 $0x0;
	s15 =	sadd.s32 @p0 s3, s15;
	_ =	strace @p0 $0x80000049  }
0x57: {  	[tilespmem:s20], [sflag:s14] =	stream.linear.gather @p0 [hbm4b:s15+s17], $0x80, $0x200038;
	[tilespmem:$0x8100] =	vst v63  }
0x58: {  	s25 =	sand.u32 $0x1, s19;
	_ =	strace @p0 $0x90000049  }
0x59: {  	s14 =	sadd.s32 $0x1, s25;
	_ =	strace $0x8000004A  }
0x5a: {  	_ =	swait.ge [sflag:s14], $0x80  }
0x5b: {  	[sflag:s14] =	ssyncset.done $0x0  }
0x5c: {  	[sflag:s14] =	ssyncadd.s32 $0xFFFFFF80  }
0x5d: {  	s26 =	sadd.s32 s18, s16;
	_ =	strace $0x9000004A  }
0x5e: {  	s14 =	sand.u32 $0x1, s26;
	_ =	strace $0x8000004B  }
0x5f: {  	s30 =	sshll.u32 s19, $0x7;
	s31 =	sshll.u32 s14, $0xE;
	s28 =	rddreg [dreg:$0x4]  }
0x60: {  	s17 =	sand.u32 $0x80, s30;
	s18 =	sor.u32 $0x100, s31;
	s29 =	rddreg [dreg:$0x3]  }
0x61: {  	[tilespmem:s18], [sflag:$0x5] =	stream.indirect.gather [hbm4b:s29+s28], $0x80, s17, s28, $0x2000b8;
	[tilespmem:$0x8100] =	vst v63  }
0x62: {  	_ =	swait.ge [sflag:s8], $0x4000  }
0x63: {  	[sflag:s8] =	ssyncset.done $0x0  }
0x64: {  	p5 =	por p3, p3;
	p6 =	seq.s32 s12, $0x1;
	[sflag:s8] =	ssyncadd.s32 $0xFFFFC000  }
0x65: {  	s11 =	sadd.s32 s4, s11;
	p0 =	por p6, p5;
	_ =	strace $0x9000004B  }
0x66: {  	s11 =	sshll.u32 @p0 s11, $0xB;
	_ =	strace @p0 $0x8000004C  }
0x67: {  	s13 =	sadd.s32 s21, s13;
	s11 =	sand.u32 @p0 $0x1FFFF800, s11;
	s12 =	rddreg [dreg:$0x5]  }
0x68: {  	s14 =	sadd.s32 @p0 $0x3, s14;
	s11 =	sadd.s32 @p0 s12, s11;
	s12 =	simm.s32 @p0 $0x0  }
0x69: {  	[hbm4b:s11+s12] =	stream.linear.scatter @p0 [tilespmem:s18], [sflag:s14], $0x4000, $0x200038;
	[tilespmem:$0x8100] =	vst v63  }
0x6a: {  	p1 =	por p2, p2;
	s11 =	sand.u32 @!p2 $0x1, s13;
	_ =	strace @p0 $0x9000004C  }
0x6b: {  	s11 =	sadd.s32 @!p1 $0x3, s11;
	_ =	strace @!p1 $0x8000004D  }
0x6c: {  	_ =	swait.ge @!p1 [sflag:s11], $0x4000  }
0x6d: {  	[sflag:s11] =	ssyncset.done @!p1 $0x0  }
0x6e: {  	s10 =	sadd.s32 $0x1, s10;
	[sflag:s11] =	ssyncadd.s32 @!p1 $0xFFFFC000  }
0x6f: {  	p0 =	sne.s32 s10, s6;
	_ =	strace @!p1 $0x9000004D  }
.Ltmp1:
0x70: {  	_ =	strace $0x8000004E;
	(pc) =	sbr.rel @p0 .LBB2_1-.Ltmp1, $4  }
0x71: {  	_ =	swait.ge [sflag:s9], $0x4000  }
0x72: {  	[sflag:s9] =	ssyncset.done $0x0  }
0x73: {  	[sflag:s9] =	ssyncadd.s32 $0xFFFFC000  }
0x74: {  	_ =	strace $0x9000004E  }
0x75: {  	_ =	sfence.sel $0x180000  }
0x76: {  	[bflag:$0x0] =	sbarrier.arrive $0xFFFF  }
0x77: {  	p0 =	sne.s32 s2, $0x0;
	_ =	strace $0x90000047  }
0x78: {  	s0 =	sadd.s32 @!p0 $0x100000, s0;
	[bflag:$0x2] =	sbarrier.arrive $0xFFFF  }
0x79: {  	[sflag:s0] =	ssyncadd.tile.s32 @!p0 $0x1;
	_ =	shalt  }
.Lfunc_end2:
_tile_overlayer_lowered:
.L_overlay_start_2:
0x7a: {  	(tag) =	ssettag $0x2  }
0x7b: {  	s0 =	rddreg [dreg:$0x0];
	s2 =	stileid.u32  }
0x7c: {  	s1 =	rddreg [dreg:$0x1];
	p0 =	sne.s32 s2, $0x0  }
0x7d: {  	s3 =	rddreg [dreg:$0x2];
	[bflag:$0x3] =	sbarrier.arrive $0xFFFF;
	s2 =	simm.s32 @!p0 $0x1C01  }
0x7e: {  	[timem:s3], [sflag:s2] =	dma.local @!p0 [hbm:s0], s1  }
0x7f: {  	s0 =	simm.s32 @!p0 $0x1  }
0x80: {  	_ =	swait.ge @!p0 [sflag:s0], s1  }
0x81: {  	s1 =	ssub.s32 @!p0 $0x0, s1;
	[sflag:s0] =	ssyncset.done @!p0 $0x0  }
0x82: {  	[sflag:s0] =	ssyncadd.s32 @!p0 s1  }
0x83: {  	[bflag:$0x3] =	sbarrier.arrive $0xFFFF  }
0x84: {  	_ =	shalt  }

</sc_bundles>
